<compile_context>
chip_gen: v7x
topology: tpu7x:2x2x1
jax: 0.10.2.dev20260603
libtpu: 0.0.44.dev20260713+nightly
codegen_flags: <defaults>
</compile_context>

<pallas_src>
import functools

import jax
import jax.numpy as jnp
from jax import lax
from jax.experimental import pallas as pl
from jax.experimental.pallas import tpu as pltpu
from jax.experimental.pallas import tpu_sc as plsc

_HEADS = 4
_D = 32
_F = 64
_ACC_W = 80


def _tc_project(feat, W, n):
    nb = 2000
    k = feat.shape[1]

    def body(f_ref, w_ref, o_ref):
        o_ref[...] = jnp.dot(f_ref[...], w_ref[...],
                             preferred_element_type=jnp.float32
                             ).astype(jnp.bfloat16)

    return pl.pallas_call(
        body,
        grid=(n // nb,),
        in_specs=[
            pl.BlockSpec((nb, k), lambda i: (i, 0)),
            pl.BlockSpec((k, 2 * _F), lambda i: (0, 0)),
        ],
        out_specs=pl.BlockSpec((nb, 2 * _F), lambda i: (i, 0)),
        out_shape=jax.ShapeDtypeStruct((n, 2 * _F), jnp.bfloat16),
    )(feat, W)


def _sc_gat(h2, src, dst, n, e):
    num_tiles = 16
    per_tile_e = e // num_tiles
    C = 80
    nc = per_tile_e // C
    rows_per_tile = n // num_tiles
    RB = 125
    row_blocks = rows_per_tile // RB
    inv_sqrt_d = float(1.0 / (_D ** 0.5))
    CB = C * _F
    SB = C * _ACC_W

    mesh = plsc.VectorSubcoreMesh(core_axis_name="c", subcore_axis_name="s")

    @functools.partial(
        pl.kernel,
        out_type=jax.ShapeDtypeStruct((2 * n, _ACC_W), jnp.float32),
        mesh=mesh,
        compiler_params=pltpu.CompilerParams(use_tc_tiling_on_sc=False,
                                             needs_layout_passes=False),
        scratch_types=[
            pltpu.VMEM((4, C), jnp.int32),
            pltpu.VMEM((8, C), jnp.int32),
            pltpu.VMEM((4, C), jnp.int32),
            pltpu.VMEM((3 * C, _F // 2), jnp.int32),
            pltpu.VMEM((3 * C, _F // 2), jnp.int32),
            pltpu.VMEM((3 * C, _ACC_W), jnp.float32),
            pltpu.VMEM((RB, _ACC_W), jnp.float32),
            pltpu.VMEM_SHARED((n, _ACC_W), jnp.float32),
            pltpu.SemaphoreType.DMA,
            pltpu.SemaphoreType.DMA,
            pltpu.SemaphoreType.DMA,
        ],
    )
    def k(h_hbm, src_hbm, dst_hbm, out_hbm,
          sidx, didx, gdidx, srows, drows, scaled, zbuf, acc,
          isem, gsem, ssem):
        cid = lax.axis_index("c")
        sid = lax.axis_index("s")
        zero16 = jnp.zeros((16,), jnp.float32)
        tbase = cid * n
        lane64 = lax.iota(jnp.int32, 16) * _F
        lane80 = lax.iota(jnp.int32, 16) * _ACC_W

        @pl.loop(0, RB)
        def _(r):
            for j in range(_ACC_W // 16):
                zbuf[r, pl.ds(16 * j, 16)] = zero16

        row0 = sid * rows_per_tile
        for b in range(row_blocks):
            pltpu.sync_copy(zbuf, acc.at[pl.ds(row0 + b * RB, RB)])

        @pl.loop(0, 3 * C)
        def _(ei):
            scaled[ei, pl.ds(_F, 16)] = zero16

        plsc.subcore_barrier()

        def fire_idx(kk):
            b = sid * per_tile_e + kk * C
            pltpu.async_copy(src_hbm.at[pl.ds(b, C)],
                             sidx.at[lax.rem(kk, 4)], isem)
            pltpu.async_copy(dst_hbm.at[pl.ds(b, C)],
                             didx.at[lax.rem(kk, 8)], isem)

        def wait_idx():
            pltpu.make_async_copy(src_hbm.at[pl.ds(0, C)], sidx.at[0],
                                  isem).wait()
            pltpu.make_async_copy(dst_hbm.at[pl.ds(0, C)], didx.at[0],
                                  isem).wait()

        def prep_fire_gathers(kk):
            x = lax.rem(kk, 4)
            x3 = lax.rem(kk, 3)
            m8 = lax.rem(kk, 8)

            @pl.loop(0, C, step=16)
            def _(i):
                sidx[x, pl.ds(i, 16)] = sidx[x, pl.ds(i, 16)] + tbase
                gdidx[x, pl.ds(i, 16)] = didx[m8, pl.ds(i, 16)] + tbase

            pltpu.async_copy(h_hbm.at[sidx.at[x]],
                             srows.at[pl.ds(x3 * C, C)], gsem)
            pltpu.async_copy(h_hbm.at[gdidx.at[x]],
                             drows.at[pl.ds(x3 * C, C)], gsem)

        def wait_gathers():
            pltpu.make_async_copy(h_hbm.at[sidx.at[0]],
                                  srows.at[pl.ds(0, C)], gsem).wait()
            pltpu.make_async_copy(h_hbm.at[gdidx.at[0]],
                                  drows.at[pl.ds(0, C)], gsem).wait()

        def fire_scatter(kk):
            m3 = lax.rem(kk, 3)
            m8 = lax.rem(kk, 8)
            pltpu.async_copy(scaled.at[pl.ds(m3 * C, C)],
                             acc.at[didx.at[m8]], ssem, add=True)

        def wait_scatter():
            pltpu.make_async_copy(scaled.at[pl.ds(0, C)],
                                  acc.at[didx.at[0]], ssem).wait()

        def compute(kk):
            x = lax.rem(kk, 3)
            m3 = lax.rem(kk, 3)

            @pl.loop(0, C, step=16)
            def _(eb):
                lane = lax.iota(jnp.int32, 16)
                rowv = lane + (x * C + eb)
                srowv = lane + (m3 * C + eb)

                def head(hd):
                    accs = [zero16, zero16, zero16, zero16]
                    sval_a = []
                    sval_b = []
                    wcs = []
                    for j in range(_D // 2):
                        wc = ((lane + j) & (_D // 2 - 1)) + hd * (_D // 2)
                        pv = plsc.load_gather(srows, [rowv, wc])
                        qv = plsc.load_gather(drows, [rowv, wc])
                        sa, sb = plsc.unpack(
                            plsc.bitcast(pv, jnp.bfloat16),
                            format=plsc.PackFormat.INTERLEAVED)
                        da, db = plsc.unpack(
                            plsc.bitcast(qv, jnp.bfloat16),
                            format=plsc.PackFormat.INTERLEAVED)
                        sval_a.append(sa)
                        sval_b.append(sb)
                        wcs.append(wc)
                        accs[j % 4] = accs[j % 4] + sa * da
                        accs[(j + 2) % 4] = accs[(j + 2) % 4] + sb * db
                    ev = (accs[0] + accs[1]) + (accs[2] + accs[3])
                    w = jnp.exp(ev * inv_sqrt_d)
                    for j in range(_D // 2):
                        plsc.store_scatter(scaled, [srowv, wcs[j]],
                                           sval_a[j] * w)
                        plsc.store_scatter(scaled, [srowv, wcs[j] + _D],
                                           sval_b[j] * w)
                    return w

                w0 = head(0)
                w1 = head(1)
                plsc.store_scatter(scaled, [srowv, jnp.full((16,), _F, jnp.int32)], w0)
                plsc.store_scatter(scaled, [srowv, jnp.full((16,), _F + 1, jnp.int32)], w1)

        fire_idx(0)
        fire_idx(1)
        fire_idx(2)
        wait_idx()
        prep_fire_gathers(0)
        wait_idx()
        prep_fire_gathers(1)

        @pl.loop(0, nc)
        def _(kk):
            @pl.when(kk >= 1)
            def _():
                fire_scatter(kk - 1)

            @pl.when(kk >= 2)
            def _():
                wait_scatter()

            @pl.when(kk + 3 < nc)
            def _():
                fire_idx(kk + 3)

            @pl.when(kk + 2 < nc)
            def _():
                wait_idx()
                prep_fire_gathers(kk + 2)

            wait_gathers()

            compute(kk)

        fire_scatter(nc - 1)
        wait_scatter()
        wait_scatter()

        plsc.subcore_barrier()

        pltpu.sync_copy(acc.at[pl.ds(row0, rows_per_tile)],
                        out_hbm.at[pl.ds(tbase + row0, rows_per_tile)])

    return k(h2, src, dst)


def _tc_normalize(acc2, n):
    nb = 2000

    def body(a_ref, o_ref):
        a = a_ref[...]
        d0 = a[:, _F:_F + 1] + 1e-9
        d1 = a[:, _F + 1:_F + 2] + 1e-9
        o_ref[...] = jnp.concatenate(
            [a[:, 0:16] / d0, a[:, 16:32] / d1,
             a[:, 32:48] / d0, a[:, 48:_F] / d1], axis=1)

    return pl.pallas_call(
        body,
        grid=(2 * n // nb,),
        in_specs=[pl.BlockSpec((nb, _ACC_W), lambda i: (i, 0))],
        out_specs=pl.BlockSpec((nb, _F), lambda i: (i, 0)),
        out_shape=jax.ShapeDtypeStruct((2 * n, _F), jnp.float32),
    )(acc2)


def kernel(feat, edge_index, W):
    n = feat.shape[0]
    e = edge_index.shape[1]
    h = _tc_project(feat, W, n)
    h2 = h.reshape(n, 2, _F).transpose(1, 0, 2).reshape(2 * n, _F)
    h2i = jax.lax.bitcast_convert_type(h2.reshape(2 * n, _F // 2, 2),
                                       jnp.int32)
    acc2 = _sc_gat(h2i, edge_index[0], edge_index[1], n, e)
    out2 = _tc_normalize(acc2, n)
    out2 = out2.reshape(2 * n, 2, _F // 2).transpose(0, 2, 1).reshape(2 * n, _F)
    return out2.reshape(2, n, 2, _D).transpose(1, 0, 2, 3).reshape(n, _HEADS, _D)

# --- scband reference (transcript-rebuilt; emitter-appended) ---
"""Pipeline reference for scband-dotgatconv-dgl-39032662786145 (READ-ONLY COPY).

The authoritative reference and input builder live on the scoring server;
editing this copy changes nothing except your own understanding.
"""

import jax, jax.numpy as jnp
import numpy as np

N = 10000
E = 320000
IN_SIZE = 128
OUT_SIZE = 32
NUM_HEADS = 4


def setup_inputs(seed: int = 0) -> dict:
    key = jax.random.key(seed)
    k1, k2, k3 = jax.random.split(key, 3)
    feat = jax.random.normal(k1, (N, IN_SIZE), dtype=jnp.float32)
    edge_index = jax.random.randint(k2, (2, E), 0, N, dtype=jnp.int32)
    # Learned parameter: fc weight of DGL DotGatConv (Linear(in_size, out_size*num_heads, bias=False))
    W = jax.random.normal(k3, (IN_SIZE, NUM_HEADS * OUT_SIZE), dtype=jnp.float32) * (1.0 / np.sqrt(IN_SIZE))
    return {"feat": feat, "edge_index": edge_index, "W": W}


def reference(feat, edge_index, W):
    # Faithful jax translation of DGL DotGatConv forward (no fusion):
    # h = fc(feat).view(N, num_heads, out_size)
    h = (feat @ W).reshape(N, NUM_HEADS, OUT_SIZE)
    src = edge_index[0]
    dst = edge_index[1]
    h_src = h[src]  # [E, H, D] gather
    h_dst = h[dst]  # [E, H, D] gather
    # e = (ft_src . ft_dst) / sqrt(out_size) per edge, per head
    e = jnp.sum(h_src * h_dst, axis=-1) / jnp.float32(np.sqrt(OUT_SIZE))  # [E, H]
    # edge_softmax over incoming edges of each dst node (numerically stable)
    e_max = jax.ops.segment_max(e, dst, num_segments=N)  # [N, H]
    e_exp = jnp.exp(e - e_max[dst])  # [E, H]
    denom = jax.ops.segment_sum(e_exp, dst, num_segments=N)  # [N, H]
    a = e_exp / (denom[dst] + 1e-9)  # [E, H]
    # weighted aggregation: sum_e a_e * h_src_e at dst
    rst = jax.ops.segment_sum(a[..., None] * h_src, dst, num_segments=N)  # [N, H, D]
    return rst

if __name__ == "__main__":
    import jax
    _d = setup_inputs()
    print(jax.jit(kernel)(*tuple(_d.values())))

</pallas_src>

<mosaic_0001>
#map = affine_map<(d0, d1) -> (0, 0)>
#map1 = affine_map<(d0, d1) -> (0)>
module attributes {stable_mosaic.version = 14 : i64} {
  func.func @k(%arg0: i32, %arg1: i32, %arg2: memref<20000x32xi32, #tpu.memory_space<hbm>>, %arg3: memref<320000xi32, #tpu.memory_space<hbm>>, %arg4: memref<320000xi32, #tpu.memory_space<hbm>>, %arg5: memref<20000x80xf32, #tpu.memory_space<hbm>>, %arg6: memref<4x80xi32, #tpu.memory_space<vmem>>, %arg7: memref<8x80xi32, #tpu.memory_space<vmem>>, %arg8: memref<4x80xi32, #tpu.memory_space<vmem>>, %arg9: memref<240x32xi32, #tpu.memory_space<vmem>>, %arg10: memref<240x32xi32, #tpu.memory_space<vmem>>, %arg11: memref<240x80xf32, #tpu.memory_space<vmem>>, %arg12: memref<125x80xf32, #tpu.memory_space<vmem>>, %arg13: memref<10000x80xf32, #tpu.memory_space<vmem_shared>>, %arg14: memref<!tpu.dma_semaphore, #tpu.memory_space<semaphore_mem>>, %arg15: memref<!tpu.dma_semaphore, #tpu.memory_space<semaphore_mem>>, %arg16: memref<!tpu.dma_semaphore, #tpu.memory_space<semaphore_mem>>) attributes {dimension_semantics = [#tpu.dimension_semantics<core_parallel>, #tpu.dimension_semantics<subcore_parallel>], iteration_bounds = array<i64: 2, 16>, scalar_prefetch = 0 : i64, scratch_operands = 11 : i64, tpu.core_type = #tpu.core_type<sc_vector_subcore>, window_params = [{transform_indices = #map}, {transform_indices = #map1}, {transform_indices = #map1}, {transform_indices = #map}]} {
    %broadcast_in_dim3A = arith.constant 0.000000e+00 : f32
    %broadcast_in_dim3A_0 = vector.broadcast %broadcast_in_dim3A : f32 to vector<16xf32>
    %mul3A = arith.constant 10000 : i32
    %mul3A_1 = arith.muli %arg0, %mul3A : i32
    %iota3A = tpu.iota {dimensions = array<i32: 0>} : vector<16xi32>
    %mul3A_2 = arith.constant 64 : i32
    %mul3A_3 = vector.broadcast %mul3A_2 : i32 to vector<16xi32>
    %mul3A_4 = arith.muli %iota3A, %mul3A_3 : vector<16xi32>
    %iota3A_5 = tpu.iota {dimensions = array<i32: 0>} : vector<16xi32>
    %mul3A_6 = arith.constant 80 : i32
    %mul3A_7 = vector.broadcast %mul3A_6 : i32 to vector<16xi32>
    %mul3A_8 = arith.muli %iota3A_5, %mul3A_7 : vector<16xi32>
    %scan3A = arith.constant 0 : i32
    %scan3A_9 = arith.constant 125 : i32
    %scan3A_10 = arith.addi %scan3A, %scan3A_9 : i32
    %scan3A_11 = arith.constant 1 : i32
    scf.for %scan3A_259 = %scan3A to %scan3A_10 step %scan3A_11  : i32 {
      %mul3A_260 = arith.constant 1 : i32
      %mul3A_261 = arith.muli %scan3A_259, %mul3A_260 : i32
      %add3A_262 = arith.constant 0 : i32
      %add3A_263 = arith.addi %add3A_262, %mul3A_261 : i32
      %swap3A = arith.index_cast %add3A_263 : i32 to index
      %swap3A_264 = arith.constant 0 : index
      %swap3A_265 = tpu.vector_load %arg12[%swap3A, %swap3A_264] {strides = array<i32>} : memref<125x80xf32, #tpu.memory_space<vmem>>, vector<16xf32>,
      tpu.vector_store %arg12[%swap3A, %swap3A_264], %broadcast_in_dim3A_0 {strides = array<i32>} : memref<125x80xf32, #tpu.memory_space<vmem>>, vector<16xf32>,
      %swap3A_266 = arith.index_cast %add3A_263 : i32 to index
      %swap3A_267 = arith.constant 16 : index
      %swap3A_268 = tpu.vector_load %arg12[%swap3A_266, %swap3A_267] {strides = array<i32>} : memref<125x80xf32, #tpu.memory_space<vmem>>, vector<16xf32>,
      tpu.vector_store %arg12[%swap3A_266, %swap3A_267], %broadcast_in_dim3A_0 {strides = array<i32>} : memref<125x80xf32, #tpu.memory_space<vmem>>, vector<16xf32>,
      %swap3A_269 = arith.index_cast %add3A_263 : i32 to index
      %swap3A_270 = arith.constant 32 : index
      %swap3A_271 = tpu.vector_load %arg12[%swap3A_269, %swap3A_270] {strides = array<i32>} : memref<125x80xf32, #tpu.memory_space<vmem>>, vector<16xf32>,
      tpu.vector_store %arg12[%swap3A_269, %swap3A_270], %broadcast_in_dim3A_0 {strides = array<i32>} : memref<125x80xf32, #tpu.memory_space<vmem>>, vector<16xf32>,
      %swap3A_272 = arith.index_cast %add3A_263 : i32 to index
      %swap3A_273 = arith.constant 48 : index
      %swap3A_274 = tpu.vector_load %arg12[%swap3A_272, %swap3A_273] {strides = array<i32>} : memref<125x80xf32, #tpu.memory_space<vmem>>, vector<16xf32>,
      tpu.vector_store %arg12[%swap3A_272, %swap3A_273], %broadcast_in_dim3A_0 {strides = array<i32>} : memref<125x80xf32, #tpu.memory_space<vmem>>, vector<16xf32>,
      %swap3A_275 = arith.index_cast %add3A_263 : i32 to index
      %swap3A_276 = arith.constant 64 : index
      %swap3A_277 = tpu.vector_load %arg12[%swap3A_275, %swap3A_276] {strides = array<i32>} : memref<125x80xf32, #tpu.memory_space<vmem>>, vector<16xf32>,
      tpu.vector_store %arg12[%swap3A_275, %swap3A_276], %broadcast_in_dim3A_0 {strides = array<i32>} : memref<125x80xf32, #tpu.memory_space<vmem>>, vector<16xf32>,
    }
    %scan3A_12 = arith.constant 125 : i32
    %mul3A_13 = arith.constant 625 : i32
    %mul3A_14 = arith.muli %arg1, %mul3A_13 : i32
    %add3A = arith.constant 0 : i32
    %add3A_15 = arith.addi %mul3A_14, %add3A : i32
    "tpu.region"() ({
      %run_scoped3A = tpu.sem_alloc : memref<!tpu.dma_semaphore, #tpu.memory_space<semaphore_mem>>
      %dma_start3A_259 = arith.constant 0 : i32
      %dma_start3A_260 = tpu.memref_slice %arg13[%add3A_15, %dma_start3A_259] : memref<10000x80xf32, #tpu.memory_space<vmem_shared>> -> memref<125x80xf32, #tpu.memory_space<vmem_shared>>
      %dma_start3A_261 = arith.constant 0 : i32
      %dma_start3A_262 = tpu.memref_slice %arg13[%add3A_15, %dma_start3A_261] : memref<10000x80xf32, #tpu.memory_space<vmem_shared>> -> memref<125x80xf32, #tpu.memory_space<vmem_shared>>
      tpu.enqueue_dma source(%arg12 : memref<125x80xf32, #tpu.memory_space<vmem>>) target(%dma_start3A_262 : memref<125x80xf32, #tpu.memory_space<vmem_shared>>) target_semaphore(%run_scoped3A : memref<!tpu.dma_semaphore, #tpu.memory_space<semaphore_mem>>)
      %dma_wait3A_263 = arith.constant 0 : i32
      %dma_wait3A_264 = tpu.memref_slice %arg13[%add3A_15, %dma_wait3A_263] : memref<10000x80xf32, #tpu.memory_space<vmem_shared>> -> memref<125x80xf32, #tpu.memory_space<vmem_shared>>
      %dma_wait3A_265 = arith.constant 0 : i32
      %dma_wait3A_266 = tpu.memref_slice %arg13[%add3A_15, %dma_wait3A_265] : memref<10000x80xf32, #tpu.memory_space<vmem_shared>> -> memref<125x80xf32, #tpu.memory_space<vmem_shared>>
      tpu.wait_dma2 semaphore(%run_scoped3A : memref<!tpu.dma_semaphore, #tpu.memory_space<semaphore_mem>>) src(%arg12 : memref<125x80xf32, #tpu.memory_space<vmem>>) dst(%dma_wait3A_266 : memref<125x80xf32, #tpu.memory_space<vmem_shared>>)
      tpu.yield
    }) : () -> ()
    %add3A_16 = arith.constant 125 : i32
    %add3A_17 = arith.addi %mul3A_14, %add3A_16 : i32
    "tpu.region"() ({
      %run_scoped3A = tpu.sem_alloc : memref<!tpu.dma_semaphore, #tpu.memory_space<semaphore_mem>>
      %dma_start3A_259 = arith.constant 0 : i32
      %dma_start3A_260 = tpu.memref_slice %arg13[%add3A_17, %dma_start3A_259] : memref<10000x80xf32, #tpu.memory_space<vmem_shared>> -> memref<125x80xf32, #tpu.memory_space<vmem_shared>>
      %dma_start3A_261 = arith.constant 0 : i32
      %dma_start3A_262 = tpu.memref_slice %arg13[%add3A_17, %dma_start3A_261] : memref<10000x80xf32, #tpu.memory_space<vmem_shared>> -> memref<125x80xf32, #tpu.memory_space<vmem_shared>>
      tpu.enqueue_dma source(%arg12 : memref<125x80xf32, #tpu.memory_space<vmem>>) target(%dma_start3A_262 : memref<125x80xf32, #tpu.memory_space<vmem_shared>>) target_semaphore(%run_scoped3A : memref<!tpu.dma_semaphore, #tpu.memory_space<semaphore_mem>>)
      %dma_wait3A_263 = arith.constant 0 : i32
      %dma_wait3A_264 = tpu.memref_slice %arg13[%add3A_17, %dma_wait3A_263] : memref<10000x80xf32, #tpu.memory_space<vmem_shared>> -> memref<125x80xf32, #tpu.memory_space<vmem_shared>>
      %dma_wait3A_265 = arith.constant 0 : i32
      %dma_wait3A_266 = tpu.memref_slice %arg13[%add3A_17, %dma_wait3A_265] : memref<10000x80xf32, #tpu.memory_space<vmem_shared>> -> memref<125x80xf32, #tpu.memory_space<vmem_shared>>
      tpu.wait_dma2 semaphore(%run_scoped3A : memref<!tpu.dma_semaphore, #tpu.memory_space<semaphore_mem>>) src(%arg12 : memref<125x80xf32, #tpu.memory_space<vmem>>) dst(%dma_wait3A_266 : memref<125x80xf32, #tpu.memory_space<vmem_shared>>)
      tpu.yield
    }) : () -> ()
    %add3A_18 = arith.constant 250 : i32
    %add3A_19 = arith.addi %mul3A_14, %add3A_18 : i32
    "tpu.region"() ({
      %run_scoped3A = tpu.sem_alloc : memref<!tpu.dma_semaphore, #tpu.memory_space<semaphore_mem>>
      %dma_start3A_259 = arith.constant 0 : i32
      %dma_start3A_260 = tpu.memref_slice %arg13[%add3A_19, %dma_start3A_259] : memref<10000x80xf32, #tpu.memory_space<vmem_shared>> -> memref<125x80xf32, #tpu.memory_space<vmem_shared>>
      %dma_start3A_261 = arith.constant 0 : i32
      %dma_start3A_262 = tpu.memref_slice %arg13[%add3A_19, %dma_start3A_261] : memref<10000x80xf32, #tpu.memory_space<vmem_shared>> -> memref<125x80xf32, #tpu.memory_space<vmem_shared>>
      tpu.enqueue_dma source(%arg12 : memref<125x80xf32, #tpu.memory_space<vmem>>) target(%dma_start3A_262 : memref<125x80xf32, #tpu.memory_space<vmem_shared>>) target_semaphore(%run_scoped3A : memref<!tpu.dma_semaphore, #tpu.memory_space<semaphore_mem>>)
      %dma_wait3A_263 = arith.constant 0 : i32
      %dma_wait3A_264 = tpu.memref_slice %arg13[%add3A_19, %dma_wait3A_263] : memref<10000x80xf32, #tpu.memory_space<vmem_shared>> -> memref<125x80xf32, #tpu.memory_space<vmem_shared>>
      %dma_wait3A_265 = arith.constant 0 : i32
      %dma_wait3A_266 = tpu.memref_slice %arg13[%add3A_19, %dma_wait3A_265] : memref<10000x80xf32, #tpu.memory_space<vmem_shared>> -> memref<125x80xf32, #tpu.memory_space<vmem_shared>>
      tpu.wait_dma2 semaphore(%run_scoped3A : memref<!tpu.dma_semaphore, #tpu.memory_space<semaphore_mem>>) src(%arg12 : memref<125x80xf32, #tpu.memory_space<vmem>>) dst(%dma_wait3A_266 : memref<125x80xf32, #tpu.memory_space<vmem_shared>>)
      tpu.yield
    }) : () -> ()
    %add3A_20 = arith.constant 375 : i32
    %add3A_21 = arith.addi %mul3A_14, %add3A_20 : i32
    "tpu.region"() ({
      %run_scoped3A = tpu.sem_alloc : memref<!tpu.dma_semaphore, #tpu.memory_space<semaphore_mem>>
      %dma_start3A_259 = arith.constant 0 : i32
      %dma_start3A_260 = tpu.memref_slice %arg13[%add3A_21, %dma_start3A_259] : memref<10000x80xf32, #tpu.memory_space<vmem_shared>> -> memref<125x80xf32, #tpu.memory_space<vmem_shared>>
      %dma_start3A_261 = arith.constant 0 : i32
      %dma_start3A_262 = tpu.memref_slice %arg13[%add3A_21, %dma_start3A_261] : memref<10000x80xf32, #tpu.memory_space<vmem_shared>> -> memref<125x80xf32, #tpu.memory_space<vmem_shared>>
      tpu.enqueue_dma source(%arg12 : memref<125x80xf32, #tpu.memory_space<vmem>>) target(%dma_start3A_262 : memref<125x80xf32, #tpu.memory_space<vmem_shared>>) target_semaphore(%run_scoped3A : memref<!tpu.dma_semaphore, #tpu.memory_space<semaphore_mem>>)
      %dma_wait3A_263 = arith.constant 0 : i32
      %dma_wait3A_264 = tpu.memref_slice %arg13[%add3A_21, %dma_wait3A_263] : memref<10000x80xf32, #tpu.memory_space<vmem_shared>> -> memref<125x80xf32, #tpu.memory_space<vmem_shared>>
      %dma_wait3A_265 = arith.constant 0 : i32
      %dma_wait3A_266 = tpu.memref_slice %arg13[%add3A_21, %dma_wait3A_265] : memref<10000x80xf32, #tpu.memory_space<vmem_shared>> -> memref<125x80xf32, #tpu.memory_space<vmem_shared>>
      tpu.wait_dma2 semaphore(%run_scoped3A : memref<!tpu.dma_semaphore, #tpu.memory_space<semaphore_mem>>) src(%arg12 : memref<125x80xf32, #tpu.memory_space<vmem>>) dst(%dma_wait3A_266 : memref<125x80xf32, #tpu.memory_space<vmem_shared>>)
      tpu.yield
    }) : () -> ()
    %add3A_22 = arith.constant 500 : i32
    %add3A_23 = arith.addi %mul3A_14, %add3A_22 : i32
    "tpu.region"() ({
      %run_scoped3A = tpu.sem_alloc : memref<!tpu.dma_semaphore, #tpu.memory_space<semaphore_mem>>
      %dma_start3A_259 = arith.constant 0 : i32
      %dma_start3A_260 = tpu.memref_slice %arg13[%add3A_23, %dma_start3A_259] : memref<10000x80xf32, #tpu.memory_space<vmem_shared>> -> memref<125x80xf32, #tpu.memory_space<vmem_shared>>
      %dma_start3A_261 = arith.constant 0 : i32
      %dma_start3A_262 = tpu.memref_slice %arg13[%add3A_23, %dma_start3A_261] : memref<10000x80xf32, #tpu.memory_space<vmem_shared>> -> memref<125x80xf32, #tpu.memory_space<vmem_shared>>
      tpu.enqueue_dma source(%arg12 : memref<125x80xf32, #tpu.memory_space<vmem>>) target(%dma_start3A_262 : memref<125x80xf32, #tpu.memory_space<vmem_shared>>) target_semaphore(%run_scoped3A : memref<!tpu.dma_semaphore, #tpu.memory_space<semaphore_mem>>)
      %dma_wait3A_263 = arith.constant 0 : i32
      %dma_wait3A_264 = tpu.memref_slice %arg13[%add3A_23, %dma_wait3A_263] : memref<10000x80xf32, #tpu.memory_space<vmem_shared>> -> memref<125x80xf32, #tpu.memory_space<vmem_shared>>
      %dma_wait3A_265 = arith.constant 0 : i32
      %dma_wait3A_266 = tpu.memref_slice %arg13[%add3A_23, %dma_wait3A_265] : memref<10000x80xf32, #tpu.memory_space<vmem_shared>> -> memref<125x80xf32, #tpu.memory_space<vmem_shared>>
      tpu.wait_dma2 semaphore(%run_scoped3A : memref<!tpu.dma_semaphore, #tpu.memory_space<semaphore_mem>>) src(%arg12 : memref<125x80xf32, #tpu.memory_space<vmem>>) dst(%dma_wait3A_266 : memref<125x80xf32, #tpu.memory_space<vmem_shared>>)
      tpu.yield
    }) : () -> ()
    %scan3A_24 = arith.constant 0 : i32
    %scan3A_25 = arith.constant 240 : i32
    %scan3A_26 = arith.addi %scan3A_24, %scan3A_25 : i32
    %scan3A_27 = arith.constant 1 : i32
    scf.for %scan3A_259 = %scan3A_24 to %scan3A_26 step %scan3A_27  : i32 {
      %mul3A_260 = arith.constant 1 : i32
      %mul3A_261 = arith.muli %scan3A_259, %mul3A_260 : i32
      %add3A_262 = arith.constant 0 : i32
      %add3A_263 = arith.addi %add3A_262, %mul3A_261 : i32
      %swap3A = arith.index_cast %add3A_263 : i32 to index
      %swap3A_264 = arith.constant 64 : index
      %swap3A_265 = tpu.vector_load %arg11[%swap3A, %swap3A_264] {strides = array<i32>} : memref<240x80xf32, #tpu.memory_space<vmem>>, vector<16xf32>,
      tpu.vector_store %arg11[%swap3A, %swap3A_264], %broadcast_in_dim3A_0 {strides = array<i32>} : memref<240x80xf32, #tpu.memory_space<vmem>>, vector<16xf32>,
    }
    %scan3A_28 = arith.constant 240 : i32
    %barrier3A = arith.constant 0 : index
    tpu.barrier barrier_id(%barrier3A)
    %mul3A_29 = arith.constant 20000 : i32
    %mul3A_30 = arith.muli %arg1, %mul3A_29 : i32
    %add3A_31 = arith.constant 0 : i32
    %add3A_32 = arith.addi %mul3A_30, %add3A_31 : i32
    %rem3A = arith.constant 0 : i32
    %rem3A_33 = arith.constant 4 : i32
    %rem3A_34 = arith.remsi %rem3A, %rem3A_33 : i32
    %dma_start3A = arith.constant 0 : i32
    %dma_start3A_35 = tpu.memref_slice %arg6[%rem3A_34, %dma_start3A] : memref<4x80xi32, #tpu.memory_space<vmem>> -> memref<1x80xi32, #tpu.memory_space<vmem>>
    %dma_start3A_36 = tpu.memref_squeeze %dma_start3A_35 : memref<1x80xi32, #tpu.memory_space<vmem>> -> memref<80xi32, #tpu.memory_space<vmem>>
    %dma_start3A_37 = tpu.memref_slice %arg3[%add3A_32] : memref<320000xi32, #tpu.memory_space<hbm>> -> memref<80xi32, #tpu.memory_space<hbm>>
    %dma_start3A_38 = arith.constant 0 : i32
    %dma_start3A_39 = tpu.memref_slice %arg6[%rem3A_34, %dma_start3A_38] : memref<4x80xi32, #tpu.memory_space<vmem>> -> memref<1x80xi32, #tpu.memory_space<vmem>>
    %dma_start3A_40 = tpu.memref_squeeze %dma_start3A_39 : memref<1x80xi32, #tpu.memory_space<vmem>> -> memref<80xi32, #tpu.memory_space<vmem>>
    %dma_start3A_41 = tpu.memref_slice %arg3[%add3A_32] : memref<320000xi32, #tpu.memory_space<hbm>> -> memref<80xi32, #tpu.memory_space<hbm>>
    tpu.enqueue_dma source(%dma_start3A_41 : memref<80xi32, #tpu.memory_space<hbm>>) target(%dma_start3A_40 : memref<80xi32, #tpu.memory_space<vmem>>) target_semaphore(%arg14 : memref<!tpu.dma_semaphore, #tpu.memory_space<semaphore_mem>>)
    %rem3A_42 = arith.constant 0 : i32
    %rem3A_43 = arith.constant 8 : i32
    %rem3A_44 = arith.remsi %rem3A_42, %rem3A_43 : i32
    %dma_start3A_45 = arith.constant 0 : i32
    %dma_start3A_46 = tpu.memref_slice %arg7[%rem3A_44, %dma_start3A_45] : memref<8x80xi32, #tpu.memory_space<vmem>> -> memref<1x80xi32, #tpu.memory_space<vmem>>
    %dma_start3A_47 = tpu.memref_squeeze %dma_start3A_46 : memref<1x80xi32, #tpu.memory_space<vmem>> -> memref<80xi32, #tpu.memory_space<vmem>>
    %dma_start3A_48 = tpu.memref_slice %arg4[%add3A_32] : memref<320000xi32, #tpu.memory_space<hbm>> -> memref<80xi32, #tpu.memory_space<hbm>>
    %dma_start3A_49 = arith.constant 0 : i32
    %dma_start3A_50 = tpu.memref_slice %arg7[%rem3A_44, %dma_start3A_49] : memref<8x80xi32, #tpu.memory_space<vmem>> -> memref<1x80xi32, #tpu.memory_space<vmem>>
    %dma_start3A_51 = tpu.memref_squeeze %dma_start3A_50 : memref<1x80xi32, #tpu.memory_space<vmem>> -> memref<80xi32, #tpu.memory_space<vmem>>
    %dma_start3A_52 = tpu.memref_slice %arg4[%add3A_32] : memref<320000xi32, #tpu.memory_space<hbm>> -> memref<80xi32, #tpu.memory_space<hbm>>
    tpu.enqueue_dma source(%dma_start3A_52 : memref<80xi32, #tpu.memory_space<hbm>>) target(%dma_start3A_51 : memref<80xi32, #tpu.memory_space<vmem>>) target_semaphore(%arg14 : memref<!tpu.dma_semaphore, #tpu.memory_space<semaphore_mem>>)
    %mul3A_53 = arith.constant 20000 : i32
    %mul3A_54 = arith.muli %arg1, %mul3A_53 : i32
    %add3A_55 = arith.constant 80 : i32
    %add3A_56 = arith.addi %mul3A_54, %add3A_55 : i32
    %rem3A_57 = arith.constant 1 : i32
    %rem3A_58 = arith.constant 4 : i32
    %rem3A_59 = arith.remsi %rem3A_57, %rem3A_58 : i32
    %dma_start3A_60 = arith.constant 0 : i32
    %dma_start3A_61 = tpu.memref_slice %arg6[%rem3A_59, %dma_start3A_60] : memref<4x80xi32, #tpu.memory_space<vmem>> -> memref<1x80xi32, #tpu.memory_space<vmem>>
    %dma_start3A_62 = tpu.memref_squeeze %dma_start3A_61 : memref<1x80xi32, #tpu.memory_space<vmem>> -> memref<80xi32, #tpu.memory_space<vmem>>
    %dma_start3A_63 = tpu.memref_slice %arg3[%add3A_56] : memref<320000xi32, #tpu.memory_space<hbm>> -> memref<80xi32, #tpu.memory_space<hbm>>
    %dma_start3A_64 = arith.constant 0 : i32
    %dma_start3A_65 = tpu.memref_slice %arg6[%rem3A_59, %dma_start3A_64] : memref<4x80xi32, #tpu.memory_space<vmem>> -> memref<1x80xi32, #tpu.memory_space<vmem>>
    %dma_start3A_66 = tpu.memref_squeeze %dma_start3A_65 : memref<1x80xi32, #tpu.memory_space<vmem>> -> memref<80xi32, #tpu.memory_space<vmem>>
    %dma_start3A_67 = tpu.memref_slice %arg3[%add3A_56] : memref<320000xi32, #tpu.memory_space<hbm>> -> memref<80xi32, #tpu.memory_space<hbm>>
    tpu.enqueue_dma source(%dma_start3A_67 : memref<80xi32, #tpu.memory_space<hbm>>) target(%dma_start3A_66 : memref<80xi32, #tpu.memory_space<vmem>>) target_semaphore(%arg14 : memref<!tpu.dma_semaphore, #tpu.memory_space<semaphore_mem>>)
    %rem3A_68 = arith.constant 1 : i32
    %rem3A_69 = arith.constant 8 : i32
    %rem3A_70 = arith.remsi %rem3A_68, %rem3A_69 : i32
    %dma_start3A_71 = arith.constant 0 : i32
    %dma_start3A_72 = tpu.memref_slice %arg7[%rem3A_70, %dma_start3A_71] : memref<8x80xi32, #tpu.memory_space<vmem>> -> memref<1x80xi32, #tpu.memory_space<vmem>>
    %dma_start3A_73 = tpu.memref_squeeze %dma_start3A_72 : memref<1x80xi32, #tpu.memory_space<vmem>> -> memref<80xi32, #tpu.memory_space<vmem>>
    %dma_start3A_74 = tpu.memref_slice %arg4[%add3A_56] : memref<320000xi32, #tpu.memory_space<hbm>> -> memref<80xi32, #tpu.memory_space<hbm>>
    %dma_start3A_75 = arith.constant 0 : i32
    %dma_start3A_76 = tpu.memref_slice %arg7[%rem3A_70, %dma_start3A_75] : memref<8x80xi32, #tpu.memory_space<vmem>> -> memref<1x80xi32, #tpu.memory_space<vmem>>
    %dma_start3A_77 = tpu.memref_squeeze %dma_start3A_76 : memref<1x80xi32, #tpu.memory_space<vmem>> -> memref<80xi32, #tpu.memory_space<vmem>>
    %dma_start3A_78 = tpu.memref_slice %arg4[%add3A_56] : memref<320000xi32, #tpu.memory_space<hbm>> -> memref<80xi32, #tpu.memory_space<hbm>>
    tpu.enqueue_dma source(%dma_start3A_78 : memref<80xi32, #tpu.memory_space<hbm>>) target(%dma_start3A_77 : memref<80xi32, #tpu.memory_space<vmem>>) target_semaphore(%arg14 : memref<!tpu.dma_semaphore, #tpu.memory_space<semaphore_mem>>)
    %mul3A_79 = arith.constant 20000 : i32
    %mul3A_80 = arith.muli %arg1, %mul3A_79 : i32
    %add3A_81 = arith.constant 160 : i32
    %add3A_82 = arith.addi %mul3A_80, %add3A_81 : i32
    %rem3A_83 = arith.constant 2 : i32
    %rem3A_84 = arith.constant 4 : i32
    %rem3A_85 = arith.remsi %rem3A_83, %rem3A_84 : i32
    %dma_start3A_86 = arith.constant 0 : i32
    %dma_start3A_87 = tpu.memref_slice %arg6[%rem3A_85, %dma_start3A_86] : memref<4x80xi32, #tpu.memory_space<vmem>> -> memref<1x80xi32, #tpu.memory_space<vmem>>
    %dma_start3A_88 = tpu.memref_squeeze %dma_start3A_87 : memref<1x80xi32, #tpu.memory_space<vmem>> -> memref<80xi32, #tpu.memory_space<vmem>>
    %dma_start3A_89 = tpu.memref_slice %arg3[%add3A_82] : memref<320000xi32, #tpu.memory_space<hbm>> -> memref<80xi32, #tpu.memory_space<hbm>>
    %dma_start3A_90 = arith.constant 0 : i32
    %dma_start3A_91 = tpu.memref_slice %arg6[%rem3A_85, %dma_start3A_90] : memref<4x80xi32, #tpu.memory_space<vmem>> -> memref<1x80xi32, #tpu.memory_space<vmem>>
    %dma_start3A_92 = tpu.memref_squeeze %dma_start3A_91 : memref<1x80xi32, #tpu.memory_space<vmem>> -> memref<80xi32, #tpu.memory_space<vmem>>
    %dma_start3A_93 = tpu.memref_slice %arg3[%add3A_82] : memref<320000xi32, #tpu.memory_space<hbm>> -> memref<80xi32, #tpu.memory_space<hbm>>
    tpu.enqueue_dma source(%dma_start3A_93 : memref<80xi32, #tpu.memory_space<hbm>>) target(%dma_start3A_92 : memref<80xi32, #tpu.memory_space<vmem>>) target_semaphore(%arg14 : memref<!tpu.dma_semaphore, #tpu.memory_space<semaphore_mem>>)
    %rem3A_94 = arith.constant 2 : i32
    %rem3A_95 = arith.constant 8 : i32
    %rem3A_96 = arith.remsi %rem3A_94, %rem3A_95 : i32
    %dma_start3A_97 = arith.constant 0 : i32
    %dma_start3A_98 = tpu.memref_slice %arg7[%rem3A_96, %dma_start3A_97] : memref<8x80xi32, #tpu.memory_space<vmem>> -> memref<1x80xi32, #tpu.memory_space<vmem>>
    %dma_start3A_99 = tpu.memref_squeeze %dma_start3A_98 : memref<1x80xi32, #tpu.memory_space<vmem>> -> memref<80xi32, #tpu.memory_space<vmem>>
    %dma_start3A_100 = tpu.memref_slice %arg4[%add3A_82] : memref<320000xi32, #tpu.memory_space<hbm>> -> memref<80xi32, #tpu.memory_space<hbm>>
    %dma_start3A_101 = arith.constant 0 : i32
    %dma_start3A_102 = tpu.memref_slice %arg7[%rem3A_96, %dma_start3A_101] : memref<8x80xi32, #tpu.memory_space<vmem>> -> memref<1x80xi32, #tpu.memory_space<vmem>>
    %dma_start3A_103 = tpu.memref_squeeze %dma_start3A_102 : memref<1x80xi32, #tpu.memory_space<vmem>> -> memref<80xi32, #tpu.memory_space<vmem>>
    %dma_start3A_104 = tpu.memref_slice %arg4[%add3A_82] : memref<320000xi32, #tpu.memory_space<hbm>> -> memref<80xi32, #tpu.memory_space<hbm>>
    tpu.enqueue_dma source(%dma_start3A_104 : memref<80xi32, #tpu.memory_space<hbm>>) target(%dma_start3A_103 : memref<80xi32, #tpu.memory_space<vmem>>) target_semaphore(%arg14 : memref<!tpu.dma_semaphore, #tpu.memory_space<semaphore_mem>>)
    %dma_wait3A = arith.constant 0 : i32
    %dma_wait3A_105 = arith.constant 0 : i32
    %dma_wait3A_106 = tpu.memref_slice %arg6[%dma_wait3A, %dma_wait3A_105] : memref<4x80xi32, #tpu.memory_space<vmem>> -> memref<1x80xi32, #tpu.memory_space<vmem>>
    %dma_wait3A_107 = tpu.memref_squeeze %dma_wait3A_106 : memref<1x80xi32, #tpu.memory_space<vmem>> -> memref<80xi32, #tpu.memory_space<vmem>>
    %dma_wait3A_108 = arith.constant 0 : i32
    %dma_wait3A_109 = tpu.memref_slice %arg3[%dma_wait3A_108] : memref<320000xi32, #tpu.memory_space<hbm>> -> memref<80xi32, #tpu.memory_space<hbm>>
    %dma_wait3A_110 = arith.constant 0 : i32
    %dma_wait3A_111 = tpu.memref_slice %arg6[%dma_wait3A, %dma_wait3A_110] : memref<4x80xi32, #tpu.memory_space<vmem>> -> memref<1x80xi32, #tpu.memory_space<vmem>>
    %dma_wait3A_112 = tpu.memref_squeeze %dma_wait3A_111 : memref<1x80xi32, #tpu.memory_space<vmem>> -> memref<80xi32, #tpu.memory_space<vmem>>
    %dma_wait3A_113 = arith.constant 0 : i32
    %dma_wait3A_114 = tpu.memref_slice %arg3[%dma_wait3A_113] : memref<320000xi32, #tpu.memory_space<hbm>> -> memref<80xi32, #tpu.memory_space<hbm>>
    tpu.wait_dma2 semaphore(%arg14 : memref<!tpu.dma_semaphore, #tpu.memory_space<semaphore_mem>>) src(%dma_wait3A_114 : memref<80xi32, #tpu.memory_space<hbm>>) dst(%dma_wait3A_112 : memref<80xi32, #tpu.memory_space<vmem>>)
    %dma_wait3A_115 = arith.constant 0 : i32
    %dma_wait3A_116 = arith.constant 0 : i32
    %dma_wait3A_117 = tpu.memref_slice %arg7[%dma_wait3A_115, %dma_wait3A_116] : memref<8x80xi32, #tpu.memory_space<vmem>> -> memref<1x80xi32, #tpu.memory_space<vmem>>
    %dma_wait3A_118 = tpu.memref_squeeze %dma_wait3A_117 : memref<1x80xi32, #tpu.memory_space<vmem>> -> memref<80xi32, #tpu.memory_space<vmem>>
    %dma_wait3A_119 = arith.constant 0 : i32
    %dma_wait3A_120 = tpu.memref_slice %arg4[%dma_wait3A_119] : memref<320000xi32, #tpu.memory_space<hbm>> -> memref<80xi32, #tpu.memory_space<hbm>>
    %dma_wait3A_121 = arith.constant 0 : i32
    %dma_wait3A_122 = tpu.memref_slice %arg7[%dma_wait3A_115, %dma_wait3A_121] : memref<8x80xi32, #tpu.memory_space<vmem>> -> memref<1x80xi32, #tpu.memory_space<vmem>>
    %dma_wait3A_123 = tpu.memref_squeeze %dma_wait3A_122 : memref<1x80xi32, #tpu.memory_space<vmem>> -> memref<80xi32, #tpu.memory_space<vmem>>
    %dma_wait3A_124 = arith.constant 0 : i32
    %dma_wait3A_125 = tpu.memref_slice %arg4[%dma_wait3A_124] : memref<320000xi32, #tpu.memory_space<hbm>> -> memref<80xi32, #tpu.memory_space<hbm>>
    tpu.wait_dma2 semaphore(%arg14 : memref<!tpu.dma_semaphore, #tpu.memory_space<semaphore_mem>>) src(%dma_wait3A_125 : memref<80xi32, #tpu.memory_space<hbm>>) dst(%dma_wait3A_123 : memref<80xi32, #tpu.memory_space<vmem>>)
    %rem3A_126 = arith.constant 0 : i32
    %rem3A_127 = arith.constant 4 : i32
    %rem3A_128 = arith.remsi %rem3A_126, %rem3A_127 : i32
    %rem3A_129 = arith.constant 0 : i32
    %rem3A_130 = arith.constant 3 : i32
    %rem3A_131 = arith.remsi %rem3A_129, %rem3A_130 : i32
    %rem3A_132 = arith.constant 0 : i32
    %rem3A_133 = arith.constant 8 : i32
    %rem3A_134 = arith.remsi %rem3A_132, %rem3A_133 : i32
    %scan3A_135 = arith.constant 0 : i32
    %scan3A_136 = arith.constant 5 : i32
    %scan3A_137 = arith.addi %scan3A_135, %scan3A_136 : i32
    %scan3A_138 = arith.constant 1 : i32
    scf.for %scan3A_259 = %scan3A_135 to %scan3A_137 step %scan3A_138  : i32 {
      %mul3A_260 = arith.constant 16 : i32
      %mul3A_261 = arith.muli %scan3A_259, %mul3A_260 : i32
      %add3A_262 = arith.constant 0 : i32
      %add3A_263 = arith.addi %add3A_262, %mul3A_261 : i32
      %get3A = arith.index_cast %rem3A_128 : i32 to index
      %get3A_264 = arith.index_cast %add3A_263 : i32 to index
      %get3A_265 = tpu.vector_load %arg6[%get3A, %get3A_264] {strides = array<i32>} : memref<4x80xi32, #tpu.memory_space<vmem>>, vector<16xi32>,
      %add3A_266 = vector.broadcast %mul3A_1 : i32 to vector<16xi32>
      %add3A_267 = arith.addi %get3A_265, %add3A_266 : vector<16xi32>
      %swap3A = arith.index_cast %rem3A_128 : i32 to index
      %swap3A_268 = arith.index_cast %add3A_263 : i32 to index
      %swap3A_269 = tpu.vector_load %arg6[%swap3A, %swap3A_268] {strides = array<i32>} : memref<4x80xi32, #tpu.memory_space<vmem>>, vector<16xi32>,
      tpu.vector_store %arg6[%swap3A, %swap3A_268], %add3A_267 {strides = array<i32>} : memref<4x80xi32, #tpu.memory_space<vmem>>, vector<16xi32>,
      %get3A_270 = arith.index_cast %rem3A_134 : i32 to index
      %get3A_271 = arith.index_cast %add3A_263 : i32 to index
      %get3A_272 = tpu.vector_load %arg7[%get3A_270, %get3A_271] {strides = array<i32>} : memref<8x80xi32, #tpu.memory_space<vmem>>, vector<16xi32>,
      %add3A_273 = vector.broadcast %mul3A_1 : i32 to vector<16xi32>
      %add3A_274 = arith.addi %get3A_272, %add3A_273 : vector<16xi32>
      %swap3A_275 = arith.index_cast %rem3A_128 : i32 to index
      %swap3A_276 = arith.index_cast %add3A_263 : i32 to index
      %swap3A_277 = tpu.vector_load %arg8[%swap3A_275, %swap3A_276] {strides = array<i32>} : memref<4x80xi32, #tpu.memory_space<vmem>>, vector<16xi32>,
      tpu.vector_store %arg8[%swap3A_275, %swap3A_276], %add3A_274 {strides = array<i32>} : memref<4x80xi32, #tpu.memory_space<vmem>>, vector<16xi32>,
    }
    %scan3A_139 = arith.constant 5 : i32
    %mul3A_140 = arith.constant 80 : i32
    %mul3A_141 = arith.muli %rem3A_131, %mul3A_140 : i32
    %dma_start3A_142 = arith.constant 0 : i32
    %dma_start3A_143 = tpu.memref_slice %arg9[%mul3A_141, %dma_start3A_142] : memref<240x32xi32, #tpu.memory_space<vmem>> -> memref<80x32xi32, #tpu.memory_space<vmem>>
    %dma_start3A_144 = arith.constant 0 : i32
    %dma_start3A_145 = tpu.memref_slice %arg6[%rem3A_128, %dma_start3A_144] : memref<4x80xi32, #tpu.memory_space<vmem>> -> memref<1x80xi32, #tpu.memory_space<vmem>>
    %dma_start3A_146 = tpu.memref_squeeze %dma_start3A_145 : memref<1x80xi32, #tpu.memory_space<vmem>> -> memref<80xi32, #tpu.memory_space<vmem>>
    %dma_start3A_147 = arith.constant 0 : i32
    %dma_start3A_148 = arith.constant 0 : i32
    %dma_start3A_149 = tpu.memref_slice %arg2[%dma_start3A_147, %dma_start3A_148] : memref<20000x32xi32, #tpu.memory_space<hbm>> -> memref<20000x32xi32, #tpu.memory_space<hbm>>
    tpu.enqueue_indirect_dma source(%dma_start3A_149 : memref<20000x32xi32, #tpu.memory_space<hbm>>) target(%dma_start3A_143 : memref<80x32xi32, #tpu.memory_space<vmem>>) offsets(%dma_start3A_146 : memref<80xi32, #tpu.memory_space<vmem>>) semaphore(%arg15 : memref<!tpu.dma_semaphore, #tpu.memory_space<semaphore_mem>>)
    %mul3A_150 = arith.constant 80 : i32
    %mul3A_151 = arith.muli %rem3A_131, %mul3A_150 : i32
    %dma_start3A_152 = arith.constant 0 : i32
    %dma_start3A_153 = tpu.memref_slice %arg10[%mul3A_151, %dma_start3A_152] : memref<240x32xi32, #tpu.memory_space<vmem>> -> memref<80x32xi32, #tpu.memory_space<vmem>>
    %dma_start3A_154 = arith.constant 0 : i32
    %dma_start3A_155 = tpu.memref_slice %arg8[%rem3A_128, %dma_start3A_154] : memref<4x80xi32, #tpu.memory_space<vmem>> -> memref<1x80xi32, #tpu.memory_space<vmem>>
    %dma_start3A_156 = tpu.memref_squeeze %dma_start3A_155 : memref<1x80xi32, #tpu.memory_space<vmem>> -> memref<80xi32, #tpu.memory_space<vmem>>
    %dma_start3A_157 = arith.constant 0 : i32
    %dma_start3A_158 = arith.constant 0 : i32
    %dma_start3A_159 = tpu.memref_slice %arg2[%dma_start3A_157, %dma_start3A_158] : memref<20000x32xi32, #tpu.memory_space<hbm>> -> memref<20000x32xi32, #tpu.memory_space<hbm>>
    tpu.enqueue_indirect_dma source(%dma_start3A_159 : memref<20000x32xi32, #tpu.memory_space<hbm>>) target(%dma_start3A_153 : memref<80x32xi32, #tpu.memory_space<vmem>>) offsets(%dma_start3A_156 : memref<80xi32, #tpu.memory_space<vmem>>) semaphore(%arg15 : memref<!tpu.dma_semaphore, #tpu.memory_space<semaphore_mem>>)
    %dma_wait3A_160 = arith.constant 0 : i32
    %dma_wait3A_161 = arith.constant 0 : i32
    %dma_wait3A_162 = tpu.memref_slice %arg6[%dma_wait3A_160, %dma_wait3A_161] : memref<4x80xi32, #tpu.memory_space<vmem>> -> memref<1x80xi32, #tpu.memory_space<vmem>>
    %dma_wait3A_163 = tpu.memref_squeeze %dma_wait3A_162 : memref<1x80xi32, #tpu.memory_space<vmem>> -> memref<80xi32, #tpu.memory_space<vmem>>
    %dma_wait3A_164 = arith.constant 0 : i32
    %dma_wait3A_165 = tpu.memref_slice %arg3[%dma_wait3A_164] : memref<320000xi32, #tpu.memory_space<hbm>> -> memref<80xi32, #tpu.memory_space<hbm>>
    %dma_wait3A_166 = arith.constant 0 : i32
    %dma_wait3A_167 = tpu.memref_slice %arg6[%dma_wait3A_160, %dma_wait3A_166] : memref<4x80xi32, #tpu.memory_space<vmem>> -> memref<1x80xi32, #tpu.memory_space<vmem>>
    %dma_wait3A_168 = tpu.memref_squeeze %dma_wait3A_167 : memref<1x80xi32, #tpu.memory_space<vmem>> -> memref<80xi32, #tpu.memory_space<vmem>>
    %dma_wait3A_169 = arith.constant 0 : i32
    %dma_wait3A_170 = tpu.memref_slice %arg3[%dma_wait3A_169] : memref<320000xi32, #tpu.memory_space<hbm>> -> memref<80xi32, #tpu.memory_space<hbm>>
    tpu.wait_dma2 semaphore(%arg14 : memref<!tpu.dma_semaphore, #tpu.memory_space<semaphore_mem>>) src(%dma_wait3A_170 : memref<80xi32, #tpu.memory_space<hbm>>) dst(%dma_wait3A_168 : memref<80xi32, #tpu.memory_space<vmem>>)
    %dma_wait3A_171 = arith.constant 0 : i32
    %dma_wait3A_172 = arith.constant 0 : i32
    %dma_wait3A_173 = tpu.memref_slice %arg7[%dma_wait3A_171, %dma_wait3A_172] : memref<8x80xi32, #tpu.memory_space<vmem>> -> memref<1x80xi32, #tpu.memory_space<vmem>>
    %dma_wait3A_174 = tpu.memref_squeeze %dma_wait3A_173 : memref<1x80xi32, #tpu.memory_space<vmem>> -> memref<80xi32, #tpu.memory_space<vmem>>
    %dma_wait3A_175 = arith.constant 0 : i32
    %dma_wait3A_176 = tpu.memref_slice %arg4[%dma_wait3A_175] : memref<320000xi32, #tpu.memory_space<hbm>> -> memref<80xi32, #tpu.memory_space<hbm>>
    %dma_wait3A_177 = arith.constant 0 : i32
    %dma_wait3A_178 = tpu.memref_slice %arg7[%dma_wait3A_171, %dma_wait3A_177] : memref<8x80xi32, #tpu.memory_space<vmem>> -> memref<1x80xi32, #tpu.memory_space<vmem>>
    %dma_wait3A_179 = tpu.memref_squeeze %dma_wait3A_178 : memref<1x80xi32, #tpu.memory_space<vmem>> -> memref<80xi32, #tpu.memory_space<vmem>>
    %dma_wait3A_180 = arith.constant 0 : i32
    %dma_wait3A_181 = tpu.memref_slice %arg4[%dma_wait3A_180] : memref<320000xi32, #tpu.memory_space<hbm>> -> memref<80xi32, #tpu.memory_space<hbm>>
    tpu.wait_dma2 semaphore(%arg14 : memref<!tpu.dma_semaphore, #tpu.memory_space<semaphore_mem>>) src(%dma_wait3A_181 : memref<80xi32, #tpu.memory_space<hbm>>) dst(%dma_wait3A_179 : memref<80xi32, #tpu.memory_space<vmem>>)
    %rem3A_182 = arith.constant 1 : i32
    %rem3A_183 = arith.constant 4 : i32
    %rem3A_184 = arith.remsi %rem3A_182, %rem3A_183 : i32
    %rem3A_185 = arith.constant 1 : i32
    %rem3A_186 = arith.constant 3 : i32
    %rem3A_187 = arith.remsi %rem3A_185, %rem3A_186 : i32
    %rem3A_188 = arith.constant 1 : i32
    %rem3A_189 = arith.constant 8 : i32
    %rem3A_190 = arith.remsi %rem3A_188, %rem3A_189 : i32
    %scan3A_191 = arith.constant 0 : i32
    %scan3A_192 = arith.constant 5 : i32
    %scan3A_193 = arith.addi %scan3A_191, %scan3A_192 : i32
    %scan3A_194 = arith.constant 1 : i32
    scf.for %scan3A_259 = %scan3A_191 to %scan3A_193 step %scan3A_194  : i32 {
      %mul3A_260 = arith.constant 16 : i32
      %mul3A_261 = arith.muli %scan3A_259, %mul3A_260 : i32
      %add3A_262 = arith.constant 0 : i32
      %add3A_263 = arith.addi %add3A_262, %mul3A_261 : i32
      %get3A = arith.index_cast %rem3A_184 : i32 to index
      %get3A_264 = arith.index_cast %add3A_263 : i32 to index
      %get3A_265 = tpu.vector_load %arg6[%get3A, %get3A_264] {strides = array<i32>} : memref<4x80xi32, #tpu.memory_space<vmem>>, vector<16xi32>,
      %add3A_266 = vector.broadcast %mul3A_1 : i32 to vector<16xi32>
      %add3A_267 = arith.addi %get3A_265, %add3A_266 : vector<16xi32>
      %swap3A = arith.index_cast %rem3A_184 : i32 to index
      %swap3A_268 = arith.index_cast %add3A_263 : i32 to index
      %swap3A_269 = tpu.vector_load %arg6[%swap3A, %swap3A_268] {strides = array<i32>} : memref<4x80xi32, #tpu.memory_space<vmem>>, vector<16xi32>,
      tpu.vector_store %arg6[%swap3A, %swap3A_268], %add3A_267 {strides = array<i32>} : memref<4x80xi32, #tpu.memory_space<vmem>>, vector<16xi32>,
      %get3A_270 = arith.index_cast %rem3A_190 : i32 to index
      %get3A_271 = arith.index_cast %add3A_263 : i32 to index
      %get3A_272 = tpu.vector_load %arg7[%get3A_270, %get3A_271] {strides = array<i32>} : memref<8x80xi32, #tpu.memory_space<vmem>>, vector<16xi32>,
      %add3A_273 = vector.broadcast %mul3A_1 : i32 to vector<16xi32>
      %add3A_274 = arith.addi %get3A_272, %add3A_273 : vector<16xi32>
      %swap3A_275 = arith.index_cast %rem3A_184 : i32 to index
      %swap3A_276 = arith.index_cast %add3A_263 : i32 to index
      %swap3A_277 = tpu.vector_load %arg8[%swap3A_275, %swap3A_276] {strides = array<i32>} : memref<4x80xi32, #tpu.memory_space<vmem>>, vector<16xi32>,
      tpu.vector_store %arg8[%swap3A_275, %swap3A_276], %add3A_274 {strides = array<i32>} : memref<4x80xi32, #tpu.memory_space<vmem>>, vector<16xi32>,
    }
    %scan3A_195 = arith.constant 5 : i32
    %mul3A_196 = arith.constant 80 : i32
    %mul3A_197 = arith.muli %rem3A_187, %mul3A_196 : i32
    %dma_start3A_198 = arith.constant 0 : i32
    %dma_start3A_199 = tpu.memref_slice %arg9[%mul3A_197, %dma_start3A_198] : memref<240x32xi32, #tpu.memory_space<vmem>> -> memref<80x32xi32, #tpu.memory_space<vmem>>
    %dma_start3A_200 = arith.constant 0 : i32
    %dma_start3A_201 = tpu.memref_slice %arg6[%rem3A_184, %dma_start3A_200] : memref<4x80xi32, #tpu.memory_space<vmem>> -> memref<1x80xi32, #tpu.memory_space<vmem>>
    %dma_start3A_202 = tpu.memref_squeeze %dma_start3A_201 : memref<1x80xi32, #tpu.memory_space<vmem>> -> memref<80xi32, #tpu.memory_space<vmem>>
    %dma_start3A_203 = arith.constant 0 : i32
    %dma_start3A_204 = arith.constant 0 : i32
    %dma_start3A_205 = tpu.memref_slice %arg2[%dma_start3A_203, %dma_start3A_204] : memref<20000x32xi32, #tpu.memory_space<hbm>> -> memref<20000x32xi32, #tpu.memory_space<hbm>>
    tpu.enqueue_indirect_dma source(%dma_start3A_205 : memref<20000x32xi32, #tpu.memory_space<hbm>>) target(%dma_start3A_199 : memref<80x32xi32, #tpu.memory_space<vmem>>) offsets(%dma_start3A_202 : memref<80xi32, #tpu.memory_space<vmem>>) semaphore(%arg15 : memref<!tpu.dma_semaphore, #tpu.memory_space<semaphore_mem>>)
    %mul3A_206 = arith.constant 80 : i32
    %mul3A_207 = arith.muli %rem3A_187, %mul3A_206 : i32
    %dma_start3A_208 = arith.constant 0 : i32
    %dma_start3A_209 = tpu.memref_slice %arg10[%mul3A_207, %dma_start3A_208] : memref<240x32xi32, #tpu.memory_space<vmem>> -> memref<80x32xi32, #tpu.memory_space<vmem>>
    %dma_start3A_210 = arith.constant 0 : i32
    %dma_start3A_211 = tpu.memref_slice %arg8[%rem3A_184, %dma_start3A_210] : memref<4x80xi32, #tpu.memory_space<vmem>> -> memref<1x80xi32, #tpu.memory_space<vmem>>
    %dma_start3A_212 = tpu.memref_squeeze %dma_start3A_211 : memref<1x80xi32, #tpu.memory_space<vmem>> -> memref<80xi32, #tpu.memory_space<vmem>>
    %dma_start3A_213 = arith.constant 0 : i32
    %dma_start3A_214 = arith.constant 0 : i32
    %dma_start3A_215 = tpu.memref_slice %arg2[%dma_start3A_213, %dma_start3A_214] : memref<20000x32xi32, #tpu.memory_space<hbm>> -> memref<20000x32xi32, #tpu.memory_space<hbm>>
    tpu.enqueue_indirect_dma source(%dma_start3A_215 : memref<20000x32xi32, #tpu.memory_space<hbm>>) target(%dma_start3A_209 : memref<80x32xi32, #tpu.memory_space<vmem>>) offsets(%dma_start3A_212 : memref<80xi32, #tpu.memory_space<vmem>>) semaphore(%arg15 : memref<!tpu.dma_semaphore, #tpu.memory_space<semaphore_mem>>)
    %scan3A_216 = arith.constant 0 : i32
    %scan3A_217 = arith.constant 250 : i32
    %scan3A_218 = arith.addi %scan3A_216, %scan3A_217 : i32
    %scan3A_219 = arith.constant 1 : i32
    scf.for %scan3A_259 = %scan3A_216 to %scan3A_218 step %scan3A_219  : i32 {
      %mul3A_260 = arith.constant 1 : i32
      %mul3A_261 = arith.muli %scan3A_259, %mul3A_260 : i32
      %add3A_262 = arith.constant 0 : i32
      %add3A_263 = arith.addi %add3A_262, %mul3A_261 : i32
      %ge3A = arith.constant 1 : i32
      %ge3A_264 = arith.cmpi sge, %add3A_263, %ge3A : i32
      %convert_element_type3A = arith.extui %ge3A_264 : i1 to i32
      %cond3A = arith.constant 0 : i32
      %cond3A_265 = arith.cmpi ne, %convert_element_type3A, %cond3A : i32
      scf.if %cond3A_265 {
        %sub3A = arith.constant 1 : i32
        %sub3A_313 = arith.subi %add3A_263, %sub3A : i32
        %rem3A_314 = arith.constant 3 : i32
        %rem3A_315 = arith.remsi %sub3A_313, %rem3A_314 : i32
        %rem3A_316 = arith.constant 8 : i32
        %rem3A_317 = arith.remsi %sub3A_313, %rem3A_316 : i32
        %mul3A_318 = arith.constant 80 : i32
        %mul3A_319 = arith.muli %rem3A_315, %mul3A_318 : i32
        %dma_start3A_320 = arith.constant 0 : i32
        %dma_start3A_321 = tpu.memref_slice %arg11[%mul3A_319, %dma_start3A_320] : memref<240x80xf32, #tpu.memory_space<vmem>> -> memref<80x80xf32, #tpu.memory_space<vmem>>
        %dma_start3A_322 = arith.constant 0 : i32
        %dma_start3A_323 = tpu.memref_slice %arg7[%rem3A_317, %dma_start3A_322] : memref<8x80xi32, #tpu.memory_space<vmem>> -> memref<1x80xi32, #tpu.memory_space<vmem>>
        %dma_start3A_324 = tpu.memref_squeeze %dma_start3A_323 : memref<1x80xi32, #tpu.memory_space<vmem>> -> memref<80xi32, #tpu.memory_space<vmem>>
        %dma_start3A_325 = arith.constant 0 : i32
        %dma_start3A_326 = arith.constant 0 : i32
        %dma_start3A_327 = tpu.memref_slice %arg13[%dma_start3A_325, %dma_start3A_326] : memref<10000x80xf32, #tpu.memory_space<vmem_shared>> -> memref<10000x80xf32, #tpu.memory_space<vmem_shared>>
        tpu.enqueue_indirect_dma source(%dma_start3A_321 : memref<80x80xf32, #tpu.memory_space<vmem>>) target(%dma_start3A_327 : memref<10000x80xf32, #tpu.memory_space<vmem_shared>>) offsets(%dma_start3A_324 : memref<80xi32, #tpu.memory_space<vmem>>) semaphore(%arg16 : memref<!tpu.dma_semaphore, #tpu.memory_space<semaphore_mem>>) {add = true}
      } else {
      }
      %ge3A_266 = arith.constant 2 : i32
      %ge3A_267 = arith.cmpi sge, %add3A_263, %ge3A_266 : i32
      %convert_element_type3A_268 = arith.extui %ge3A_267 : i1 to i32
      %cond3A_269 = arith.constant 0 : i32
      %cond3A_270 = arith.cmpi ne, %convert_element_type3A_268, %cond3A_269 : i32
      scf.if %cond3A_270 {
        %dma_wait3A_313 = arith.constant 0 : i32
        %dma_wait3A_314 = arith.constant 0 : i32
        %dma_wait3A_315 = arith.constant 0 : i32
        %dma_wait3A_316 = tpu.memref_slice %arg11[%dma_wait3A_314, %dma_wait3A_315] : memref<240x80xf32, #tpu.memory_space<vmem>> -> memref<80x80xf32, #tpu.memory_space<vmem>>
        %dma_wait3A_317 = arith.constant 0 : i32
        %dma_wait3A_318 = tpu.memref_slice %arg7[%dma_wait3A_313, %dma_wait3A_317] : memref<8x80xi32, #tpu.memory_space<vmem>> -> memref<1x80xi32, #tpu.memory_space<vmem>>
        %dma_wait3A_319 = tpu.memref_squeeze %dma_wait3A_318 : memref<1x80xi32, #tpu.memory_space<vmem>> -> memref<80xi32, #tpu.memory_space<vmem>>
        %dma_wait3A_320 = arith.constant 0 : i32
        %dma_wait3A_321 = arith.constant 0 : i32
        %dma_wait3A_322 = tpu.memref_slice %arg13[%dma_wait3A_320, %dma_wait3A_321] : memref<10000x80xf32, #tpu.memory_space<vmem_shared>> -> memref<10000x80xf32, #tpu.memory_space<vmem_shared>>
        tpu.wait_indirect_dma semaphore(%arg16 : memref<!tpu.dma_semaphore, #tpu.memory_space<semaphore_mem>>) src(%dma_wait3A_316 : memref<80x80xf32, #tpu.memory_space<vmem>>) dst(%dma_wait3A_322 : memref<10000x80xf32, #tpu.memory_space<vmem_shared>>)
      } else {
      }
      %add3A_271 = arith.constant 3 : i32
      %add3A_272 = arith.addi %add3A_263, %add3A_271 : i32
      %lt3A = arith.constant 250 : i32
      %lt3A_273 = arith.cmpi slt, %add3A_272, %lt3A : i32
      %convert_element_type3A_274 = arith.extui %lt3A_273 : i1 to i32
      %cond3A_275 = arith.constant 0 : i32
      %cond3A_276 = arith.cmpi ne, %convert_element_type3A_274, %cond3A_275 : i32
      scf.if %cond3A_276 {
        %add3A_313 = arith.constant 3 : i32
        %add3A_314 = arith.addi %add3A_263, %add3A_313 : i32
        %mul3A_315 = arith.constant 20000 : i32
        %mul3A_316 = arith.muli %arg1, %mul3A_315 : i32
        %mul3A_317 = arith.constant 80 : i32
        %mul3A_318 = arith.muli %add3A_314, %mul3A_317 : i32
        %add3A_319 = arith.addi %mul3A_316, %mul3A_318 : i32
        %rem3A_320 = arith.constant 4 : i32
        %rem3A_321 = arith.remsi %add3A_314, %rem3A_320 : i32
        %dma_start3A_322 = arith.constant 0 : i32
        %dma_start3A_323 = tpu.memref_slice %arg6[%rem3A_321, %dma_start3A_322] : memref<4x80xi32, #tpu.memory_space<vmem>> -> memref<1x80xi32, #tpu.memory_space<vmem>>
        %dma_start3A_324 = tpu.memref_squeeze %dma_start3A_323 : memref<1x80xi32, #tpu.memory_space<vmem>> -> memref<80xi32, #tpu.memory_space<vmem>>
        %dma_start3A_325 = tpu.memref_slice %arg3[%add3A_319] : memref<320000xi32, #tpu.memory_space<hbm>> -> memref<80xi32, #tpu.memory_space<hbm>>
        %dma_start3A_326 = arith.constant 0 : i32
        %dma_start3A_327 = tpu.memref_slice %arg6[%rem3A_321, %dma_start3A_326] : memref<4x80xi32, #tpu.memory_space<vmem>> -> memref<1x80xi32, #tpu.memory_space<vmem>>
        %dma_start3A_328 = tpu.memref_squeeze %dma_start3A_327 : memref<1x80xi32, #tpu.memory_space<vmem>> -> memref<80xi32, #tpu.memory_space<vmem>>
        %dma_start3A_329 = tpu.memref_slice %arg3[%add3A_319] : memref<320000xi32, #tpu.memory_space<hbm>> -> memref<80xi32, #tpu.memory_space<hbm>>
        tpu.enqueue_dma source(%dma_start3A_329 : memref<80xi32, #tpu.memory_space<hbm>>) target(%dma_start3A_328 : memref<80xi32, #tpu.memory_space<vmem>>) target_semaphore(%arg14 : memref<!tpu.dma_semaphore, #tpu.memory_space<semaphore_mem>>)
        %rem3A_330 = arith.constant 8 : i32
        %rem3A_331 = arith.remsi %add3A_314, %rem3A_330 : i32
        %dma_start3A_332 = arith.constant 0 : i32
        %dma_start3A_333 = tpu.memref_slice %arg7[%rem3A_331, %dma_start3A_332] : memref<8x80xi32, #tpu.memory_space<vmem>> -> memref<1x80xi32, #tpu.memory_space<vmem>>
        %dma_start3A_334 = tpu.memref_squeeze %dma_start3A_333 : memref<1x80xi32, #tpu.memory_space<vmem>> -> memref<80xi32, #tpu.memory_space<vmem>>
        %dma_start3A_335 = tpu.memref_slice %arg4[%add3A_319] : memref<320000xi32, #tpu.memory_space<hbm>> -> memref<80xi32, #tpu.memory_space<hbm>>
        %dma_start3A_336 = arith.constant 0 : i32
        %dma_start3A_337 = tpu.memref_slice %arg7[%rem3A_331, %dma_start3A_336] : memref<8x80xi32, #tpu.memory_space<vmem>> -> memref<1x80xi32, #tpu.memory_space<vmem>>
        %dma_start3A_338 = tpu.memref_squeeze %dma_start3A_337 : memref<1x80xi32, #tpu.memory_space<vmem>> -> memref<80xi32, #tpu.memory_space<vmem>>
        %dma_start3A_339 = tpu.memref_slice %arg4[%add3A_319] : memref<320000xi32, #tpu.memory_space<hbm>> -> memref<80xi32, #tpu.memory_space<hbm>>
        tpu.enqueue_dma source(%dma_start3A_339 : memref<80xi32, #tpu.memory_space<hbm>>) target(%dma_start3A_338 : memref<80xi32, #tpu.memory_space<vmem>>) target_semaphore(%arg14 : memref<!tpu.dma_semaphore, #tpu.memory_space<semaphore_mem>>)
      } else {
      }
      %add3A_277 = arith.constant 2 : i32
      %add3A_278 = arith.addi %add3A_263, %add3A_277 : i32
      %lt3A_279 = arith.constant 250 : i32
      %lt3A_280 = arith.cmpi slt, %add3A_278, %lt3A_279 : i32
      %convert_element_type3A_281 = arith.extui %lt3A_280 : i1 to i32
      %cond3A_282 = arith.constant 0 : i32
      %cond3A_283 = arith.cmpi ne, %convert_element_type3A_281, %cond3A_282 : i32
      scf.if %cond3A_283 {
        %dma_wait3A_313 = arith.constant 0 : i32
        %dma_wait3A_314 = arith.constant 0 : i32
        %dma_wait3A_315 = tpu.memref_slice %arg6[%dma_wait3A_313, %dma_wait3A_314] : memref<4x80xi32, #tpu.memory_space<vmem>> -> memref<1x80xi32, #tpu.memory_space<vmem>>
        %dma_wait3A_316 = tpu.memref_squeeze %dma_wait3A_315 : memref<1x80xi32, #tpu.memory_space<vmem>> -> memref<80xi32, #tpu.memory_space<vmem>>
        %dma_wait3A_317 = arith.constant 0 : i32
        %dma_wait3A_318 = tpu.memref_slice %arg3[%dma_wait3A_317] : memref<320000xi32, #tpu.memory_space<hbm>> -> memref<80xi32, #tpu.memory_space<hbm>>
        %dma_wait3A_319 = arith.constant 0 : i32
        %dma_wait3A_320 = tpu.memref_slice %arg6[%dma_wait3A_313, %dma_wait3A_319] : memref<4x80xi32, #tpu.memory_space<vmem>> -> memref<1x80xi32, #tpu.memory_space<vmem>>
        %dma_wait3A_321 = tpu.memref_squeeze %dma_wait3A_320 : memref<1x80xi32, #tpu.memory_space<vmem>> -> memref<80xi32, #tpu.memory_space<vmem>>
        %dma_wait3A_322 = arith.constant 0 : i32
        %dma_wait3A_323 = tpu.memref_slice %arg3[%dma_wait3A_322] : memref<320000xi32, #tpu.memory_space<hbm>> -> memref<80xi32, #tpu.memory_space<hbm>>
        tpu.wait_dma2 semaphore(%arg14 : memref<!tpu.dma_semaphore, #tpu.memory_space<semaphore_mem>>) src(%dma_wait3A_323 : memref<80xi32, #tpu.memory_space<hbm>>) dst(%dma_wait3A_321 : memref<80xi32, #tpu.memory_space<vmem>>)
        %dma_wait3A_324 = arith.constant 0 : i32
        %dma_wait3A_325 = arith.constant 0 : i32
        %dma_wait3A_326 = tpu.memref_slice %arg7[%dma_wait3A_324, %dma_wait3A_325] : memref<8x80xi32, #tpu.memory_space<vmem>> -> memref<1x80xi32, #tpu.memory_space<vmem>>
        %dma_wait3A_327 = tpu.memref_squeeze %dma_wait3A_326 : memref<1x80xi32, #tpu.memory_space<vmem>> -> memref<80xi32, #tpu.memory_space<vmem>>
        %dma_wait3A_328 = arith.constant 0 : i32
        %dma_wait3A_329 = tpu.memref_slice %arg4[%dma_wait3A_328] : memref<320000xi32, #tpu.memory_space<hbm>> -> memref<80xi32, #tpu.memory_space<hbm>>
        %dma_wait3A_330 = arith.constant 0 : i32
        %dma_wait3A_331 = tpu.memref_slice %arg7[%dma_wait3A_324, %dma_wait3A_330] : memref<8x80xi32, #tpu.memory_space<vmem>> -> memref<1x80xi32, #tpu.memory_space<vmem>>
        %dma_wait3A_332 = tpu.memref_squeeze %dma_wait3A_331 : memref<1x80xi32, #tpu.memory_space<vmem>> -> memref<80xi32, #tpu.memory_space<vmem>>
        %dma_wait3A_333 = arith.constant 0 : i32
        %dma_wait3A_334 = tpu.memref_slice %arg4[%dma_wait3A_333] : memref<320000xi32, #tpu.memory_space<hbm>> -> memref<80xi32, #tpu.memory_space<hbm>>
        tpu.wait_dma2 semaphore(%arg14 : memref<!tpu.dma_semaphore, #tpu.memory_space<semaphore_mem>>) src(%dma_wait3A_334 : memref<80xi32, #tpu.memory_space<hbm>>) dst(%dma_wait3A_332 : memref<80xi32, #tpu.memory_space<vmem>>)
        %add3A_335 = arith.constant 2 : i32
        %add3A_336 = arith.addi %add3A_263, %add3A_335 : i32
        %rem3A_337 = arith.constant 4 : i32
        %rem3A_338 = arith.remsi %add3A_336, %rem3A_337 : i32
        %rem3A_339 = arith.constant 3 : i32
        %rem3A_340 = arith.remsi %add3A_336, %rem3A_339 : i32
        %rem3A_341 = arith.constant 8 : i32
        %rem3A_342 = arith.remsi %add3A_336, %rem3A_341 : i32
        %scan3A_343 = arith.constant 0 : i32
        %scan3A_344 = arith.constant 5 : i32
        %scan3A_345 = arith.addi %scan3A_343, %scan3A_344 : i32
        %scan3A_346 = arith.constant 1 : i32
        scf.for %scan3A_368 = %scan3A_343 to %scan3A_345 step %scan3A_346  : i32 {
          %mul3A_369 = arith.constant 16 : i32
          %mul3A_370 = arith.muli %scan3A_368, %mul3A_369 : i32
          %add3A_371 = arith.constant 0 : i32
          %add3A_372 = arith.addi %add3A_371, %mul3A_370 : i32
          %get3A = arith.index_cast %rem3A_338 : i32 to index
          %get3A_373 = arith.index_cast %add3A_372 : i32 to index
          %get3A_374 = tpu.vector_load %arg6[%get3A, %get3A_373] {strides = array<i32>} : memref<4x80xi32, #tpu.memory_space<vmem>>, vector<16xi32>,
          %add3A_375 = vector.broadcast %mul3A_1 : i32 to vector<16xi32>
          %add3A_376 = arith.addi %get3A_374, %add3A_375 : vector<16xi32>
          %swap3A = arith.index_cast %rem3A_338 : i32 to index
          %swap3A_377 = arith.index_cast %add3A_372 : i32 to index
          %swap3A_378 = tpu.vector_load %arg6[%swap3A, %swap3A_377] {strides = array<i32>} : memref<4x80xi32, #tpu.memory_space<vmem>>, vector<16xi32>,
          tpu.vector_store %arg6[%swap3A, %swap3A_377], %add3A_376 {strides = array<i32>} : memref<4x80xi32, #tpu.memory_space<vmem>>, vector<16xi32>,
          %get3A_379 = arith.index_cast %rem3A_342 : i32 to index
          %get3A_380 = arith.index_cast %add3A_372 : i32 to index
          %get3A_381 = tpu.vector_load %arg7[%get3A_379, %get3A_380] {strides = array<i32>} : memref<8x80xi32, #tpu.memory_space<vmem>>, vector<16xi32>,
          %add3A_382 = vector.broadcast %mul3A_1 : i32 to vector<16xi32>
          %add3A_383 = arith.addi %get3A_381, %add3A_382 : vector<16xi32>
          %swap3A_384 = arith.index_cast %rem3A_338 : i32 to index
          %swap3A_385 = arith.index_cast %add3A_372 : i32 to index
          %swap3A_386 = tpu.vector_load %arg8[%swap3A_384, %swap3A_385] {strides = array<i32>} : memref<4x80xi32, #tpu.memory_space<vmem>>, vector<16xi32>,
          tpu.vector_store %arg8[%swap3A_384, %swap3A_385], %add3A_383 {strides = array<i32>} : memref<4x80xi32, #tpu.memory_space<vmem>>, vector<16xi32>,
        }
        %scan3A_347 = arith.constant 5 : i32
        %mul3A_348 = arith.constant 80 : i32
        %mul3A_349 = arith.muli %rem3A_340, %mul3A_348 : i32
        %dma_start3A_350 = arith.constant 0 : i32
        %dma_start3A_351 = tpu.memref_slice %arg9[%mul3A_349, %dma_start3A_350] : memref<240x32xi32, #tpu.memory_space<vmem>> -> memref<80x32xi32, #tpu.memory_space<vmem>>
        %dma_start3A_352 = arith.constant 0 : i32
        %dma_start3A_353 = tpu.memref_slice %arg6[%rem3A_338, %dma_start3A_352] : memref<4x80xi32, #tpu.memory_space<vmem>> -> memref<1x80xi32, #tpu.memory_space<vmem>>
        %dma_start3A_354 = tpu.memref_squeeze %dma_start3A_353 : memref<1x80xi32, #tpu.memory_space<vmem>> -> memref<80xi32, #tpu.memory_space<vmem>>
        %dma_start3A_355 = arith.constant 0 : i32
        %dma_start3A_356 = arith.constant 0 : i32
        %dma_start3A_357 = tpu.memref_slice %arg2[%dma_start3A_355, %dma_start3A_356] : memref<20000x32xi32, #tpu.memory_space<hbm>> -> memref<20000x32xi32, #tpu.memory_space<hbm>>
        tpu.enqueue_indirect_dma source(%dma_start3A_357 : memref<20000x32xi32, #tpu.memory_space<hbm>>) target(%dma_start3A_351 : memref<80x32xi32, #tpu.memory_space<vmem>>) offsets(%dma_start3A_354 : memref<80xi32, #tpu.memory_space<vmem>>) semaphore(%arg15 : memref<!tpu.dma_semaphore, #tpu.memory_space<semaphore_mem>>)
        %mul3A_358 = arith.constant 80 : i32
        %mul3A_359 = arith.muli %rem3A_340, %mul3A_358 : i32
        %dma_start3A_360 = arith.constant 0 : i32
        %dma_start3A_361 = tpu.memref_slice %arg10[%mul3A_359, %dma_start3A_360] : memref<240x32xi32, #tpu.memory_space<vmem>> -> memref<80x32xi32, #tpu.memory_space<vmem>>
        %dma_start3A_362 = arith.constant 0 : i32
        %dma_start3A_363 = tpu.memref_slice %arg8[%rem3A_338, %dma_start3A_362] : memref<4x80xi32, #tpu.memory_space<vmem>> -> memref<1x80xi32, #tpu.memory_space<vmem>>
        %dma_start3A_364 = tpu.memref_squeeze %dma_start3A_363 : memref<1x80xi32, #tpu.memory_space<vmem>> -> memref<80xi32, #tpu.memory_space<vmem>>
        %dma_start3A_365 = arith.constant 0 : i32
        %dma_start3A_366 = arith.constant 0 : i32
        %dma_start3A_367 = tpu.memref_slice %arg2[%dma_start3A_365, %dma_start3A_366] : memref<20000x32xi32, #tpu.memory_space<hbm>> -> memref<20000x32xi32, #tpu.memory_space<hbm>>
        tpu.enqueue_indirect_dma source(%dma_start3A_367 : memref<20000x32xi32, #tpu.memory_space<hbm>>) target(%dma_start3A_361 : memref<80x32xi32, #tpu.memory_space<vmem>>) offsets(%dma_start3A_364 : memref<80xi32, #tpu.memory_space<vmem>>) semaphore(%arg15 : memref<!tpu.dma_semaphore, #tpu.memory_space<semaphore_mem>>)
      } else {
      }
      %dma_wait3A_284 = arith.constant 0 : i32
      %dma_wait3A_285 = arith.constant 0 : i32
      %dma_wait3A_286 = arith.constant 0 : i32
      %dma_wait3A_287 = tpu.memref_slice %arg9[%dma_wait3A_285, %dma_wait3A_286] : memref<240x32xi32, #tpu.memory_space<vmem>> -> memref<80x32xi32, #tpu.memory_space<vmem>>
      %dma_wait3A_288 = arith.constant 0 : i32
      %dma_wait3A_289 = tpu.memref_slice %arg6[%dma_wait3A_284, %dma_wait3A_288] : memref<4x80xi32, #tpu.memory_space<vmem>> -> memref<1x80xi32, #tpu.memory_space<vmem>>
      %dma_wait3A_290 = tpu.memref_squeeze %dma_wait3A_289 : memref<1x80xi32, #tpu.memory_space<vmem>> -> memref<80xi32, #tpu.memory_space<vmem>>
      %dma_wait3A_291 = arith.constant 0 : i32
      %dma_wait3A_292 = arith.constant 0 : i32
      %dma_wait3A_293 = tpu.memref_slice %arg2[%dma_wait3A_291, %dma_wait3A_292] : memref<20000x32xi32, #tpu.memory_space<hbm>> -> memref<20000x32xi32, #tpu.memory_space<hbm>>
      tpu.wait_indirect_dma semaphore(%arg15 : memref<!tpu.dma_semaphore, #tpu.memory_space<semaphore_mem>>) src(%dma_wait3A_293 : memref<20000x32xi32, #tpu.memory_space<hbm>>) dst(%dma_wait3A_287 : memref<80x32xi32, #tpu.memory_space<vmem>>)
      %dma_wait3A_294 = arith.constant 0 : i32
      %dma_wait3A_295 = arith.constant 0 : i32
      %dma_wait3A_296 = arith.constant 0 : i32
      %dma_wait3A_297 = tpu.memref_slice %arg10[%dma_wait3A_295, %dma_wait3A_296] : memref<240x32xi32, #tpu.memory_space<vmem>> -> memref<80x32xi32, #tpu.memory_space<vmem>>
      %dma_wait3A_298 = arith.constant 0 : i32
      %dma_wait3A_299 = tpu.memref_slice %arg8[%dma_wait3A_294, %dma_wait3A_298] : memref<4x80xi32, #tpu.memory_space<vmem>> -> memref<1x80xi32, #tpu.memory_space<vmem>>
      %dma_wait3A_300 = tpu.memref_squeeze %dma_wait3A_299 : memref<1x80xi32, #tpu.memory_space<vmem>> -> memref<80xi32, #tpu.memory_space<vmem>>
      %dma_wait3A_301 = arith.constant 0 : i32
      %dma_wait3A_302 = arith.constant 0 : i32
      %dma_wait3A_303 = tpu.memref_slice %arg2[%dma_wait3A_301, %dma_wait3A_302] : memref<20000x32xi32, #tpu.memory_space<hbm>> -> memref<20000x32xi32, #tpu.memory_space<hbm>>
      tpu.wait_indirect_dma semaphore(%arg15 : memref<!tpu.dma_semaphore, #tpu.memory_space<semaphore_mem>>) src(%dma_wait3A_303 : memref<20000x32xi32, #tpu.memory_space<hbm>>) dst(%dma_wait3A_297 : memref<80x32xi32, #tpu.memory_space<vmem>>)
      %rem3A_304 = arith.constant 3 : i32
      %rem3A_305 = arith.remsi %add3A_263, %rem3A_304 : i32
      %rem3A_306 = arith.constant 3 : i32
      %rem3A_307 = arith.remsi %add3A_263, %rem3A_306 : i32
      %scan3A_308 = arith.constant 0 : i32
      %scan3A_309 = arith.constant 5 : i32
      %scan3A_310 = arith.addi %scan3A_308, %scan3A_309 : i32
      %scan3A_311 = arith.constant 1 : i32
      scf.for %scan3A_313 = %scan3A_308 to %scan3A_310 step %scan3A_311  : i32 {
        %mul3A_314 = arith.constant 16 : i32
        %mul3A_315 = arith.muli %scan3A_313, %mul3A_314 : i32
        %add3A_316 = arith.constant 0 : i32
        %add3A_317 = arith.addi %add3A_316, %mul3A_315 : i32
        %iota3A_318 = tpu.iota {dimensions = array<i32: 0>} : vector<16xi32>
        %mul3A_319 = arith.constant 80 : i32
        %mul3A_320 = arith.muli %rem3A_305, %mul3A_319 : i32
        %add3A_321 = arith.addi %mul3A_320, %add3A_317 : i32
        %add3A_322 = vector.broadcast %add3A_321 : i32 to vector<16xi32>
        %add3A_323 = arith.addi %iota3A_318, %add3A_322 : vector<16xi32>
        %mul3A_324 = arith.constant 80 : i32
        %mul3A_325 = arith.muli %rem3A_307, %mul3A_324 : i32
        %add3A_326 = arith.addi %mul3A_325, %add3A_317 : i32
        %add3A_327 = vector.broadcast %add3A_326 : i32 to vector<16xi32>
        %add3A_328 = arith.addi %iota3A_318, %add3A_327 : vector<16xi32>
        %add3A_329 = arith.constant 0 : i32
        %add3A_330 = vector.broadcast %add3A_329 : i32 to vector<16xi32>
        %add3A_331 = arith.addi %iota3A_318, %add3A_330 : vector<16xi32>
        %and3A = arith.constant 15 : i32
        %and3A_332 = vector.broadcast %and3A : i32 to vector<16xi32>
        %and3A_333 = arith.andi %add3A_331, %and3A_332 : vector<16xi32>
        %add3A_334 = arith.constant 0 : i32
        %add3A_335 = vector.broadcast %add3A_334 : i32 to vector<16xi32>
        %add3A_336 = arith.addi %and3A_333, %add3A_335 : vector<16xi32>
        %gather3A = tpu.vector_load_idx %arg9[%add3A_323, %add3A_336] : memref<240x32xi32, #tpu.memory_space<vmem>>[vector<16xi32>, vector<16xi32>], vector<16xi32>,
        %gather3A_337 = tpu.vector_load_idx %arg10[%add3A_323, %add3A_336] : memref<240x32xi32, #tpu.memory_space<vmem>>[vector<16xi32>, vector<16xi32>], vector<16xi32>,
        %bitcast3A = vector.bitcast %gather3A : vector<16xi32> to vector<32xbf16>
        %unpack3A = tpu.unpack_subelements %bitcast3A, 0 {pack_format = #tpu.pack_format<interleaved>} : vector<32xbf16> -> vector<16xf32>
        %unpack3A_338 = tpu.unpack_subelements %bitcast3A, 1 {pack_format = #tpu.pack_format<interleaved>} : vector<32xbf16> -> vector<16xf32>
        %bitcast3A_339 = vector.bitcast %gather3A_337 : vector<16xi32> to vector<32xbf16>
        %unpack3A_340 = tpu.unpack_subelements %bitcast3A_339, 0 {pack_format = #tpu.pack_format<interleaved>} : vector<32xbf16> -> vector<16xf32>
        %unpack3A_341 = tpu.unpack_subelements %bitcast3A_339, 1 {pack_format = #tpu.pack_format<interleaved>} : vector<32xbf16> -> vector<16xf32>
        %mul3A_342 = arith.mulf %unpack3A, %unpack3A_340 : vector<16xf32>
        %add3A_343 = arith.addf %broadcast_in_dim3A_0, %mul3A_342 : vector<16xf32>
        %mul3A_344 = arith.mulf %unpack3A_338, %unpack3A_341 : vector<16xf32>
        %add3A_345 = arith.addf %broadcast_in_dim3A_0, %mul3A_344 : vector<16xf32>
        %add3A_346 = arith.constant 1 : i32
        %add3A_347 = vector.broadcast %add3A_346 : i32 to vector<16xi32>
        %add3A_348 = arith.addi %iota3A_318, %add3A_347 : vector<16xi32>
        %and3A_349 = arith.constant 15 : i32
        %and3A_350 = vector.broadcast %and3A_349 : i32 to vector<16xi32>
        %and3A_351 = arith.andi %add3A_348, %and3A_350 : vector<16xi32>
        %add3A_352 = arith.constant 0 : i32
        %add3A_353 = vector.broadcast %add3A_352 : i32 to vector<16xi32>
        %add3A_354 = arith.addi %and3A_351, %add3A_353 : vector<16xi32>
        %gather3A_355 = tpu.vector_load_idx %arg9[%add3A_323, %add3A_354] : memref<240x32xi32, #tpu.memory_space<vmem>>[vector<16xi32>, vector<16xi32>], vector<16xi32>,
        %gather3A_356 = tpu.vector_load_idx %arg10[%add3A_323, %add3A_354] : memref<240x32xi32, #tpu.memory_space<vmem>>[vector<16xi32>, vector<16xi32>], vector<16xi32>,
        %bitcast3A_357 = vector.bitcast %gather3A_355 : vector<16xi32> to vector<32xbf16>
        %unpack3A_358 = tpu.unpack_subelements %bitcast3A_357, 0 {pack_format = #tpu.pack_format<interleaved>} : vector<32xbf16> -> vector<16xf32>
        %unpack3A_359 = tpu.unpack_subelements %bitcast3A_357, 1 {pack_format = #tpu.pack_format<interleaved>} : vector<32xbf16> -> vector<16xf32>
        %bitcast3A_360 = vector.bitcast %gather3A_356 : vector<16xi32> to vector<32xbf16>
        %unpack3A_361 = tpu.unpack_subelements %bitcast3A_360, 0 {pack_format = #tpu.pack_format<interleaved>} : vector<32xbf16> -> vector<16xf32>
        %unpack3A_362 = tpu.unpack_subelements %bitcast3A_360, 1 {pack_format = #tpu.pack_format<interleaved>} : vector<32xbf16> -> vector<16xf32>
        %mul3A_363 = arith.mulf %unpack3A_358, %unpack3A_361 : vector<16xf32>
        %add3A_364 = arith.addf %broadcast_in_dim3A_0, %mul3A_363 : vector<16xf32>
        %mul3A_365 = arith.mulf %unpack3A_359, %unpack3A_362 : vector<16xf32>
        %add3A_366 = arith.addf %broadcast_in_dim3A_0, %mul3A_365 : vector<16xf32>
        %add3A_367 = arith.constant 2 : i32
        %add3A_368 = vector.broadcast %add3A_367 : i32 to vector<16xi32>
        %add3A_369 = arith.addi %iota3A_318, %add3A_368 : vector<16xi32>
        %and3A_370 = arith.constant 15 : i32
        %and3A_371 = vector.broadcast %and3A_370 : i32 to vector<16xi32>
        %and3A_372 = arith.andi %add3A_369, %and3A_371 : vector<16xi32>
        %add3A_373 = arith.constant 0 : i32
        %add3A_374 = vector.broadcast %add3A_373 : i32 to vector<16xi32>
        %add3A_375 = arith.addi %and3A_372, %add3A_374 : vector<16xi32>
        %gather3A_376 = tpu.vector_load_idx %arg9[%add3A_323, %add3A_375] : memref<240x32xi32, #tpu.memory_space<vmem>>[vector<16xi32>, vector<16xi32>], vector<16xi32>,
        %gather3A_377 = tpu.vector_load_idx %arg10[%add3A_323, %add3A_375] : memref<240x32xi32, #tpu.memory_space<vmem>>[vector<16xi32>, vector<16xi32>], vector<16xi32>,
        %bitcast3A_378 = vector.bitcast %gather3A_376 : vector<16xi32> to vector<32xbf16>
        %unpack3A_379 = tpu.unpack_subelements %bitcast3A_378, 0 {pack_format = #tpu.pack_format<interleaved>} : vector<32xbf16> -> vector<16xf32>
        %unpack3A_380 = tpu.unpack_subelements %bitcast3A_378, 1 {pack_format = #tpu.pack_format<interleaved>} : vector<32xbf16> -> vector<16xf32>
        %bitcast3A_381 = vector.bitcast %gather3A_377 : vector<16xi32> to vector<32xbf16>
        %unpack3A_382 = tpu.unpack_subelements %bitcast3A_381, 0 {pack_format = #tpu.pack_format<interleaved>} : vector<32xbf16> -> vector<16xf32>
        %unpack3A_383 = tpu.unpack_subelements %bitcast3A_381, 1 {pack_format = #tpu.pack_format<interleaved>} : vector<32xbf16> -> vector<16xf32>
        %mul3A_384 = arith.mulf %unpack3A_379, %unpack3A_382 : vector<16xf32>
        %add3A_385 = arith.addf %add3A_345, %mul3A_384 : vector<16xf32>
        %mul3A_386 = arith.mulf %unpack3A_380, %unpack3A_383 : vector<16xf32>
        %add3A_387 = arith.addf %add3A_343, %mul3A_386 : vector<16xf32>
        %add3A_388 = arith.constant 3 : i32
        %add3A_389 = vector.broadcast %add3A_388 : i32 to vector<16xi32>
        %add3A_390 = arith.addi %iota3A_318, %add3A_389 : vector<16xi32>
        %and3A_391 = arith.constant 15 : i32
        %and3A_392 = vector.broadcast %and3A_391 : i32 to vector<16xi32>
        %and3A_393 = arith.andi %add3A_390, %and3A_392 : vector<16xi32>
        %add3A_394 = arith.constant 0 : i32
        %add3A_395 = vector.broadcast %add3A_394 : i32 to vector<16xi32>
        %add3A_396 = arith.addi %and3A_393, %add3A_395 : vector<16xi32>
        %gather3A_397 = tpu.vector_load_idx %arg9[%add3A_323, %add3A_396] : memref<240x32xi32, #tpu.memory_space<vmem>>[vector<16xi32>, vector<16xi32>], vector<16xi32>,
        %gather3A_398 = tpu.vector_load_idx %arg10[%add3A_323, %add3A_396] : memref<240x32xi32, #tpu.memory_space<vmem>>[vector<16xi32>, vector<16xi32>], vector<16xi32>,
        %bitcast3A_399 = vector.bitcast %gather3A_397 : vector<16xi32> to vector<32xbf16>
        %unpack3A_400 = tpu.unpack_subelements %bitcast3A_399, 0 {pack_format = #tpu.pack_format<interleaved>} : vector<32xbf16> -> vector<16xf32>
        %unpack3A_401 = tpu.unpack_subelements %bitcast3A_399, 1 {pack_format = #tpu.pack_format<interleaved>} : vector<32xbf16> -> vector<16xf32>
        %bitcast3A_402 = vector.bitcast %gather3A_398 : vector<16xi32> to vector<32xbf16>
        %unpack3A_403 = tpu.unpack_subelements %bitcast3A_402, 0 {pack_format = #tpu.pack_format<interleaved>} : vector<32xbf16> -> vector<16xf32>
        %unpack3A_404 = tpu.unpack_subelements %bitcast3A_402, 1 {pack_format = #tpu.pack_format<interleaved>} : vector<32xbf16> -> vector<16xf32>
        %mul3A_405 = arith.mulf %unpack3A_400, %unpack3A_403 : vector<16xf32>
        %add3A_406 = arith.addf %add3A_366, %mul3A_405 : vector<16xf32>
        %mul3A_407 = arith.mulf %unpack3A_401, %unpack3A_404 : vector<16xf32>
        %add3A_408 = arith.addf %add3A_364, %mul3A_407 : vector<16xf32>
        %add3A_409 = arith.constant 4 : i32
        %add3A_410 = vector.broadcast %add3A_409 : i32 to vector<16xi32>
        %add3A_411 = arith.addi %iota3A_318, %add3A_410 : vector<16xi32>
        %and3A_412 = arith.constant 15 : i32
        %and3A_413 = vector.broadcast %and3A_412 : i32 to vector<16xi32>
        %and3A_414 = arith.andi %add3A_411, %and3A_413 : vector<16xi32>
        %add3A_415 = arith.constant 0 : i32
        %add3A_416 = vector.broadcast %add3A_415 : i32 to vector<16xi32>
        %add3A_417 = arith.addi %and3A_414, %add3A_416 : vector<16xi32>
        %gather3A_418 = tpu.vector_load_idx %arg9[%add3A_323, %add3A_417] : memref<240x32xi32, #tpu.memory_space<vmem>>[vector<16xi32>, vector<16xi32>], vector<16xi32>,
        %gather3A_419 = tpu.vector_load_idx %arg10[%add3A_323, %add3A_417] : memref<240x32xi32, #tpu.memory_space<vmem>>[vector<16xi32>, vector<16xi32>], vector<16xi32>,
        %bitcast3A_420 = vector.bitcast %gather3A_418 : vector<16xi32> to vector<32xbf16>
        %unpack3A_421 = tpu.unpack_subelements %bitcast3A_420, 0 {pack_format = #tpu.pack_format<interleaved>} : vector<32xbf16> -> vector<16xf32>
        %unpack3A_422 = tpu.unpack_subelements %bitcast3A_420, 1 {pack_format = #tpu.pack_format<interleaved>} : vector<32xbf16> -> vector<16xf32>
        %bitcast3A_423 = vector.bitcast %gather3A_419 : vector<16xi32> to vector<32xbf16>
        %unpack3A_424 = tpu.unpack_subelements %bitcast3A_423, 0 {pack_format = #tpu.pack_format<interleaved>} : vector<32xbf16> -> vector<16xf32>
        %unpack3A_425 = tpu.unpack_subelements %bitcast3A_423, 1 {pack_format = #tpu.pack_format<interleaved>} : vector<32xbf16> -> vector<16xf32>
        %mul3A_426 = arith.mulf %unpack3A_421, %unpack3A_424 : vector<16xf32>
        %add3A_427 = arith.addf %add3A_387, %mul3A_426 : vector<16xf32>
        %mul3A_428 = arith.mulf %unpack3A_422, %unpack3A_425 : vector<16xf32>
        %add3A_429 = arith.addf %add3A_385, %mul3A_428 : vector<16xf32>
        %add3A_430 = arith.constant 5 : i32
        %add3A_431 = vector.broadcast %add3A_430 : i32 to vector<16xi32>
        %add3A_432 = arith.addi %iota3A_318, %add3A_431 : vector<16xi32>
        %and3A_433 = arith.constant 15 : i32
        %and3A_434 = vector.broadcast %and3A_433 : i32 to vector<16xi32>
        %and3A_435 = arith.andi %add3A_432, %and3A_434 : vector<16xi32>
        %add3A_436 = arith.constant 0 : i32
        %add3A_437 = vector.broadcast %add3A_436 : i32 to vector<16xi32>
        %add3A_438 = arith.addi %and3A_435, %add3A_437 : vector<16xi32>
        %gather3A_439 = tpu.vector_load_idx %arg9[%add3A_323, %add3A_438] : memref<240x32xi32, #tpu.memory_space<vmem>>[vector<16xi32>, vector<16xi32>], vector<16xi32>,
        %gather3A_440 = tpu.vector_load_idx %arg10[%add3A_323, %add3A_438] : memref<240x32xi32, #tpu.memory_space<vmem>>[vector<16xi32>, vector<16xi32>], vector<16xi32>,
        %bitcast3A_441 = vector.bitcast %gather3A_439 : vector<16xi32> to vector<32xbf16>
        %unpack3A_442 = tpu.unpack_subelements %bitcast3A_441, 0 {pack_format = #tpu.pack_format<interleaved>} : vector<32xbf16> -> vector<16xf32>
        %unpack3A_443 = tpu.unpack_subelements %bitcast3A_441, 1 {pack_format = #tpu.pack_format<interleaved>} : vector<32xbf16> -> vector<16xf32>
        %bitcast3A_444 = vector.bitcast %gather3A_440 : vector<16xi32> to vector<32xbf16>
        %unpack3A_445 = tpu.unpack_subelements %bitcast3A_444, 0 {pack_format = #tpu.pack_format<interleaved>} : vector<32xbf16> -> vector<16xf32>
        %unpack3A_446 = tpu.unpack_subelements %bitcast3A_444, 1 {pack_format = #tpu.pack_format<interleaved>} : vector<32xbf16> -> vector<16xf32>
        %mul3A_447 = arith.mulf %unpack3A_442, %unpack3A_445 : vector<16xf32>
        %add3A_448 = arith.addf %add3A_408, %mul3A_447 : vector<16xf32>
        %mul3A_449 = arith.mulf %unpack3A_443, %unpack3A_446 : vector<16xf32>
        %add3A_450 = arith.addf %add3A_406, %mul3A_449 : vector<16xf32>
        %add3A_451 = arith.constant 6 : i32
        %add3A_452 = vector.broadcast %add3A_451 : i32 to vector<16xi32>
        %add3A_453 = arith.addi %iota3A_318, %add3A_452 : vector<16xi32>
        %and3A_454 = arith.constant 15 : i32
        %and3A_455 = vector.broadcast %and3A_454 : i32 to vector<16xi32>
        %and3A_456 = arith.andi %add3A_453, %and3A_455 : vector<16xi32>
        %add3A_457 = arith.constant 0 : i32
        %add3A_458 = vector.broadcast %add3A_457 : i32 to vector<16xi32>
        %add3A_459 = arith.addi %and3A_456, %add3A_458 : vector<16xi32>
        %gather3A_460 = tpu.vector_load_idx %arg9[%add3A_323, %add3A_459] : memref<240x32xi32, #tpu.memory_space<vmem>>[vector<16xi32>, vector<16xi32>], vector<16xi32>,
        %gather3A_461 = tpu.vector_load_idx %arg10[%add3A_323, %add3A_459] : memref<240x32xi32, #tpu.memory_space<vmem>>[vector<16xi32>, vector<16xi32>], vector<16xi32>,
        %bitcast3A_462 = vector.bitcast %gather3A_460 : vector<16xi32> to vector<32xbf16>
        %unpack3A_463 = tpu.unpack_subelements %bitcast3A_462, 0 {pack_format = #tpu.pack_format<interleaved>} : vector<32xbf16> -> vector<16xf32>
        %unpack3A_464 = tpu.unpack_subelements %bitcast3A_462, 1 {pack_format = #tpu.pack_format<interleaved>} : vector<32xbf16> -> vector<16xf32>
        %bitcast3A_465 = vector.bitcast %gather3A_461 : vector<16xi32> to vector<32xbf16>
        %unpack3A_466 = tpu.unpack_subelements %bitcast3A_465, 0 {pack_format = #tpu.pack_format<interleaved>} : vector<32xbf16> -> vector<16xf32>
        %unpack3A_467 = tpu.unpack_subelements %bitcast3A_465, 1 {pack_format = #tpu.pack_format<interleaved>} : vector<32xbf16> -> vector<16xf32>
        %mul3A_468 = arith.mulf %unpack3A_463, %unpack3A_466 : vector<16xf32>
        %add3A_469 = arith.addf %add3A_429, %mul3A_468 : vector<16xf32>
        %mul3A_470 = arith.mulf %unpack3A_464, %unpack3A_467 : vector<16xf32>
        %add3A_471 = arith.addf %add3A_427, %mul3A_470 : vector<16xf32>
        %add3A_472 = arith.constant 7 : i32
        %add3A_473 = vector.broadcast %add3A_472 : i32 to vector<16xi32>
        %add3A_474 = arith.addi %iota3A_318, %add3A_473 : vector<16xi32>
        %and3A_475 = arith.constant 15 : i32
        %and3A_476 = vector.broadcast %and3A_475 : i32 to vector<16xi32>
        %and3A_477 = arith.andi %add3A_474, %and3A_476 : vector<16xi32>
        %add3A_478 = arith.constant 0 : i32
        %add3A_479 = vector.broadcast %add3A_478 : i32 to vector<16xi32>
        %add3A_480 = arith.addi %and3A_477, %add3A_479 : vector<16xi32>
        %gather3A_481 = tpu.vector_load_idx %arg9[%add3A_323, %add3A_480] : memref<240x32xi32, #tpu.memory_space<vmem>>[vector<16xi32>, vector<16xi32>], vector<16xi32>,
        %gather3A_482 = tpu.vector_load_idx %arg10[%add3A_323, %add3A_480] : memref<240x32xi32, #tpu.memory_space<vmem>>[vector<16xi32>, vector<16xi32>], vector<16xi32>,
        %bitcast3A_483 = vector.bitcast %gather3A_481 : vector<16xi32> to vector<32xbf16>
        %unpack3A_484 = tpu.unpack_subelements %bitcast3A_483, 0 {pack_format = #tpu.pack_format<interleaved>} : vector<32xbf16> -> vector<16xf32>
        %unpack3A_485 = tpu.unpack_subelements %bitcast3A_483, 1 {pack_format = #tpu.pack_format<interleaved>} : vector<32xbf16> -> vector<16xf32>
        %bitcast3A_486 = vector.bitcast %gather3A_482 : vector<16xi32> to vector<32xbf16>
        %unpack3A_487 = tpu.unpack_subelements %bitcast3A_486, 0 {pack_format = #tpu.pack_format<interleaved>} : vector<32xbf16> -> vector<16xf32>
        %unpack3A_488 = tpu.unpack_subelements %bitcast3A_486, 1 {pack_format = #tpu.pack_format<interleaved>} : vector<32xbf16> -> vector<16xf32>
        %mul3A_489 = arith.mulf %unpack3A_484, %unpack3A_487 : vector<16xf32>
        %add3A_490 = arith.addf %add3A_450, %mul3A_489 : vector<16xf32>
        %mul3A_491 = arith.mulf %unpack3A_485, %unpack3A_488 : vector<16xf32>
        %add3A_492 = arith.addf %add3A_448, %mul3A_491 : vector<16xf32>
        %add3A_493 = arith.constant 8 : i32
        %add3A_494 = vector.broadcast %add3A_493 : i32 to vector<16xi32>
        %add3A_495 = arith.addi %iota3A_318, %add3A_494 : vector<16xi32>
        %and3A_496 = arith.constant 15 : i32
        %and3A_497 = vector.broadcast %and3A_496 : i32 to vector<16xi32>
        %and3A_498 = arith.andi %add3A_495, %and3A_497 : vector<16xi32>
        %add3A_499 = arith.constant 0 : i32
        %add3A_500 = vector.broadcast %add3A_499 : i32 to vector<16xi32>
        %add3A_501 = arith.addi %and3A_498, %add3A_500 : vector<16xi32>
        %gather3A_502 = tpu.vector_load_idx %arg9[%add3A_323, %add3A_501] : memref<240x32xi32, #tpu.memory_space<vmem>>[vector<16xi32>, vector<16xi32>], vector<16xi32>,
        %gather3A_503 = tpu.vector_load_idx %arg10[%add3A_323, %add3A_501] : memref<240x32xi32, #tpu.memory_space<vmem>>[vector<16xi32>, vector<16xi32>], vector<16xi32>,
        %bitcast3A_504 = vector.bitcast %gather3A_502 : vector<16xi32> to vector<32xbf16>
        %unpack3A_505 = tpu.unpack_subelements %bitcast3A_504, 0 {pack_format = #tpu.pack_format<interleaved>} : vector<32xbf16> -> vector<16xf32>
        %unpack3A_506 = tpu.unpack_subelements %bitcast3A_504, 1 {pack_format = #tpu.pack_format<interleaved>} : vector<32xbf16> -> vector<16xf32>
        %bitcast3A_507 = vector.bitcast %gather3A_503 : vector<16xi32> to vector<32xbf16>
        %unpack3A_508 = tpu.unpack_subelements %bitcast3A_507, 0 {pack_format = #tpu.pack_format<interleaved>} : vector<32xbf16> -> vector<16xf32>
        %unpack3A_509 = tpu.unpack_subelements %bitcast3A_507, 1 {pack_format = #tpu.pack_format<interleaved>} : vector<32xbf16> -> vector<16xf32>
        %mul3A_510 = arith.mulf %unpack3A_505, %unpack3A_508 : vector<16xf32>
        %add3A_511 = arith.addf %add3A_471, %mul3A_510 : vector<16xf32>
        %mul3A_512 = arith.mulf %unpack3A_506, %unpack3A_509 : vector<16xf32>
        %add3A_513 = arith.addf %add3A_469, %mul3A_512 : vector<16xf32>
        %add3A_514 = arith.constant 9 : i32
        %add3A_515 = vector.broadcast %add3A_514 : i32 to vector<16xi32>
        %add3A_516 = arith.addi %iota3A_318, %add3A_515 : vector<16xi32>
        %and3A_517 = arith.constant 15 : i32
        %and3A_518 = vector.broadcast %and3A_517 : i32 to vector<16xi32>
        %and3A_519 = arith.andi %add3A_516, %and3A_518 : vector<16xi32>
        %add3A_520 = arith.constant 0 : i32
        %add3A_521 = vector.broadcast %add3A_520 : i32 to vector<16xi32>
        %add3A_522 = arith.addi %and3A_519, %add3A_521 : vector<16xi32>
        %gather3A_523 = tpu.vector_load_idx %arg9[%add3A_323, %add3A_522] : memref<240x32xi32, #tpu.memory_space<vmem>>[vector<16xi32>, vector<16xi32>], vector<16xi32>,
        %gather3A_524 = tpu.vector_load_idx %arg10[%add3A_323, %add3A_522] : memref<240x32xi32, #tpu.memory_space<vmem>>[vector<16xi32>, vector<16xi32>], vector<16xi32>,
        %bitcast3A_525 = vector.bitcast %gather3A_523 : vector<16xi32> to vector<32xbf16>
        %unpack3A_526 = tpu.unpack_subelements %bitcast3A_525, 0 {pack_format = #tpu.pack_format<interleaved>} : vector<32xbf16> -> vector<16xf32>
        %unpack3A_527 = tpu.unpack_subelements %bitcast3A_525, 1 {pack_format = #tpu.pack_format<interleaved>} : vector<32xbf16> -> vector<16xf32>
        %bitcast3A_528 = vector.bitcast %gather3A_524 : vector<16xi32> to vector<32xbf16>
        %unpack3A_529 = tpu.unpack_subelements %bitcast3A_528, 0 {pack_format = #tpu.pack_format<interleaved>} : vector<32xbf16> -> vector<16xf32>
        %unpack3A_530 = tpu.unpack_subelements %bitcast3A_528, 1 {pack_format = #tpu.pack_format<interleaved>} : vector<32xbf16> -> vector<16xf32>
        %mul3A_531 = arith.mulf %unpack3A_526, %unpack3A_529 : vector<16xf32>
        %add3A_532 = arith.addf %add3A_492, %mul3A_531 : vector<16xf32>
        %mul3A_533 = arith.mulf %unpack3A_527, %unpack3A_530 : vector<16xf32>
        %add3A_534 = arith.addf %add3A_490, %mul3A_533 : vector<16xf32>
        %add3A_535 = arith.constant 10 : i32
        %add3A_536 = vector.broadcast %add3A_535 : i32 to vector<16xi32>
        %add3A_537 = arith.addi %iota3A_318, %add3A_536 : vector<16xi32>
        %and3A_538 = arith.constant 15 : i32
        %and3A_539 = vector.broadcast %and3A_538 : i32 to vector<16xi32>
        %and3A_540 = arith.andi %add3A_537, %and3A_539 : vector<16xi32>
        %add3A_541 = arith.constant 0 : i32
        %add3A_542 = vector.broadcast %add3A_541 : i32 to vector<16xi32>
        %add3A_543 = arith.addi %and3A_540, %add3A_542 : vector<16xi32>
        %gather3A_544 = tpu.vector_load_idx %arg9[%add3A_323, %add3A_543] : memref<240x32xi32, #tpu.memory_space<vmem>>[vector<16xi32>, vector<16xi32>], vector<16xi32>,
        %gather3A_545 = tpu.vector_load_idx %arg10[%add3A_323, %add3A_543] : memref<240x32xi32, #tpu.memory_space<vmem>>[vector<16xi32>, vector<16xi32>], vector<16xi32>,
        %bitcast3A_546 = vector.bitcast %gather3A_544 : vector<16xi32> to vector<32xbf16>
        %unpack3A_547 = tpu.unpack_subelements %bitcast3A_546, 0 {pack_format = #tpu.pack_format<interleaved>} : vector<32xbf16> -> vector<16xf32>
        %unpack3A_548 = tpu.unpack_subelements %bitcast3A_546, 1 {pack_format = #tpu.pack_format<interleaved>} : vector<32xbf16> -> vector<16xf32>
        %bitcast3A_549 = vector.bitcast %gather3A_545 : vector<16xi32> to vector<32xbf16>
        %unpack3A_550 = tpu.unpack_subelements %bitcast3A_549, 0 {pack_format = #tpu.pack_format<interleaved>} : vector<32xbf16> -> vector<16xf32>
        %unpack3A_551 = tpu.unpack_subelements %bitcast3A_549, 1 {pack_format = #tpu.pack_format<interleaved>} : vector<32xbf16> -> vector<16xf32>
        %mul3A_552 = arith.mulf %unpack3A_547, %unpack3A_550 : vector<16xf32>
        %add3A_553 = arith.addf %add3A_513, %mul3A_552 : vector<16xf32>
        %mul3A_554 = arith.mulf %unpack3A_548, %unpack3A_551 : vector<16xf32>
        %add3A_555 = arith.addf %add3A_511, %mul3A_554 : vector<16xf32>
        %add3A_556 = arith.constant 11 : i32
        %add3A_557 = vector.broadcast %add3A_556 : i32 to vector<16xi32>
        %add3A_558 = arith.addi %iota3A_318, %add3A_557 : vector<16xi32>
        %and3A_559 = arith.constant 15 : i32
        %and3A_560 = vector.broadcast %and3A_559 : i32 to vector<16xi32>
        %and3A_561 = arith.andi %add3A_558, %and3A_560 : vector<16xi32>
        %add3A_562 = arith.constant 0 : i32
        %add3A_563 = vector.broadcast %add3A_562 : i32 to vector<16xi32>
        %add3A_564 = arith.addi %and3A_561, %add3A_563 : vector<16xi32>
        %gather3A_565 = tpu.vector_load_idx %arg9[%add3A_323, %add3A_564] : memref<240x32xi32, #tpu.memory_space<vmem>>[vector<16xi32>, vector<16xi32>], vector<16xi32>,
        %gather3A_566 = tpu.vector_load_idx %arg10[%add3A_323, %add3A_564] : memref<240x32xi32, #tpu.memory_space<vmem>>[vector<16xi32>, vector<16xi32>], vector<16xi32>,
        %bitcast3A_567 = vector.bitcast %gather3A_565 : vector<16xi32> to vector<32xbf16>
        %unpack3A_568 = tpu.unpack_subelements %bitcast3A_567, 0 {pack_format = #tpu.pack_format<interleaved>} : vector<32xbf16> -> vector<16xf32>
        %unpack3A_569 = tpu.unpack_subelements %bitcast3A_567, 1 {pack_format = #tpu.pack_format<interleaved>} : vector<32xbf16> -> vector<16xf32>
        %bitcast3A_570 = vector.bitcast %gather3A_566 : vector<16xi32> to vector<32xbf16>
        %unpack3A_571 = tpu.unpack_subelements %bitcast3A_570, 0 {pack_format = #tpu.pack_format<interleaved>} : vector<32xbf16> -> vector<16xf32>
        %unpack3A_572 = tpu.unpack_subelements %bitcast3A_570, 1 {pack_format = #tpu.pack_format<interleaved>} : vector<32xbf16> -> vector<16xf32>
        %mul3A_573 = arith.mulf %unpack3A_568, %unpack3A_571 : vector<16xf32>
        %add3A_574 = arith.addf %add3A_534, %mul3A_573 : vector<16xf32>
        %mul3A_575 = arith.mulf %unpack3A_569, %unpack3A_572 : vector<16xf32>
        %add3A_576 = arith.addf %add3A_532, %mul3A_575 : vector<16xf32>
        %add3A_577 = arith.constant 12 : i32
        %add3A_578 = vector.broadcast %add3A_577 : i32 to vector<16xi32>
        %add3A_579 = arith.addi %iota3A_318, %add3A_578 : vector<16xi32>
        %and3A_580 = arith.constant 15 : i32
        %and3A_581 = vector.broadcast %and3A_580 : i32 to vector<16xi32>
        %and3A_582 = arith.andi %add3A_579, %and3A_581 : vector<16xi32>
        %add3A_583 = arith.constant 0 : i32
        %add3A_584 = vector.broadcast %add3A_583 : i32 to vector<16xi32>
        %add3A_585 = arith.addi %and3A_582, %add3A_584 : vector<16xi32>
        %gather3A_586 = tpu.vector_load_idx %arg9[%add3A_323, %add3A_585] : memref<240x32xi32, #tpu.memory_space<vmem>>[vector<16xi32>, vector<16xi32>], vector<16xi32>,
        %gather3A_587 = tpu.vector_load_idx %arg10[%add3A_323, %add3A_585] : memref<240x32xi32, #tpu.memory_space<vmem>>[vector<16xi32>, vector<16xi32>], vector<16xi32>,
        %bitcast3A_588 = vector.bitcast %gather3A_586 : vector<16xi32> to vector<32xbf16>
        %unpack3A_589 = tpu.unpack_subelements %bitcast3A_588, 0 {pack_format = #tpu.pack_format<interleaved>} : vector<32xbf16> -> vector<16xf32>
        %unpack3A_590 = tpu.unpack_subelements %bitcast3A_588, 1 {pack_format = #tpu.pack_format<interleaved>} : vector<32xbf16> -> vector<16xf32>
        %bitcast3A_591 = vector.bitcast %gather3A_587 : vector<16xi32> to vector<32xbf16>
        %unpack3A_592 = tpu.unpack_subelements %bitcast3A_591, 0 {pack_format = #tpu.pack_format<interleaved>} : vector<32xbf16> -> vector<16xf32>
        %unpack3A_593 = tpu.unpack_subelements %bitcast3A_591, 1 {pack_format = #tpu.pack_format<interleaved>} : vector<32xbf16> -> vector<16xf32>
        %mul3A_594 = arith.mulf %unpack3A_589, %unpack3A_592 : vector<16xf32>
        %add3A_595 = arith.addf %add3A_555, %mul3A_594 : vector<16xf32>
        %mul3A_596 = arith.mulf %unpack3A_590, %unpack3A_593 : vector<16xf32>
        %add3A_597 = arith.addf %add3A_553, %mul3A_596 : vector<16xf32>
        %add3A_598 = arith.constant 13 : i32
        %add3A_599 = vector.broadcast %add3A_598 : i32 to vector<16xi32>
        %add3A_600 = arith.addi %iota3A_318, %add3A_599 : vector<16xi32>
        %and3A_601 = arith.constant 15 : i32
        %and3A_602 = vector.broadcast %and3A_601 : i32 to vector<16xi32>
        %and3A_603 = arith.andi %add3A_600, %and3A_602 : vector<16xi32>
        %add3A_604 = arith.constant 0 : i32
        %add3A_605 = vector.broadcast %add3A_604 : i32 to vector<16xi32>
        %add3A_606 = arith.addi %and3A_603, %add3A_605 : vector<16xi32>
        %gather3A_607 = tpu.vector_load_idx %arg9[%add3A_323, %add3A_606] : memref<240x32xi32, #tpu.memory_space<vmem>>[vector<16xi32>, vector<16xi32>], vector<16xi32>,
        %gather3A_608 = tpu.vector_load_idx %arg10[%add3A_323, %add3A_606] : memref<240x32xi32, #tpu.memory_space<vmem>>[vector<16xi32>, vector<16xi32>], vector<16xi32>,
        %bitcast3A_609 = vector.bitcast %gather3A_607 : vector<16xi32> to vector<32xbf16>
        %unpack3A_610 = tpu.unpack_subelements %bitcast3A_609, 0 {pack_format = #tpu.pack_format<interleaved>} : vector<32xbf16> -> vector<16xf32>
        %unpack3A_611 = tpu.unpack_subelements %bitcast3A_609, 1 {pack_format = #tpu.pack_format<interleaved>} : vector<32xbf16> -> vector<16xf32>
        %bitcast3A_612 = vector.bitcast %gather3A_608 : vector<16xi32> to vector<32xbf16>
        %unpack3A_613 = tpu.unpack_subelements %bitcast3A_612, 0 {pack_format = #tpu.pack_format<interleaved>} : vector<32xbf16> -> vector<16xf32>
        %unpack3A_614 = tpu.unpack_subelements %bitcast3A_612, 1 {pack_format = #tpu.pack_format<interleaved>} : vector<32xbf16> -> vector<16xf32>
        %mul3A_615 = arith.mulf %unpack3A_610, %unpack3A_613 : vector<16xf32>
        %add3A_616 = arith.addf %add3A_576, %mul3A_615 : vector<16xf32>
        %mul3A_617 = arith.mulf %unpack3A_611, %unpack3A_614 : vector<16xf32>
        %add3A_618 = arith.addf %add3A_574, %mul3A_617 : vector<16xf32>
        %add3A_619 = arith.constant 14 : i32
        %add3A_620 = vector.broadcast %add3A_619 : i32 to vector<16xi32>
        %add3A_621 = arith.addi %iota3A_318, %add3A_620 : vector<16xi32>
        %and3A_622 = arith.constant 15 : i32
        %and3A_623 = vector.broadcast %and3A_622 : i32 to vector<16xi32>
        %and3A_624 = arith.andi %add3A_621, %and3A_623 : vector<16xi32>
        %add3A_625 = arith.constant 0 : i32
        %add3A_626 = vector.broadcast %add3A_625 : i32 to vector<16xi32>
        %add3A_627 = arith.addi %and3A_624, %add3A_626 : vector<16xi32>
        %gather3A_628 = tpu.vector_load_idx %arg9[%add3A_323, %add3A_627] : memref<240x32xi32, #tpu.memory_space<vmem>>[vector<16xi32>, vector<16xi32>], vector<16xi32>,
        %gather3A_629 = tpu.vector_load_idx %arg10[%add3A_323, %add3A_627] : memref<240x32xi32, #tpu.memory_space<vmem>>[vector<16xi32>, vector<16xi32>], vector<16xi32>,
        %bitcast3A_630 = vector.bitcast %gather3A_628 : vector<16xi32> to vector<32xbf16>
        %unpack3A_631 = tpu.unpack_subelements %bitcast3A_630, 0 {pack_format = #tpu.pack_format<interleaved>} : vector<32xbf16> -> vector<16xf32>
        %unpack3A_632 = tpu.unpack_subelements %bitcast3A_630, 1 {pack_format = #tpu.pack_format<interleaved>} : vector<32xbf16> -> vector<16xf32>
        %bitcast3A_633 = vector.bitcast %gather3A_629 : vector<16xi32> to vector<32xbf16>
        %unpack3A_634 = tpu.unpack_subelements %bitcast3A_633, 0 {pack_format = #tpu.pack_format<interleaved>} : vector<32xbf16> -> vector<16xf32>
        %unpack3A_635 = tpu.unpack_subelements %bitcast3A_633, 1 {pack_format = #tpu.pack_format<interleaved>} : vector<32xbf16> -> vector<16xf32>
        %mul3A_636 = arith.mulf %unpack3A_631, %unpack3A_634 : vector<16xf32>
        %add3A_637 = arith.addf %add3A_597, %mul3A_636 : vector<16xf32>
        %mul3A_638 = arith.mulf %unpack3A_632, %unpack3A_635 : vector<16xf32>
        %add3A_639 = arith.addf %add3A_595, %mul3A_638 : vector<16xf32>
        %add3A_640 = arith.constant 15 : i32
        %add3A_641 = vector.broadcast %add3A_640 : i32 to vector<16xi32>
        %add3A_642 = arith.addi %iota3A_318, %add3A_641 : vector<16xi32>
        %and3A_643 = arith.constant 15 : i32
        %and3A_644 = vector.broadcast %and3A_643 : i32 to vector<16xi32>
        %and3A_645 = arith.andi %add3A_642, %and3A_644 : vector<16xi32>
        %add3A_646 = arith.constant 0 : i32
        %add3A_647 = vector.broadcast %add3A_646 : i32 to vector<16xi32>
        %add3A_648 = arith.addi %and3A_645, %add3A_647 : vector<16xi32>
        %gather3A_649 = tpu.vector_load_idx %arg9[%add3A_323, %add3A_648] : memref<240x32xi32, #tpu.memory_space<vmem>>[vector<16xi32>, vector<16xi32>], vector<16xi32>,
        %gather3A_650 = tpu.vector_load_idx %arg10[%add3A_323, %add3A_648] : memref<240x32xi32, #tpu.memory_space<vmem>>[vector<16xi32>, vector<16xi32>], vector<16xi32>,
        %bitcast3A_651 = vector.bitcast %gather3A_649 : vector<16xi32> to vector<32xbf16>
        %unpack3A_652 = tpu.unpack_subelements %bitcast3A_651, 0 {pack_format = #tpu.pack_format<interleaved>} : vector<32xbf16> -> vector<16xf32>
        %unpack3A_653 = tpu.unpack_subelements %bitcast3A_651, 1 {pack_format = #tpu.pack_format<interleaved>} : vector<32xbf16> -> vector<16xf32>
        %bitcast3A_654 = vector.bitcast %gather3A_650 : vector<16xi32> to vector<32xbf16>
        %unpack3A_655 = tpu.unpack_subelements %bitcast3A_654, 0 {pack_format = #tpu.pack_format<interleaved>} : vector<32xbf16> -> vector<16xf32>
        %unpack3A_656 = tpu.unpack_subelements %bitcast3A_654, 1 {pack_format = #tpu.pack_format<interleaved>} : vector<32xbf16> -> vector<16xf32>
        %mul3A_657 = arith.mulf %unpack3A_652, %unpack3A_655 : vector<16xf32>
        %add3A_658 = arith.addf %add3A_618, %mul3A_657 : vector<16xf32>
        %mul3A_659 = arith.mulf %unpack3A_653, %unpack3A_656 : vector<16xf32>
        %add3A_660 = arith.addf %add3A_616, %mul3A_659 : vector<16xf32>
        %add3A_661 = arith.addf %add3A_639, %add3A_660 : vector<16xf32>
        %add3A_662 = arith.addf %add3A_637, %add3A_658 : vector<16xf32>
        %add3A_663 = arith.addf %add3A_661, %add3A_662 : vector<16xf32>
        %mul3A_664 = arith.constant 0.176776692 : f32
        %mul3A_665 = vector.broadcast %mul3A_664 : f32 to vector<16xf32>
        %mul3A_666 = arith.mulf %add3A_663, %mul3A_665 : vector<16xf32>
        %exp3A = math.exp %mul3A_666 : vector<16xf32>
        %mul3A_667 = arith.mulf %unpack3A, %exp3A : vector<16xf32>
        tpu.vector_store_idx %arg11[%add3A_328, %add3A_336], %mul3A_667 : memref<240x80xf32, #tpu.memory_space<vmem>>[vector<16xi32>, vector<16xi32>], vector<16xf32>,
        %add3A_668 = arith.constant 32 : i32
        %add3A_669 = vector.broadcast %add3A_668 : i32 to vector<16xi32>
        %add3A_670 = arith.addi %add3A_336, %add3A_669 : vector<16xi32>
        %mul3A_671 = arith.mulf %unpack3A_338, %exp3A : vector<16xf32>
        tpu.vector_store_idx %arg11[%add3A_328, %add3A_670], %mul3A_671 : memref<240x80xf32, #tpu.memory_space<vmem>>[vector<16xi32>, vector<16xi32>], vector<16xf32>,
        %mul3A_672 = arith.mulf %unpack3A_358, %exp3A : vector<16xf32>
        tpu.vector_store_idx %arg11[%add3A_328, %add3A_354], %mul3A_672 : memref<240x80xf32, #tpu.memory_space<vmem>>[vector<16xi32>, vector<16xi32>], vector<16xf32>,
        %add3A_673 = arith.constant 32 : i32
        %add3A_674 = vector.broadcast %add3A_673 : i32 to vector<16xi32>
        %add3A_675 = arith.addi %add3A_354, %add3A_674 : vector<16xi32>
        %mul3A_676 = arith.mulf %unpack3A_359, %exp3A : vector<16xf32>
        tpu.vector_store_idx %arg11[%add3A_328, %add3A_675], %mul3A_676 : memref<240x80xf32, #tpu.memory_space<vmem>>[vector<16xi32>, vector<16xi32>], vector<16xf32>,
        %mul3A_677 = arith.mulf %unpack3A_379, %exp3A : vector<16xf32>
        tpu.vector_store_idx %arg11[%add3A_328, %add3A_375], %mul3A_677 : memref<240x80xf32, #tpu.memory_space<vmem>>[vector<16xi32>, vector<16xi32>], vector<16xf32>,
        %add3A_678 = arith.constant 32 : i32
        %add3A_679 = vector.broadcast %add3A_678 : i32 to vector<16xi32>
        %add3A_680 = arith.addi %add3A_375, %add3A_679 : vector<16xi32>
        %mul3A_681 = arith.mulf %unpack3A_380, %exp3A : vector<16xf32>
        tpu.vector_store_idx %arg11[%add3A_328, %add3A_680], %mul3A_681 : memref<240x80xf32, #tpu.memory_space<vmem>>[vector<16xi32>, vector<16xi32>], vector<16xf32>,
        %mul3A_682 = arith.mulf %unpack3A_400, %exp3A : vector<16xf32>
        tpu.vector_store_idx %arg11[%add3A_328, %add3A_396], %mul3A_682 : memref<240x80xf32, #tpu.memory_space<vmem>>[vector<16xi32>, vector<16xi32>], vector<16xf32>,
        %add3A_683 = arith.constant 32 : i32
        %add3A_684 = vector.broadcast %add3A_683 : i32 to vector<16xi32>
        %add3A_685 = arith.addi %add3A_396, %add3A_684 : vector<16xi32>
        %mul3A_686 = arith.mulf %unpack3A_401, %exp3A : vector<16xf32>
        tpu.vector_store_idx %arg11[%add3A_328, %add3A_685], %mul3A_686 : memref<240x80xf32, #tpu.memory_space<vmem>>[vector<16xi32>, vector<16xi32>], vector<16xf32>,
        %mul3A_687 = arith.mulf %unpack3A_421, %exp3A : vector<16xf32>
        tpu.vector_store_idx %arg11[%add3A_328, %add3A_417], %mul3A_687 : memref<240x80xf32, #tpu.memory_space<vmem>>[vector<16xi32>, vector<16xi32>], vector<16xf32>,
        %add3A_688 = arith.constant 32 : i32
        %add3A_689 = vector.broadcast %add3A_688 : i32 to vector<16xi32>
        %add3A_690 = arith.addi %add3A_417, %add3A_689 : vector<16xi32>
        %mul3A_691 = arith.mulf %unpack3A_422, %exp3A : vector<16xf32>
        tpu.vector_store_idx %arg11[%add3A_328, %add3A_690], %mul3A_691 : memref<240x80xf32, #tpu.memory_space<vmem>>[vector<16xi32>, vector<16xi32>], vector<16xf32>,
        %mul3A_692 = arith.mulf %unpack3A_442, %exp3A : vector<16xf32>
        tpu.vector_store_idx %arg11[%add3A_328, %add3A_438], %mul3A_692 : memref<240x80xf32, #tpu.memory_space<vmem>>[vector<16xi32>, vector<16xi32>], vector<16xf32>,
        %add3A_693 = arith.constant 32 : i32
        %add3A_694 = vector.broadcast %add3A_693 : i32 to vector<16xi32>
        %add3A_695 = arith.addi %add3A_438, %add3A_694 : vector<16xi32>
        %mul3A_696 = arith.mulf %unpack3A_443, %exp3A : vector<16xf32>
        tpu.vector_store_idx %arg11[%add3A_328, %add3A_695], %mul3A_696 : memref<240x80xf32, #tpu.memory_space<vmem>>[vector<16xi32>, vector<16xi32>], vector<16xf32>,
        %mul3A_697 = arith.mulf %unpack3A_463, %exp3A : vector<16xf32>
        tpu.vector_store_idx %arg11[%add3A_328, %add3A_459], %mul3A_697 : memref<240x80xf32, #tpu.memory_space<vmem>>[vector<16xi32>, vector<16xi32>], vector<16xf32>,
        %add3A_698 = arith.constant 32 : i32
        %add3A_699 = vector.broadcast %add3A_698 : i32 to vector<16xi32>
        %add3A_700 = arith.addi %add3A_459, %add3A_699 : vector<16xi32>
        %mul3A_701 = arith.mulf %unpack3A_464, %exp3A : vector<16xf32>
        tpu.vector_store_idx %arg11[%add3A_328, %add3A_700], %mul3A_701 : memref<240x80xf32, #tpu.memory_space<vmem>>[vector<16xi32>, vector<16xi32>], vector<16xf32>,
        %mul3A_702 = arith.mulf %unpack3A_484, %exp3A : vector<16xf32>
        tpu.vector_store_idx %arg11[%add3A_328, %add3A_480], %mul3A_702 : memref<240x80xf32, #tpu.memory_space<vmem>>[vector<16xi32>, vector<16xi32>], vector<16xf32>,
        %add3A_703 = arith.constant 32 : i32
        %add3A_704 = vector.broadcast %add3A_703 : i32 to vector<16xi32>
        %add3A_705 = arith.addi %add3A_480, %add3A_704 : vector<16xi32>
        %mul3A_706 = arith.mulf %unpack3A_485, %exp3A : vector<16xf32>
        tpu.vector_store_idx %arg11[%add3A_328, %add3A_705], %mul3A_706 : memref<240x80xf32, #tpu.memory_space<vmem>>[vector<16xi32>, vector<16xi32>], vector<16xf32>,
        %mul3A_707 = arith.mulf %unpack3A_505, %exp3A : vector<16xf32>
        tpu.vector_store_idx %arg11[%add3A_328, %add3A_501], %mul3A_707 : memref<240x80xf32, #tpu.memory_space<vmem>>[vector<16xi32>, vector<16xi32>], vector<16xf32>,
        %add3A_708 = arith.constant 32 : i32
        %add3A_709 = vector.broadcast %add3A_708 : i32 to vector<16xi32>
        %add3A_710 = arith.addi %add3A_501, %add3A_709 : vector<16xi32>
        %mul3A_711 = arith.mulf %unpack3A_506, %exp3A : vector<16xf32>
        tpu.vector_store_idx %arg11[%add3A_328, %add3A_710], %mul3A_711 : memref<240x80xf32, #tpu.memory_space<vmem>>[vector<16xi32>, vector<16xi32>], vector<16xf32>,
        %mul3A_712 = arith.mulf %unpack3A_526, %exp3A : vector<16xf32>
        tpu.vector_store_idx %arg11[%add3A_328, %add3A_522], %mul3A_712 : memref<240x80xf32, #tpu.memory_space<vmem>>[vector<16xi32>, vector<16xi32>], vector<16xf32>,
        %add3A_713 = arith.constant 32 : i32
        %add3A_714 = vector.broadcast %add3A_713 : i32 to vector<16xi32>
        %add3A_715 = arith.addi %add3A_522, %add3A_714 : vector<16xi32>
        %mul3A_716 = arith.mulf %unpack3A_527, %exp3A : vector<16xf32>
        tpu.vector_store_idx %arg11[%add3A_328, %add3A_715], %mul3A_716 : memref<240x80xf32, #tpu.memory_space<vmem>>[vector<16xi32>, vector<16xi32>], vector<16xf32>,
        %mul3A_717 = arith.mulf %unpack3A_547, %exp3A : vector<16xf32>
        tpu.vector_store_idx %arg11[%add3A_328, %add3A_543], %mul3A_717 : memref<240x80xf32, #tpu.memory_space<vmem>>[vector<16xi32>, vector<16xi32>], vector<16xf32>,
        %add3A_718 = arith.constant 32 : i32
        %add3A_719 = vector.broadcast %add3A_718 : i32 to vector<16xi32>
        %add3A_720 = arith.addi %add3A_543, %add3A_719 : vector<16xi32>
        %mul3A_721 = arith.mulf %unpack3A_548, %exp3A : vector<16xf32>
        tpu.vector_store_idx %arg11[%add3A_328, %add3A_720], %mul3A_721 : memref<240x80xf32, #tpu.memory_space<vmem>>[vector<16xi32>, vector<16xi32>], vector<16xf32>,
        %mul3A_722 = arith.mulf %unpack3A_568, %exp3A : vector<16xf32>
        tpu.vector_store_idx %arg11[%add3A_328, %add3A_564], %mul3A_722 : memref<240x80xf32, #tpu.memory_space<vmem>>[vector<16xi32>, vector<16xi32>], vector<16xf32>,
        %add3A_723 = arith.constant 32 : i32
        %add3A_724 = vector.broadcast %add3A_723 : i32 to vector<16xi32>
        %add3A_725 = arith.addi %add3A_564, %add3A_724 : vector<16xi32>
        %mul3A_726 = arith.mulf %unpack3A_569, %exp3A : vector<16xf32>
        tpu.vector_store_idx %arg11[%add3A_328, %add3A_725], %mul3A_726 : memref<240x80xf32, #tpu.memory_space<vmem>>[vector<16xi32>, vector<16xi32>], vector<16xf32>,
        %mul3A_727 = arith.mulf %unpack3A_589, %exp3A : vector<16xf32>
        tpu.vector_store_idx %arg11[%add3A_328, %add3A_585], %mul3A_727 : memref<240x80xf32, #tpu.memory_space<vmem>>[vector<16xi32>, vector<16xi32>], vector<16xf32>,
        %add3A_728 = arith.constant 32 : i32
        %add3A_729 = vector.broadcast %add3A_728 : i32 to vector<16xi32>
        %add3A_730 = arith.addi %add3A_585, %add3A_729 : vector<16xi32>
        %mul3A_731 = arith.mulf %unpack3A_590, %exp3A : vector<16xf32>
        tpu.vector_store_idx %arg11[%add3A_328, %add3A_730], %mul3A_731 : memref<240x80xf32, #tpu.memory_space<vmem>>[vector<16xi32>, vector<16xi32>], vector<16xf32>,
        %mul3A_732 = arith.mulf %unpack3A_610, %exp3A : vector<16xf32>
        tpu.vector_store_idx %arg11[%add3A_328, %add3A_606], %mul3A_732 : memref<240x80xf32, #tpu.memory_space<vmem>>[vector<16xi32>, vector<16xi32>], vector<16xf32>,
        %add3A_733 = arith.constant 32 : i32
        %add3A_734 = vector.broadcast %add3A_733 : i32 to vector<16xi32>
        %add3A_735 = arith.addi %add3A_606, %add3A_734 : vector<16xi32>
        %mul3A_736 = arith.mulf %unpack3A_611, %exp3A : vector<16xf32>
        tpu.vector_store_idx %arg11[%add3A_328, %add3A_735], %mul3A_736 : memref<240x80xf32, #tpu.memory_space<vmem>>[vector<16xi32>, vector<16xi32>], vector<16xf32>,
        %mul3A_737 = arith.mulf %unpack3A_631, %exp3A : vector<16xf32>
        tpu.vector_store_idx %arg11[%add3A_328, %add3A_627], %mul3A_737 : memref<240x80xf32, #tpu.memory_space<vmem>>[vector<16xi32>, vector<16xi32>], vector<16xf32>,
        %add3A_738 = arith.constant 32 : i32
        %add3A_739 = vector.broadcast %add3A_738 : i32 to vector<16xi32>
        %add3A_740 = arith.addi %add3A_627, %add3A_739 : vector<16xi32>
        %mul3A_741 = arith.mulf %unpack3A_632, %exp3A : vector<16xf32>
        tpu.vector_store_idx %arg11[%add3A_328, %add3A_740], %mul3A_741 : memref<240x80xf32, #tpu.memory_space<vmem>>[vector<16xi32>, vector<16xi32>], vector<16xf32>,
        %mul3A_742 = arith.mulf %unpack3A_652, %exp3A : vector<16xf32>
        tpu.vector_store_idx %arg11[%add3A_328, %add3A_648], %mul3A_742 : memref<240x80xf32, #tpu.memory_space<vmem>>[vector<16xi32>, vector<16xi32>], vector<16xf32>,
        %add3A_743 = arith.constant 32 : i32
        %add3A_744 = vector.broadcast %add3A_743 : i32 to vector<16xi32>
        %add3A_745 = arith.addi %add3A_648, %add3A_744 : vector<16xi32>
        %mul3A_746 = arith.mulf %unpack3A_653, %exp3A : vector<16xf32>
        tpu.vector_store_idx %arg11[%add3A_328, %add3A_745], %mul3A_746 : memref<240x80xf32, #tpu.memory_space<vmem>>[vector<16xi32>, vector<16xi32>], vector<16xf32>,
        %add3A_747 = arith.constant 0 : i32
        %add3A_748 = vector.broadcast %add3A_747 : i32 to vector<16xi32>
        %add3A_749 = arith.addi %iota3A_318, %add3A_748 : vector<16xi32>
        %and3A_750 = arith.constant 15 : i32
        %and3A_751 = vector.broadcast %and3A_750 : i32 to vector<16xi32>
        %and3A_752 = arith.andi %add3A_749, %and3A_751 : vector<16xi32>
        %add3A_753 = arith.constant 16 : i32
        %add3A_754 = vector.broadcast %add3A_753 : i32 to vector<16xi32>
        %add3A_755 = arith.addi %and3A_752, %add3A_754 : vector<16xi32>
        %gather3A_756 = tpu.vector_load_idx %arg9[%add3A_323, %add3A_755] : memref<240x32xi32, #tpu.memory_space<vmem>>[vector<16xi32>, vector<16xi32>], vector<16xi32>,
        %gather3A_757 = tpu.vector_load_idx %arg10[%add3A_323, %add3A_755] : memref<240x32xi32, #tpu.memory_space<vmem>>[vector<16xi32>, vector<16xi32>], vector<16xi32>,
        %bitcast3A_758 = vector.bitcast %gather3A_756 : vector<16xi32> to vector<32xbf16>
        %unpack3A_759 = tpu.unpack_subelements %bitcast3A_758, 0 {pack_format = #tpu.pack_format<interleaved>} : vector<32xbf16> -> vector<16xf32>
        %unpack3A_760 = tpu.unpack_subelements %bitcast3A_758, 1 {pack_format = #tpu.pack_format<interleaved>} : vector<32xbf16> -> vector<16xf32>
        %bitcast3A_761 = vector.bitcast %gather3A_757 : vector<16xi32> to vector<32xbf16>
        %unpack3A_762 = tpu.unpack_subelements %bitcast3A_761, 0 {pack_format = #tpu.pack_format<interleaved>} : vector<32xbf16> -> vector<16xf32>
        %unpack3A_763 = tpu.unpack_subelements %bitcast3A_761, 1 {pack_format = #tpu.pack_format<interleaved>} : vector<32xbf16> -> vector<16xf32>
        %mul3A_764 = arith.mulf %unpack3A_759, %unpack3A_762 : vector<16xf32>
        %add3A_765 = arith.addf %broadcast_in_dim3A_0, %mul3A_764 : vector<16xf32>
        %mul3A_766 = arith.mulf %unpack3A_760, %unpack3A_763 : vector<16xf32>
        %add3A_767 = arith.addf %broadcast_in_dim3A_0, %mul3A_766 : vector<16xf32>
        %add3A_768 = arith.constant 1 : i32
        %add3A_769 = vector.broadcast %add3A_768 : i32 to vector<16xi32>
        %add3A_770 = arith.addi %iota3A_318, %add3A_769 : vector<16xi32>
        %and3A_771 = arith.constant 15 : i32
        %and3A_772 = vector.broadcast %and3A_771 : i32 to vector<16xi32>
        %and3A_773 = arith.andi %add3A_770, %and3A_772 : vector<16xi32>
        %add3A_774 = arith.constant 16 : i32
        %add3A_775 = vector.broadcast %add3A_774 : i32 to vector<16xi32>
        %add3A_776 = arith.addi %and3A_773, %add3A_775 : vector<16xi32>
        %gather3A_777 = tpu.vector_load_idx %arg9[%add3A_323, %add3A_776] : memref<240x32xi32, #tpu.memory_space<vmem>>[vector<16xi32>, vector<16xi32>], vector<16xi32>,
        %gather3A_778 = tpu.vector_load_idx %arg10[%add3A_323, %add3A_776] : memref<240x32xi32, #tpu.memory_space<vmem>>[vector<16xi32>, vector<16xi32>], vector<16xi32>,
        %bitcast3A_779 = vector.bitcast %gather3A_777 : vector<16xi32> to vector<32xbf16>
        %unpack3A_780 = tpu.unpack_subelements %bitcast3A_779, 0 {pack_format = #tpu.pack_format<interleaved>} : vector<32xbf16> -> vector<16xf32>
        %unpack3A_781 = tpu.unpack_subelements %bitcast3A_779, 1 {pack_format = #tpu.pack_format<interleaved>} : vector<32xbf16> -> vector<16xf32>
        %bitcast3A_782 = vector.bitcast %gather3A_778 : vector<16xi32> to vector<32xbf16>
        %unpack3A_783 = tpu.unpack_subelements %bitcast3A_782, 0 {pack_format = #tpu.pack_format<interleaved>} : vector<32xbf16> -> vector<16xf32>
        %unpack3A_784 = tpu.unpack_subelements %bitcast3A_782, 1 {pack_format = #tpu.pack_format<interleaved>} : vector<32xbf16> -> vector<16xf32>
        %mul3A_785 = arith.mulf %unpack3A_780, %unpack3A_783 : vector<16xf32>
        %add3A_786 = arith.addf %broadcast_in_dim3A_0, %mul3A_785 : vector<16xf32>
        %mul3A_787 = arith.mulf %unpack3A_781, %unpack3A_784 : vector<16xf32>
        %add3A_788 = arith.addf %broadcast_in_dim3A_0, %mul3A_787 : vector<16xf32>
        %add3A_789 = arith.constant 2 : i32
        %add3A_790 = vector.broadcast %add3A_789 : i32 to vector<16xi32>
        %add3A_791 = arith.addi %iota3A_318, %add3A_790 : vector<16xi32>
        %and3A_792 = arith.constant 15 : i32
        %and3A_793 = vector.broadcast %and3A_792 : i32 to vector<16xi32>
        %and3A_794 = arith.andi %add3A_791, %and3A_793 : vector<16xi32>
        %add3A_795 = arith.constant 16 : i32
        %add3A_796 = vector.broadcast %add3A_795 : i32 to vector<16xi32>
        %add3A_797 = arith.addi %and3A_794, %add3A_796 : vector<16xi32>
        %gather3A_798 = tpu.vector_load_idx %arg9[%add3A_323, %add3A_797] : memref<240x32xi32, #tpu.memory_space<vmem>>[vector<16xi32>, vector<16xi32>], vector<16xi32>,
        %gather3A_799 = tpu.vector_load_idx %arg10[%add3A_323, %add3A_797] : memref<240x32xi32, #tpu.memory_space<vmem>>[vector<16xi32>, vector<16xi32>], vector<16xi32>,
        %bitcast3A_800 = vector.bitcast %gather3A_798 : vector<16xi32> to vector<32xbf16>
        %unpack3A_801 = tpu.unpack_subelements %bitcast3A_800, 0 {pack_format = #tpu.pack_format<interleaved>} : vector<32xbf16> -> vector<16xf32>
        %unpack3A_802 = tpu.unpack_subelements %bitcast3A_800, 1 {pack_format = #tpu.pack_format<interleaved>} : vector<32xbf16> -> vector<16xf32>
        %bitcast3A_803 = vector.bitcast %gather3A_799 : vector<16xi32> to vector<32xbf16>
        %unpack3A_804 = tpu.unpack_subelements %bitcast3A_803, 0 {pack_format = #tpu.pack_format<interleaved>} : vector<32xbf16> -> vector<16xf32>
        %unpack3A_805 = tpu.unpack_subelements %bitcast3A_803, 1 {pack_format = #tpu.pack_format<interleaved>} : vector<32xbf16> -> vector<16xf32>
        %mul3A_806 = arith.mulf %unpack3A_801, %unpack3A_804 : vector<16xf32>
        %add3A_807 = arith.addf %add3A_767, %mul3A_806 : vector<16xf32>
        %mul3A_808 = arith.mulf %unpack3A_802, %unpack3A_805 : vector<16xf32>
        %add3A_809 = arith.addf %add3A_765, %mul3A_808 : vector<16xf32>
        %add3A_810 = arith.constant 3 : i32
        %add3A_811 = vector.broadcast %add3A_810 : i32 to vector<16xi32>
        %add3A_812 = arith.addi %iota3A_318, %add3A_811 : vector<16xi32>
        %and3A_813 = arith.constant 15 : i32
        %and3A_814 = vector.broadcast %and3A_813 : i32 to vector<16xi32>
        %and3A_815 = arith.andi %add3A_812, %and3A_814 : vector<16xi32>
        %add3A_816 = arith.constant 16 : i32
        %add3A_817 = vector.broadcast %add3A_816 : i32 to vector<16xi32>
        %add3A_818 = arith.addi %and3A_815, %add3A_817 : vector<16xi32>
        %gather3A_819 = tpu.vector_load_idx %arg9[%add3A_323, %add3A_818] : memref<240x32xi32, #tpu.memory_space<vmem>>[vector<16xi32>, vector<16xi32>], vector<16xi32>,
        %gather3A_820 = tpu.vector_load_idx %arg10[%add3A_323, %add3A_818] : memref<240x32xi32, #tpu.memory_space<vmem>>[vector<16xi32>, vector<16xi32>], vector<16xi32>,
        %bitcast3A_821 = vector.bitcast %gather3A_819 : vector<16xi32> to vector<32xbf16>
        %unpack3A_822 = tpu.unpack_subelements %bitcast3A_821, 0 {pack_format = #tpu.pack_format<interleaved>} : vector<32xbf16> -> vector<16xf32>
        %unpack3A_823 = tpu.unpack_subelements %bitcast3A_821, 1 {pack_format = #tpu.pack_format<interleaved>} : vector<32xbf16> -> vector<16xf32>
        %bitcast3A_824 = vector.bitcast %gather3A_820 : vector<16xi32> to vector<32xbf16>
        %unpack3A_825 = tpu.unpack_subelements %bitcast3A_824, 0 {pack_format = #tpu.pack_format<interleaved>} : vector<32xbf16> -> vector<16xf32>
        %unpack3A_826 = tpu.unpack_subelements %bitcast3A_824, 1 {pack_format = #tpu.pack_format<interleaved>} : vector<32xbf16> -> vector<16xf32>
        %mul3A_827 = arith.mulf %unpack3A_822, %unpack3A_825 : vector<16xf32>
        %add3A_828 = arith.addf %add3A_788, %mul3A_827 : vector<16xf32>
        %mul3A_829 = arith.mulf %unpack3A_823, %unpack3A_826 : vector<16xf32>
        %add3A_830 = arith.addf %add3A_786, %mul3A_829 : vector<16xf32>
        %add3A_831 = arith.constant 4 : i32
        %add3A_832 = vector.broadcast %add3A_831 : i32 to vector<16xi32>
        %add3A_833 = arith.addi %iota3A_318, %add3A_832 : vector<16xi32>
        %and3A_834 = arith.constant 15 : i32
        %and3A_835 = vector.broadcast %and3A_834 : i32 to vector<16xi32>
        %and3A_836 = arith.andi %add3A_833, %and3A_835 : vector<16xi32>
        %add3A_837 = arith.constant 16 : i32
        %add3A_838 = vector.broadcast %add3A_837 : i32 to vector<16xi32>
        %add3A_839 = arith.addi %and3A_836, %add3A_838 : vector<16xi32>
        %gather3A_840 = tpu.vector_load_idx %arg9[%add3A_323, %add3A_839] : memref<240x32xi32, #tpu.memory_space<vmem>>[vector<16xi32>, vector<16xi32>], vector<16xi32>,
        %gather3A_841 = tpu.vector_load_idx %arg10[%add3A_323, %add3A_839] : memref<240x32xi32, #tpu.memory_space<vmem>>[vector<16xi32>, vector<16xi32>], vector<16xi32>,
        %bitcast3A_842 = vector.bitcast %gather3A_840 : vector<16xi32> to vector<32xbf16>
        %unpack3A_843 = tpu.unpack_subelements %bitcast3A_842, 0 {pack_format = #tpu.pack_format<interleaved>} : vector<32xbf16> -> vector<16xf32>
        %unpack3A_844 = tpu.unpack_subelements %bitcast3A_842, 1 {pack_format = #tpu.pack_format<interleaved>} : vector<32xbf16> -> vector<16xf32>
        %bitcast3A_845 = vector.bitcast %gather3A_841 : vector<16xi32> to vector<32xbf16>
        %unpack3A_846 = tpu.unpack_subelements %bitcast3A_845, 0 {pack_format = #tpu.pack_format<interleaved>} : vector<32xbf16> -> vector<16xf32>
        %unpack3A_847 = tpu.unpack_subelements %bitcast3A_845, 1 {pack_format = #tpu.pack_format<interleaved>} : vector<32xbf16> -> vector<16xf32>
        %mul3A_848 = arith.mulf %unpack3A_843, %unpack3A_846 : vector<16xf32>
        %add3A_849 = arith.addf %add3A_809, %mul3A_848 : vector<16xf32>
        %mul3A_850 = arith.mulf %unpack3A_844, %unpack3A_847 : vector<16xf32>
        %add3A_851 = arith.addf %add3A_807, %mul3A_850 : vector<16xf32>
        %add3A_852 = arith.constant 5 : i32
        %add3A_853 = vector.broadcast %add3A_852 : i32 to vector<16xi32>
        %add3A_854 = arith.addi %iota3A_318, %add3A_853 : vector<16xi32>
        %and3A_855 = arith.constant 15 : i32
        %and3A_856 = vector.broadcast %and3A_855 : i32 to vector<16xi32>
        %and3A_857 = arith.andi %add3A_854, %and3A_856 : vector<16xi32>
        %add3A_858 = arith.constant 16 : i32
        %add3A_859 = vector.broadcast %add3A_858 : i32 to vector<16xi32>
        %add3A_860 = arith.addi %and3A_857, %add3A_859 : vector<16xi32>
        %gather3A_861 = tpu.vector_load_idx %arg9[%add3A_323, %add3A_860] : memref<240x32xi32, #tpu.memory_space<vmem>>[vector<16xi32>, vector<16xi32>], vector<16xi32>,
        %gather3A_862 = tpu.vector_load_idx %arg10[%add3A_323, %add3A_860] : memref<240x32xi32, #tpu.memory_space<vmem>>[vector<16xi32>, vector<16xi32>], vector<16xi32>,
        %bitcast3A_863 = vector.bitcast %gather3A_861 : vector<16xi32> to vector<32xbf16>
        %unpack3A_864 = tpu.unpack_subelements %bitcast3A_863, 0 {pack_format = #tpu.pack_format<interleaved>} : vector<32xbf16> -> vector<16xf32>
        %unpack3A_865 = tpu.unpack_subelements %bitcast3A_863, 1 {pack_format = #tpu.pack_format<interleaved>} : vector<32xbf16> -> vector<16xf32>
        %bitcast3A_866 = vector.bitcast %gather3A_862 : vector<16xi32> to vector<32xbf16>
        %unpack3A_867 = tpu.unpack_subelements %bitcast3A_866, 0 {pack_format = #tpu.pack_format<interleaved>} : vector<32xbf16> -> vector<16xf32>
        %unpack3A_868 = tpu.unpack_subelements %bitcast3A_866, 1 {pack_format = #tpu.pack_format<interleaved>} : vector<32xbf16> -> vector<16xf32>
        %mul3A_869 = arith.mulf %unpack3A_864, %unpack3A_867 : vector<16xf32>
        %add3A_870 = arith.addf %add3A_830, %mul3A_869 : vector<16xf32>
        %mul3A_871 = arith.mulf %unpack3A_865, %unpack3A_868 : vector<16xf32>
        %add3A_872 = arith.addf %add3A_828, %mul3A_871 : vector<16xf32>
        %add3A_873 = arith.constant 6 : i32
        %add3A_874 = vector.broadcast %add3A_873 : i32 to vector<16xi32>
        %add3A_875 = arith.addi %iota3A_318, %add3A_874 : vector<16xi32>
        %and3A_876 = arith.constant 15 : i32
        %and3A_877 = vector.broadcast %and3A_876 : i32 to vector<16xi32>
        %and3A_878 = arith.andi %add3A_875, %and3A_877 : vector<16xi32>
        %add3A_879 = arith.constant 16 : i32
        %add3A_880 = vector.broadcast %add3A_879 : i32 to vector<16xi32>
        %add3A_881 = arith.addi %and3A_878, %add3A_880 : vector<16xi32>
        %gather3A_882 = tpu.vector_load_idx %arg9[%add3A_323, %add3A_881] : memref<240x32xi32, #tpu.memory_space<vmem>>[vector<16xi32>, vector<16xi32>], vector<16xi32>,
        %gather3A_883 = tpu.vector_load_idx %arg10[%add3A_323, %add3A_881] : memref<240x32xi32, #tpu.memory_space<vmem>>[vector<16xi32>, vector<16xi32>], vector<16xi32>,
        %bitcast3A_884 = vector.bitcast %gather3A_882 : vector<16xi32> to vector<32xbf16>
        %unpack3A_885 = tpu.unpack_subelements %bitcast3A_884, 0 {pack_format = #tpu.pack_format<interleaved>} : vector<32xbf16> -> vector<16xf32>
        %unpack3A_886 = tpu.unpack_subelements %bitcast3A_884, 1 {pack_format = #tpu.pack_format<interleaved>} : vector<32xbf16> -> vector<16xf32>
        %bitcast3A_887 = vector.bitcast %gather3A_883 : vector<16xi32> to vector<32xbf16>
        %unpack3A_888 = tpu.unpack_subelements %bitcast3A_887, 0 {pack_format = #tpu.pack_format<interleaved>} : vector<32xbf16> -> vector<16xf32>
        %unpack3A_889 = tpu.unpack_subelements %bitcast3A_887, 1 {pack_format = #tpu.pack_format<interleaved>} : vector<32xbf16> -> vector<16xf32>
        %mul3A_890 = arith.mulf %unpack3A_885, %unpack3A_888 : vector<16xf32>
        %add3A_891 = arith.addf %add3A_851, %mul3A_890 : vector<16xf32>
        %mul3A_892 = arith.mulf %unpack3A_886, %unpack3A_889 : vector<16xf32>
        %add3A_893 = arith.addf %add3A_849, %mul3A_892 : vector<16xf32>
        %add3A_894 = arith.constant 7 : i32
        %add3A_895 = vector.broadcast %add3A_894 : i32 to vector<16xi32>
        %add3A_896 = arith.addi %iota3A_318, %add3A_895 : vector<16xi32>
        %and3A_897 = arith.constant 15 : i32
        %and3A_898 = vector.broadcast %and3A_897 : i32 to vector<16xi32>
        %and3A_899 = arith.andi %add3A_896, %and3A_898 : vector<16xi32>
        %add3A_900 = arith.constant 16 : i32
        %add3A_901 = vector.broadcast %add3A_900 : i32 to vector<16xi32>
        %add3A_902 = arith.addi %and3A_899, %add3A_901 : vector<16xi32>
        %gather3A_903 = tpu.vector_load_idx %arg9[%add3A_323, %add3A_902] : memref<240x32xi32, #tpu.memory_space<vmem>>[vector<16xi32>, vector<16xi32>], vector<16xi32>,
        %gather3A_904 = tpu.vector_load_idx %arg10[%add3A_323, %add3A_902] : memref<240x32xi32, #tpu.memory_space<vmem>>[vector<16xi32>, vector<16xi32>], vector<16xi32>,
        %bitcast3A_905 = vector.bitcast %gather3A_903 : vector<16xi32> to vector<32xbf16>
        %unpack3A_906 = tpu.unpack_subelements %bitcast3A_905, 0 {pack_format = #tpu.pack_format<interleaved>} : vector<32xbf16> -> vector<16xf32>
        %unpack3A_907 = tpu.unpack_subelements %bitcast3A_905, 1 {pack_format = #tpu.pack_format<interleaved>} : vector<32xbf16> -> vector<16xf32>
        %bitcast3A_908 = vector.bitcast %gather3A_904 : vector<16xi32> to vector<32xbf16>
        %unpack3A_909 = tpu.unpack_subelements %bitcast3A_908, 0 {pack_format = #tpu.pack_format<interleaved>} : vector<32xbf16> -> vector<16xf32>
        %unpack3A_910 = tpu.unpack_subelements %bitcast3A_908, 1 {pack_format = #tpu.pack_format<interleaved>} : vector<32xbf16> -> vector<16xf32>
        %mul3A_911 = arith.mulf %unpack3A_906, %unpack3A_909 : vector<16xf32>
        %add3A_912 = arith.addf %add3A_872, %mul3A_911 : vector<16xf32>
        %mul3A_913 = arith.mulf %unpack3A_907, %unpack3A_910 : vector<16xf32>
        %add3A_914 = arith.addf %add3A_870, %mul3A_913 : vector<16xf32>
        %add3A_915 = arith.constant 8 : i32
        %add3A_916 = vector.broadcast %add3A_915 : i32 to vector<16xi32>
        %add3A_917 = arith.addi %iota3A_318, %add3A_916 : vector<16xi32>
        %and3A_918 = arith.constant 15 : i32
        %and3A_919 = vector.broadcast %and3A_918 : i32 to vector<16xi32>
        %and3A_920 = arith.andi %add3A_917, %and3A_919 : vector<16xi32>
        %add3A_921 = arith.constant 16 : i32
        %add3A_922 = vector.broadcast %add3A_921 : i32 to vector<16xi32>
        %add3A_923 = arith.addi %and3A_920, %add3A_922 : vector<16xi32>
        %gather3A_924 = tpu.vector_load_idx %arg9[%add3A_323, %add3A_923] : memref<240x32xi32, #tpu.memory_space<vmem>>[vector<16xi32>, vector<16xi32>], vector<16xi32>,
        %gather3A_925 = tpu.vector_load_idx %arg10[%add3A_323, %add3A_923] : memref<240x32xi32, #tpu.memory_space<vmem>>[vector<16xi32>, vector<16xi32>], vector<16xi32>,
        %bitcast3A_926 = vector.bitcast %gather3A_924 : vector<16xi32> to vector<32xbf16>
        %unpack3A_927 = tpu.unpack_subelements %bitcast3A_926, 0 {pack_format = #tpu.pack_format<interleaved>} : vector<32xbf16> -> vector<16xf32>
        %unpack3A_928 = tpu.unpack_subelements %bitcast3A_926, 1 {pack_format = #tpu.pack_format<interleaved>} : vector<32xbf16> -> vector<16xf32>
        %bitcast3A_929 = vector.bitcast %gather3A_925 : vector<16xi32> to vector<32xbf16>
        %unpack3A_930 = tpu.unpack_subelements %bitcast3A_929, 0 {pack_format = #tpu.pack_format<interleaved>} : vector<32xbf16> -> vector<16xf32>
        %unpack3A_931 = tpu.unpack_subelements %bitcast3A_929, 1 {pack_format = #tpu.pack_format<interleaved>} : vector<32xbf16> -> vector<16xf32>
        %mul3A_932 = arith.mulf %unpack3A_927, %unpack3A_930 : vector<16xf32>
        %add3A_933 = arith.addf %add3A_893, %mul3A_932 : vector<16xf32>
        %mul3A_934 = arith.mulf %unpack3A_928, %unpack3A_931 : vector<16xf32>
        %add3A_935 = arith.addf %add3A_891, %mul3A_934 : vector<16xf32>
        %add3A_936 = arith.constant 9 : i32
        %add3A_937 = vector.broadcast %add3A_936 : i32 to vector<16xi32>
        %add3A_938 = arith.addi %iota3A_318, %add3A_937 : vector<16xi32>
        %and3A_939 = arith.constant 15 : i32
        %and3A_940 = vector.broadcast %and3A_939 : i32 to vector<16xi32>
        %and3A_941 = arith.andi %add3A_938, %and3A_940 : vector<16xi32>
        %add3A_942 = arith.constant 16 : i32
        %add3A_943 = vector.broadcast %add3A_942 : i32 to vector<16xi32>
        %add3A_944 = arith.addi %and3A_941, %add3A_943 : vector<16xi32>
        %gather3A_945 = tpu.vector_load_idx %arg9[%add3A_323, %add3A_944] : memref<240x32xi32, #tpu.memory_space<vmem>>[vector<16xi32>, vector<16xi32>], vector<16xi32>,
        %gather3A_946 = tpu.vector_load_idx %arg10[%add3A_323, %add3A_944] : memref<240x32xi32, #tpu.memory_space<vmem>>[vector<16xi32>, vector<16xi32>], vector<16xi32>,
        %bitcast3A_947 = vector.bitcast %gather3A_945 : vector<16xi32> to vector<32xbf16>
        %unpack3A_948 = tpu.unpack_subelements %bitcast3A_947, 0 {pack_format = #tpu.pack_format<interleaved>} : vector<32xbf16> -> vector<16xf32>
        %unpack3A_949 = tpu.unpack_subelements %bitcast3A_947, 1 {pack_format = #tpu.pack_format<interleaved>} : vector<32xbf16> -> vector<16xf32>
        %bitcast3A_950 = vector.bitcast %gather3A_946 : vector<16xi32> to vector<32xbf16>
        %unpack3A_951 = tpu.unpack_subelements %bitcast3A_950, 0 {pack_format = #tpu.pack_format<interleaved>} : vector<32xbf16> -> vector<16xf32>
        %unpack3A_952 = tpu.unpack_subelements %bitcast3A_950, 1 {pack_format = #tpu.pack_format<interleaved>} : vector<32xbf16> -> vector<16xf32>
        %mul3A_953 = arith.mulf %unpack3A_948, %unpack3A_951 : vector<16xf32>
        %add3A_954 = arith.addf %add3A_914, %mul3A_953 : vector<16xf32>
        %mul3A_955 = arith.mulf %unpack3A_949, %unpack3A_952 : vector<16xf32>
        %add3A_956 = arith.addf %add3A_912, %mul3A_955 : vector<16xf32>
        %add3A_957 = arith.constant 10 : i32
        %add3A_958 = vector.broadcast %add3A_957 : i32 to vector<16xi32>
        %add3A_959 = arith.addi %iota3A_318, %add3A_958 : vector<16xi32>
        %and3A_960 = arith.constant 15 : i32
        %and3A_961 = vector.broadcast %and3A_960 : i32 to vector<16xi32>
        %and3A_962 = arith.andi %add3A_959, %and3A_961 : vector<16xi32>
        %add3A_963 = arith.constant 16 : i32
        %add3A_964 = vector.broadcast %add3A_963 : i32 to vector<16xi32>
        %add3A_965 = arith.addi %and3A_962, %add3A_964 : vector<16xi32>
        %gather3A_966 = tpu.vector_load_idx %arg9[%add3A_323, %add3A_965] : memref<240x32xi32, #tpu.memory_space<vmem>>[vector<16xi32>, vector<16xi32>], vector<16xi32>,
        %gather3A_967 = tpu.vector_load_idx %arg10[%add3A_323, %add3A_965] : memref<240x32xi32, #tpu.memory_space<vmem>>[vector<16xi32>, vector<16xi32>], vector<16xi32>,
        %bitcast3A_968 = vector.bitcast %gather3A_966 : vector<16xi32> to vector<32xbf16>
        %unpack3A_969 = tpu.unpack_subelements %bitcast3A_968, 0 {pack_format = #tpu.pack_format<interleaved>} : vector<32xbf16> -> vector<16xf32>
        %unpack3A_970 = tpu.unpack_subelements %bitcast3A_968, 1 {pack_format = #tpu.pack_format<interleaved>} : vector<32xbf16> -> vector<16xf32>
        %bitcast3A_971 = vector.bitcast %gather3A_967 : vector<16xi32> to vector<32xbf16>
        %unpack3A_972 = tpu.unpack_subelements %bitcast3A_971, 0 {pack_format = #tpu.pack_format<interleaved>} : vector<32xbf16> -> vector<16xf32>
        %unpack3A_973 = tpu.unpack_subelements %bitcast3A_971, 1 {pack_format = #tpu.pack_format<interleaved>} : vector<32xbf16> -> vector<16xf32>
        %mul3A_974 = arith.mulf %unpack3A_969, %unpack3A_972 : vector<16xf32>
        %add3A_975 = arith.addf %add3A_935, %mul3A_974 : vector<16xf32>
        %mul3A_976 = arith.mulf %unpack3A_970, %unpack3A_973 : vector<16xf32>
        %add3A_977 = arith.addf %add3A_933, %mul3A_976 : vector<16xf32>
        %add3A_978 = arith.constant 11 : i32
        %add3A_979 = vector.broadcast %add3A_978 : i32 to vector<16xi32>
        %add3A_980 = arith.addi %iota3A_318, %add3A_979 : vector<16xi32>
        %and3A_981 = arith.constant 15 : i32
        %and3A_982 = vector.broadcast %and3A_981 : i32 to vector<16xi32>
        %and3A_983 = arith.andi %add3A_980, %and3A_982 : vector<16xi32>
        %add3A_984 = arith.constant 16 : i32
        %add3A_985 = vector.broadcast %add3A_984 : i32 to vector<16xi32>
        %add3A_986 = arith.addi %and3A_983, %add3A_985 : vector<16xi32>
        %gather3A_987 = tpu.vector_load_idx %arg9[%add3A_323, %add3A_986] : memref<240x32xi32, #tpu.memory_space<vmem>>[vector<16xi32>, vector<16xi32>], vector<16xi32>,
        %gather3A_988 = tpu.vector_load_idx %arg10[%add3A_323, %add3A_986] : memref<240x32xi32, #tpu.memory_space<vmem>>[vector<16xi32>, vector<16xi32>], vector<16xi32>,
        %bitcast3A_989 = vector.bitcast %gather3A_987 : vector<16xi32> to vector<32xbf16>
        %unpack3A_990 = tpu.unpack_subelements %bitcast3A_989, 0 {pack_format = #tpu.pack_format<interleaved>} : vector<32xbf16> -> vector<16xf32>
        %unpack3A_991 = tpu.unpack_subelements %bitcast3A_989, 1 {pack_format = #tpu.pack_format<interleaved>} : vector<32xbf16> -> vector<16xf32>
        %bitcast3A_992 = vector.bitcast %gather3A_988 : vector<16xi32> to vector<32xbf16>
        %unpack3A_993 = tpu.unpack_subelements %bitcast3A_992, 0 {pack_format = #tpu.pack_format<interleaved>} : vector<32xbf16> -> vector<16xf32>
        %unpack3A_994 = tpu.unpack_subelements %bitcast3A_992, 1 {pack_format = #tpu.pack_format<interleaved>} : vector<32xbf16> -> vector<16xf32>
        %mul3A_995 = arith.mulf %unpack3A_990, %unpack3A_993 : vector<16xf32>
        %add3A_996 = arith.addf %add3A_956, %mul3A_995 : vector<16xf32>
        %mul3A_997 = arith.mulf %unpack3A_991, %unpack3A_994 : vector<16xf32>
        %add3A_998 = arith.addf %add3A_954, %mul3A_997 : vector<16xf32>
        %add3A_999 = arith.constant 12 : i32
        %add3A_1000 = vector.broadcast %add3A_999 : i32 to vector<16xi32>
        %add3A_1001 = arith.addi %iota3A_318, %add3A_1000 : vector<16xi32>
        %and3A_1002 = arith.constant 15 : i32
        %and3A_1003 = vector.broadcast %and3A_1002 : i32 to vector<16xi32>
        %and3A_1004 = arith.andi %add3A_1001, %and3A_1003 : vector<16xi32>
        %add3A_1005 = arith.constant 16 : i32
        %add3A_1006 = vector.broadcast %add3A_1005 : i32 to vector<16xi32>
        %add3A_1007 = arith.addi %and3A_1004, %add3A_1006 : vector<16xi32>
        %gather3A_1008 = tpu.vector_load_idx %arg9[%add3A_323, %add3A_1007] : memref<240x32xi32, #tpu.memory_space<vmem>>[vector<16xi32>, vector<16xi32>], vector<16xi32>,
        %gather3A_1009 = tpu.vector_load_idx %arg10[%add3A_323, %add3A_1007] : memref<240x32xi32, #tpu.memory_space<vmem>>[vector<16xi32>, vector<16xi32>], vector<16xi32>,
        %bitcast3A_1010 = vector.bitcast %gather3A_1008 : vector<16xi32> to vector<32xbf16>
        %unpack3A_1011 = tpu.unpack_subelements %bitcast3A_1010, 0 {pack_format = #tpu.pack_format<interleaved>} : vector<32xbf16> -> vector<16xf32>
        %unpack3A_1012 = tpu.unpack_subelements %bitcast3A_1010, 1 {pack_format = #tpu.pack_format<interleaved>} : vector<32xbf16> -> vector<16xf32>
        %bitcast3A_1013 = vector.bitcast %gather3A_1009 : vector<16xi32> to vector<32xbf16>
        %unpack3A_1014 = tpu.unpack_subelements %bitcast3A_1013, 0 {pack_format = #tpu.pack_format<interleaved>} : vector<32xbf16> -> vector<16xf32>
        %unpack3A_1015 = tpu.unpack_subelements %bitcast3A_1013, 1 {pack_format = #tpu.pack_format<interleaved>} : vector<32xbf16> -> vector<16xf32>
        %mul3A_1016 = arith.mulf %unpack3A_1011, %unpack3A_1014 : vector<16xf32>
        %add3A_1017 = arith.addf %add3A_977, %mul3A_1016 : vector<16xf32>
        %mul3A_1018 = arith.mulf %unpack3A_1012, %unpack3A_1015 : vector<16xf32>
        %add3A_1019 = arith.addf %add3A_975, %mul3A_1018 : vector<16xf32>
        %add3A_1020 = arith.constant 13 : i32
        %add3A_1021 = vector.broadcast %add3A_1020 : i32 to vector<16xi32>
        %add3A_1022 = arith.addi %iota3A_318, %add3A_1021 : vector<16xi32>
        %and3A_1023 = arith.constant 15 : i32
        %and3A_1024 = vector.broadcast %and3A_1023 : i32 to vector<16xi32>
        %and3A_1025 = arith.andi %add3A_1022, %and3A_1024 : vector<16xi32>
        %add3A_1026 = arith.constant 16 : i32
        %add3A_1027 = vector.broadcast %add3A_1026 : i32 to vector<16xi32>
        %add3A_1028 = arith.addi %and3A_1025, %add3A_1027 : vector<16xi32>
        %gather3A_1029 = tpu.vector_load_idx %arg9[%add3A_323, %add3A_1028] : memref<240x32xi32, #tpu.memory_space<vmem>>[vector<16xi32>, vector<16xi32>], vector<16xi32>,
        %gather3A_1030 = tpu.vector_load_idx %arg10[%add3A_323, %add3A_1028] : memref<240x32xi32, #tpu.memory_space<vmem>>[vector<16xi32>, vector<16xi32>], vector<16xi32>,
        %bitcast3A_1031 = vector.bitcast %gather3A_1029 : vector<16xi32> to vector<32xbf16>
        %unpack3A_1032 = tpu.unpack_subelements %bitcast3A_1031, 0 {pack_format = #tpu.pack_format<interleaved>} : vector<32xbf16> -> vector<16xf32>
        %unpack3A_1033 = tpu.unpack_subelements %bitcast3A_1031, 1 {pack_format = #tpu.pack_format<interleaved>} : vector<32xbf16> -> vector<16xf32>
        %bitcast3A_1034 = vector.bitcast %gather3A_1030 : vector<16xi32> to vector<32xbf16>
        %unpack3A_1035 = tpu.unpack_subelements %bitcast3A_1034, 0 {pack_format = #tpu.pack_format<interleaved>} : vector<32xbf16> -> vector<16xf32>
        %unpack3A_1036 = tpu.unpack_subelements %bitcast3A_1034, 1 {pack_format = #tpu.pack_format<interleaved>} : vector<32xbf16> -> vector<16xf32>
        %mul3A_1037 = arith.mulf %unpack3A_1032, %unpack3A_1035 : vector<16xf32>
        %add3A_1038 = arith.addf %add3A_998, %mul3A_1037 : vector<16xf32>
        %mul3A_1039 = arith.mulf %unpack3A_1033, %unpack3A_1036 : vector<16xf32>
        %add3A_1040 = arith.addf %add3A_996, %mul3A_1039 : vector<16xf32>
        %add3A_1041 = arith.constant 14 : i32
        %add3A_1042 = vector.broadcast %add3A_1041 : i32 to vector<16xi32>
        %add3A_1043 = arith.addi %iota3A_318, %add3A_1042 : vector<16xi32>
        %and3A_1044 = arith.constant 15 : i32
        %and3A_1045 = vector.broadcast %and3A_1044 : i32 to vector<16xi32>
        %and3A_1046 = arith.andi %add3A_1043, %and3A_1045 : vector<16xi32>
        %add3A_1047 = arith.constant 16 : i32
        %add3A_1048 = vector.broadcast %add3A_1047 : i32 to vector<16xi32>
        %add3A_1049 = arith.addi %and3A_1046, %add3A_1048 : vector<16xi32>
        %gather3A_1050 = tpu.vector_load_idx %arg9[%add3A_323, %add3A_1049] : memref<240x32xi32, #tpu.memory_space<vmem>>[vector<16xi32>, vector<16xi32>], vector<16xi32>,
        %gather3A_1051 = tpu.vector_load_idx %arg10[%add3A_323, %add3A_1049] : memref<240x32xi32, #tpu.memory_space<vmem>>[vector<16xi32>, vector<16xi32>], vector<16xi32>,
        %bitcast3A_1052 = vector.bitcast %gather3A_1050 : vector<16xi32> to vector<32xbf16>
        %unpack3A_1053 = tpu.unpack_subelements %bitcast3A_1052, 0 {pack_format = #tpu.pack_format<interleaved>} : vector<32xbf16> -> vector<16xf32>
        %unpack3A_1054 = tpu.unpack_subelements %bitcast3A_1052, 1 {pack_format = #tpu.pack_format<interleaved>} : vector<32xbf16> -> vector<16xf32>
        %bitcast3A_1055 = vector.bitcast %gather3A_1051 : vector<16xi32> to vector<32xbf16>
        %unpack3A_1056 = tpu.unpack_subelements %bitcast3A_1055, 0 {pack_format = #tpu.pack_format<interleaved>} : vector<32xbf16> -> vector<16xf32>
        %unpack3A_1057 = tpu.unpack_subelements %bitcast3A_1055, 1 {pack_format = #tpu.pack_format<interleaved>} : vector<32xbf16> -> vector<16xf32>
        %mul3A_1058 = arith.mulf %unpack3A_1053, %unpack3A_1056 : vector<16xf32>
        %add3A_1059 = arith.addf %add3A_1019, %mul3A_1058 : vector<16xf32>
        %mul3A_1060 = arith.mulf %unpack3A_1054, %unpack3A_1057 : vector<16xf32>
        %add3A_1061 = arith.addf %add3A_1017, %mul3A_1060 : vector<16xf32>
        %add3A_1062 = arith.constant 15 : i32
        %add3A_1063 = vector.broadcast %add3A_1062 : i32 to vector<16xi32>
        %add3A_1064 = arith.addi %iota3A_318, %add3A_1063 : vector<16xi32>
        %and3A_1065 = arith.constant 15 : i32
        %and3A_1066 = vector.broadcast %and3A_1065 : i32 to vector<16xi32>
        %and3A_1067 = arith.andi %add3A_1064, %and3A_1066 : vector<16xi32>
        %add3A_1068 = arith.constant 16 : i32
        %add3A_1069 = vector.broadcast %add3A_1068 : i32 to vector<16xi32>
        %add3A_1070 = arith.addi %and3A_1067, %add3A_1069 : vector<16xi32>
        %gather3A_1071 = tpu.vector_load_idx %arg9[%add3A_323, %add3A_1070] : memref<240x32xi32, #tpu.memory_space<vmem>>[vector<16xi32>, vector<16xi32>], vector<16xi32>,
        %gather3A_1072 = tpu.vector_load_idx %arg10[%add3A_323, %add3A_1070] : memref<240x32xi32, #tpu.memory_space<vmem>>[vector<16xi32>, vector<16xi32>], vector<16xi32>,
        %bitcast3A_1073 = vector.bitcast %gather3A_1071 : vector<16xi32> to vector<32xbf16>
        %unpack3A_1074 = tpu.unpack_subelements %bitcast3A_1073, 0 {pack_format = #tpu.pack_format<interleaved>} : vector<32xbf16> -> vector<16xf32>
        %unpack3A_1075 = tpu.unpack_subelements %bitcast3A_1073, 1 {pack_format = #tpu.pack_format<interleaved>} : vector<32xbf16> -> vector<16xf32>
        %bitcast3A_1076 = vector.bitcast %gather3A_1072 : vector<16xi32> to vector<32xbf16>
        %unpack3A_1077 = tpu.unpack_subelements %bitcast3A_1076, 0 {pack_format = #tpu.pack_format<interleaved>} : vector<32xbf16> -> vector<16xf32>
        %unpack3A_1078 = tpu.unpack_subelements %bitcast3A_1076, 1 {pack_format = #tpu.pack_format<interleaved>} : vector<32xbf16> -> vector<16xf32>
        %mul3A_1079 = arith.mulf %unpack3A_1074, %unpack3A_1077 : vector<16xf32>
        %add3A_1080 = arith.addf %add3A_1040, %mul3A_1079 : vector<16xf32>
        %mul3A_1081 = arith.mulf %unpack3A_1075, %unpack3A_1078 : vector<16xf32>
        %add3A_1082 = arith.addf %add3A_1038, %mul3A_1081 : vector<16xf32>
        %add3A_1083 = arith.addf %add3A_1061, %add3A_1082 : vector<16xf32>
        %add3A_1084 = arith.addf %add3A_1059, %add3A_1080 : vector<16xf32>
        %add3A_1085 = arith.addf %add3A_1083, %add3A_1084 : vector<16xf32>
        %mul3A_1086 = arith.constant 0.176776692 : f32
        %mul3A_1087 = vector.broadcast %mul3A_1086 : f32 to vector<16xf32>
        %mul3A_1088 = arith.mulf %add3A_1085, %mul3A_1087 : vector<16xf32>
        %exp3A_1089 = math.exp %mul3A_1088 : vector<16xf32>
        %mul3A_1090 = arith.mulf %unpack3A_759, %exp3A_1089 : vector<16xf32>
        tpu.vector_store_idx %arg11[%add3A_328, %add3A_755], %mul3A_1090 : memref<240x80xf32, #tpu.memory_space<vmem>>[vector<16xi32>, vector<16xi32>], vector<16xf32>,
        %add3A_1091 = arith.constant 32 : i32
        %add3A_1092 = vector.broadcast %add3A_1091 : i32 to vector<16xi32>
        %add3A_1093 = arith.addi %add3A_755, %add3A_1092 : vector<16xi32>
        %mul3A_1094 = arith.mulf %unpack3A_760, %exp3A_1089 : vector<16xf32>
        tpu.vector_store_idx %arg11[%add3A_328, %add3A_1093], %mul3A_1094 : memref<240x80xf32, #tpu.memory_space<vmem>>[vector<16xi32>, vector<16xi32>], vector<16xf32>,
        %mul3A_1095 = arith.mulf %unpack3A_780, %exp3A_1089 : vector<16xf32>
        tpu.vector_store_idx %arg11[%add3A_328, %add3A_776], %mul3A_1095 : memref<240x80xf32, #tpu.memory_space<vmem>>[vector<16xi32>, vector<16xi32>], vector<16xf32>,
        %add3A_1096 = arith.constant 32 : i32
        %add3A_1097 = vector.broadcast %add3A_1096 : i32 to vector<16xi32>
        %add3A_1098 = arith.addi %add3A_776, %add3A_1097 : vector<16xi32>
        %mul3A_1099 = arith.mulf %unpack3A_781, %exp3A_1089 : vector<16xf32>
        tpu.vector_store_idx %arg11[%add3A_328, %add3A_1098], %mul3A_1099 : memref<240x80xf32, #tpu.memory_space<vmem>>[vector<16xi32>, vector<16xi32>], vector<16xf32>,
        %mul3A_1100 = arith.mulf %unpack3A_801, %exp3A_1089 : vector<16xf32>
        tpu.vector_store_idx %arg11[%add3A_328, %add3A_797], %mul3A_1100 : memref<240x80xf32, #tpu.memory_space<vmem>>[vector<16xi32>, vector<16xi32>], vector<16xf32>,
        %add3A_1101 = arith.constant 32 : i32
        %add3A_1102 = vector.broadcast %add3A_1101 : i32 to vector<16xi32>
        %add3A_1103 = arith.addi %add3A_797, %add3A_1102 : vector<16xi32>
        %mul3A_1104 = arith.mulf %unpack3A_802, %exp3A_1089 : vector<16xf32>
        tpu.vector_store_idx %arg11[%add3A_328, %add3A_1103], %mul3A_1104 : memref<240x80xf32, #tpu.memory_space<vmem>>[vector<16xi32>, vector<16xi32>], vector<16xf32>,
        %mul3A_1105 = arith.mulf %unpack3A_822, %exp3A_1089 : vector<16xf32>
        tpu.vector_store_idx %arg11[%add3A_328, %add3A_818], %mul3A_1105 : memref<240x80xf32, #tpu.memory_space<vmem>>[vector<16xi32>, vector<16xi32>], vector<16xf32>,
        %add3A_1106 = arith.constant 32 : i32
        %add3A_1107 = vector.broadcast %add3A_1106 : i32 to vector<16xi32>
        %add3A_1108 = arith.addi %add3A_818, %add3A_1107 : vector<16xi32>
        %mul3A_1109 = arith.mulf %unpack3A_823, %exp3A_1089 : vector<16xf32>
        tpu.vector_store_idx %arg11[%add3A_328, %add3A_1108], %mul3A_1109 : memref<240x80xf32, #tpu.memory_space<vmem>>[vector<16xi32>, vector<16xi32>], vector<16xf32>,
        %mul3A_1110 = arith.mulf %unpack3A_843, %exp3A_1089 : vector<16xf32>
        tpu.vector_store_idx %arg11[%add3A_328, %add3A_839], %mul3A_1110 : memref<240x80xf32, #tpu.memory_space<vmem>>[vector<16xi32>, vector<16xi32>], vector<16xf32>,
        %add3A_1111 = arith.constant 32 : i32
        %add3A_1112 = vector.broadcast %add3A_1111 : i32 to vector<16xi32>
        %add3A_1113 = arith.addi %add3A_839, %add3A_1112 : vector<16xi32>
        %mul3A_1114 = arith.mulf %unpack3A_844, %exp3A_1089 : vector<16xf32>
        tpu.vector_store_idx %arg11[%add3A_328, %add3A_1113], %mul3A_1114 : memref<240x80xf32, #tpu.memory_space<vmem>>[vector<16xi32>, vector<16xi32>], vector<16xf32>,
        %mul3A_1115 = arith.mulf %unpack3A_864, %exp3A_1089 : vector<16xf32>
        tpu.vector_store_idx %arg11[%add3A_328, %add3A_860], %mul3A_1115 : memref<240x80xf32, #tpu.memory_space<vmem>>[vector<16xi32>, vector<16xi32>], vector<16xf32>,
        %add3A_1116 = arith.constant 32 : i32
        %add3A_1117 = vector.broadcast %add3A_1116 : i32 to vector<16xi32>
        %add3A_1118 = arith.addi %add3A_860, %add3A_1117 : vector<16xi32>
        %mul3A_1119 = arith.mulf %unpack3A_865, %exp3A_1089 : vector<16xf32>
        tpu.vector_store_idx %arg11[%add3A_328, %add3A_1118], %mul3A_1119 : memref<240x80xf32, #tpu.memory_space<vmem>>[vector<16xi32>, vector<16xi32>], vector<16xf32>,
        %mul3A_1120 = arith.mulf %unpack3A_885, %exp3A_1089 : vector<16xf32>
        tpu.vector_store_idx %arg11[%add3A_328, %add3A_881], %mul3A_1120 : memref<240x80xf32, #tpu.memory_space<vmem>>[vector<16xi32>, vector<16xi32>], vector<16xf32>,
        %add3A_1121 = arith.constant 32 : i32
        %add3A_1122 = vector.broadcast %add3A_1121 : i32 to vector<16xi32>
        %add3A_1123 = arith.addi %add3A_881, %add3A_1122 : vector<16xi32>
        %mul3A_1124 = arith.mulf %unpack3A_886, %exp3A_1089 : vector<16xf32>
        tpu.vector_store_idx %arg11[%add3A_328, %add3A_1123], %mul3A_1124 : memref<240x80xf32, #tpu.memory_space<vmem>>[vector<16xi32>, vector<16xi32>], vector<16xf32>,
        %mul3A_1125 = arith.mulf %unpack3A_906, %exp3A_1089 : vector<16xf32>
        tpu.vector_store_idx %arg11[%add3A_328, %add3A_902], %mul3A_1125 : memref<240x80xf32, #tpu.memory_space<vmem>>[vector<16xi32>, vector<16xi32>], vector<16xf32>,
        %add3A_1126 = arith.constant 32 : i32
        %add3A_1127 = vector.broadcast %add3A_1126 : i32 to vector<16xi32>
        %add3A_1128 = arith.addi %add3A_902, %add3A_1127 : vector<16xi32>
        %mul3A_1129 = arith.mulf %unpack3A_907, %exp3A_1089 : vector<16xf32>
        tpu.vector_store_idx %arg11[%add3A_328, %add3A_1128], %mul3A_1129 : memref<240x80xf32, #tpu.memory_space<vmem>>[vector<16xi32>, vector<16xi32>], vector<16xf32>,
        %mul3A_1130 = arith.mulf %unpack3A_927, %exp3A_1089 : vector<16xf32>
        tpu.vector_store_idx %arg11[%add3A_328, %add3A_923], %mul3A_1130 : memref<240x80xf32, #tpu.memory_space<vmem>>[vector<16xi32>, vector<16xi32>], vector<16xf32>,
        %add3A_1131 = arith.constant 32 : i32
        %add3A_1132 = vector.broadcast %add3A_1131 : i32 to vector<16xi32>
        %add3A_1133 = arith.addi %add3A_923, %add3A_1132 : vector<16xi32>
        %mul3A_1134 = arith.mulf %unpack3A_928, %exp3A_1089 : vector<16xf32>
        tpu.vector_store_idx %arg11[%add3A_328, %add3A_1133], %mul3A_1134 : memref<240x80xf32, #tpu.memory_space<vmem>>[vector<16xi32>, vector<16xi32>], vector<16xf32>,
        %mul3A_1135 = arith.mulf %unpack3A_948, %exp3A_1089 : vector<16xf32>
        tpu.vector_store_idx %arg11[%add3A_328, %add3A_944], %mul3A_1135 : memref<240x80xf32, #tpu.memory_space<vmem>>[vector<16xi32>, vector<16xi32>], vector<16xf32>,
        %add3A_1136 = arith.constant 32 : i32
        %add3A_1137 = vector.broadcast %add3A_1136 : i32 to vector<16xi32>
        %add3A_1138 = arith.addi %add3A_944, %add3A_1137 : vector<16xi32>
        %mul3A_1139 = arith.mulf %unpack3A_949, %exp3A_1089 : vector<16xf32>
        tpu.vector_store_idx %arg11[%add3A_328, %add3A_1138], %mul3A_1139 : memref<240x80xf32, #tpu.memory_space<vmem>>[vector<16xi32>, vector<16xi32>], vector<16xf32>,
        %mul3A_1140 = arith.mulf %unpack3A_969, %exp3A_1089 : vector<16xf32>
        tpu.vector_store_idx %arg11[%add3A_328, %add3A_965], %mul3A_1140 : memref<240x80xf32, #tpu.memory_space<vmem>>[vector<16xi32>, vector<16xi32>], vector<16xf32>,
        %add3A_1141 = arith.constant 32 : i32
        %add3A_1142 = vector.broadcast %add3A_1141 : i32 to vector<16xi32>
        %add3A_1143 = arith.addi %add3A_965, %add3A_1142 : vector<16xi32>
        %mul3A_1144 = arith.mulf %unpack3A_970, %exp3A_1089 : vector<16xf32>
        tpu.vector_store_idx %arg11[%add3A_328, %add3A_1143], %mul3A_1144 : memref<240x80xf32, #tpu.memory_space<vmem>>[vector<16xi32>, vector<16xi32>], vector<16xf32>,
        %mul3A_1145 = arith.mulf %unpack3A_990, %exp3A_1089 : vector<16xf32>
        tpu.vector_store_idx %arg11[%add3A_328, %add3A_986], %mul3A_1145 : memref<240x80xf32, #tpu.memory_space<vmem>>[vector<16xi32>, vector<16xi32>], vector<16xf32>,
        %add3A_1146 = arith.constant 32 : i32
        %add3A_1147 = vector.broadcast %add3A_1146 : i32 to vector<16xi32>
        %add3A_1148 = arith.addi %add3A_986, %add3A_1147 : vector<16xi32>
        %mul3A_1149 = arith.mulf %unpack3A_991, %exp3A_1089 : vector<16xf32>
        tpu.vector_store_idx %arg11[%add3A_328, %add3A_1148], %mul3A_1149 : memref<240x80xf32, #tpu.memory_space<vmem>>[vector<16xi32>, vector<16xi32>], vector<16xf32>,
        %mul3A_1150 = arith.mulf %unpack3A_1011, %exp3A_1089 : vector<16xf32>
        tpu.vector_store_idx %arg11[%add3A_328, %add3A_1007], %mul3A_1150 : memref<240x80xf32, #tpu.memory_space<vmem>>[vector<16xi32>, vector<16xi32>], vector<16xf32>,
        %add3A_1151 = arith.constant 32 : i32
        %add3A_1152 = vector.broadcast %add3A_1151 : i32 to vector<16xi32>
        %add3A_1153 = arith.addi %add3A_1007, %add3A_1152 : vector<16xi32>
        %mul3A_1154 = arith.mulf %unpack3A_1012, %exp3A_1089 : vector<16xf32>
        tpu.vector_store_idx %arg11[%add3A_328, %add3A_1153], %mul3A_1154 : memref<240x80xf32, #tpu.memory_space<vmem>>[vector<16xi32>, vector<16xi32>], vector<16xf32>,
        %mul3A_1155 = arith.mulf %unpack3A_1032, %exp3A_1089 : vector<16xf32>
        tpu.vector_store_idx %arg11[%add3A_328, %add3A_1028], %mul3A_1155 : memref<240x80xf32, #tpu.memory_space<vmem>>[vector<16xi32>, vector<16xi32>], vector<16xf32>,
        %add3A_1156 = arith.constant 32 : i32
        %add3A_1157 = vector.broadcast %add3A_1156 : i32 to vector<16xi32>
        %add3A_1158 = arith.addi %add3A_1028, %add3A_1157 : vector<16xi32>
        %mul3A_1159 = arith.mulf %unpack3A_1033, %exp3A_1089 : vector<16xf32>
        tpu.vector_store_idx %arg11[%add3A_328, %add3A_1158], %mul3A_1159 : memref<240x80xf32, #tpu.memory_space<vmem>>[vector<16xi32>, vector<16xi32>], vector<16xf32>,
        %mul3A_1160 = arith.mulf %unpack3A_1053, %exp3A_1089 : vector<16xf32>
        tpu.vector_store_idx %arg11[%add3A_328, %add3A_1049], %mul3A_1160 : memref<240x80xf32, #tpu.memory_space<vmem>>[vector<16xi32>, vector<16xi32>], vector<16xf32>,
        %add3A_1161 = arith.constant 32 : i32
        %add3A_1162 = vector.broadcast %add3A_1161 : i32 to vector<16xi32>
        %add3A_1163 = arith.addi %add3A_1049, %add3A_1162 : vector<16xi32>
        %mul3A_1164 = arith.mulf %unpack3A_1054, %exp3A_1089 : vector<16xf32>
        tpu.vector_store_idx %arg11[%add3A_328, %add3A_1163], %mul3A_1164 : memref<240x80xf32, #tpu.memory_space<vmem>>[vector<16xi32>, vector<16xi32>], vector<16xf32>,
        %mul3A_1165 = arith.mulf %unpack3A_1074, %exp3A_1089 : vector<16xf32>
        tpu.vector_store_idx %arg11[%add3A_328, %add3A_1070], %mul3A_1165 : memref<240x80xf32, #tpu.memory_space<vmem>>[vector<16xi32>, vector<16xi32>], vector<16xf32>,
        %add3A_1166 = arith.constant 32 : i32
        %add3A_1167 = vector.broadcast %add3A_1166 : i32 to vector<16xi32>
        %add3A_1168 = arith.addi %add3A_1070, %add3A_1167 : vector<16xi32>
        %mul3A_1169 = arith.mulf %unpack3A_1075, %exp3A_1089 : vector<16xf32>
        tpu.vector_store_idx %arg11[%add3A_328, %add3A_1168], %mul3A_1169 : memref<240x80xf32, #tpu.memory_space<vmem>>[vector<16xi32>, vector<16xi32>], vector<16xf32>,
        %broadcast_in_dim3A_1170 = arith.constant 64 : i32
        %broadcast_in_dim3A_1171 = vector.broadcast %broadcast_in_dim3A_1170 : i32 to vector<16xi32>
        tpu.vector_store_idx %arg11[%add3A_328, %broadcast_in_dim3A_1171], %exp3A : memref<240x80xf32, #tpu.memory_space<vmem>>[vector<16xi32>, vector<16xi32>], vector<16xf32>,
        %broadcast_in_dim3A_1172 = arith.constant 65 : i32
        %broadcast_in_dim3A_1173 = vector.broadcast %broadcast_in_dim3A_1172 : i32 to vector<16xi32>
        tpu.vector_store_idx %arg11[%add3A_328, %broadcast_in_dim3A_1173], %exp3A_1089 : memref<240x80xf32, #tpu.memory_space<vmem>>[vector<16xi32>, vector<16xi32>], vector<16xf32>,
      }
      %scan3A_312 = arith.constant 5 : i32
    }
    %scan3A_220 = arith.constant 250 : i32
    %rem3A_221 = arith.constant 249 : i32
    %rem3A_222 = arith.constant 3 : i32
    %rem3A_223 = arith.remsi %rem3A_221, %rem3A_222 : i32
    %rem3A_224 = arith.constant 249 : i32
    %rem3A_225 = arith.constant 8 : i32
    %rem3A_226 = arith.remsi %rem3A_224, %rem3A_225 : i32
    %mul3A_227 = arith.constant 80 : i32
    %mul3A_228 = arith.muli %rem3A_223, %mul3A_227 : i32
    %dma_start3A_229 = arith.constant 0 : i32
    %dma_start3A_230 = tpu.memref_slice %arg11[%mul3A_228, %dma_start3A_229] : memref<240x80xf32, #tpu.memory_space<vmem>> -> memref<80x80xf32, #tpu.memory_space<vmem>>
    %dma_start3A_231 = arith.constant 0 : i32
    %dma_start3A_232 = tpu.memref_slice %arg7[%rem3A_226, %dma_start3A_231] : memref<8x80xi32, #tpu.memory_space<vmem>> -> memref<1x80xi32, #tpu.memory_space<vmem>>
    %dma_start3A_233 = tpu.memref_squeeze %dma_start3A_232 : memref<1x80xi32, #tpu.memory_space<vmem>> -> memref<80xi32, #tpu.memory_space<vmem>>
    %dma_start3A_234 = arith.constant 0 : i32
    %dma_start3A_235 = arith.constant 0 : i32
    %dma_start3A_236 = tpu.memref_slice %arg13[%dma_start3A_234, %dma_start3A_235] : memref<10000x80xf32, #tpu.memory_space<vmem_shared>> -> memref<10000x80xf32, #tpu.memory_space<vmem_shared>>
    tpu.enqueue_indirect_dma source(%dma_start3A_230 : memref<80x80xf32, #tpu.memory_space<vmem>>) target(%dma_start3A_236 : memref<10000x80xf32, #tpu.memory_space<vmem_shared>>) offsets(%dma_start3A_233 : memref<80xi32, #tpu.memory_space<vmem>>) semaphore(%arg16 : memref<!tpu.dma_semaphore, #tpu.memory_space<semaphore_mem>>) {add = true}
    %dma_wait3A_237 = arith.constant 0 : i32
    %dma_wait3A_238 = arith.constant 0 : i32
    %dma_wait3A_239 = arith.constant 0 : i32
    %dma_wait3A_240 = tpu.memref_slice %arg11[%dma_wait3A_238, %dma_wait3A_239] : memref<240x80xf32, #tpu.memory_space<vmem>> -> memref<80x80xf32, #tpu.memory_space<vmem>>
    %dma_wait3A_241 = arith.constant 0 : i32
    %dma_wait3A_242 = tpu.memref_slice %arg7[%dma_wait3A_237, %dma_wait3A_241] : memref<8x80xi32, #tpu.memory_space<vmem>> -> memref<1x80xi32, #tpu.memory_space<vmem>>
    %dma_wait3A_243 = tpu.memref_squeeze %dma_wait3A_242 : memref<1x80xi32, #tpu.memory_space<vmem>> -> memref<80xi32, #tpu.memory_space<vmem>>
    %dma_wait3A_244 = arith.constant 0 : i32
    %dma_wait3A_245 = arith.constant 0 : i32
    %dma_wait3A_246 = tpu.memref_slice %arg13[%dma_wait3A_244, %dma_wait3A_245] : memref<10000x80xf32, #tpu.memory_space<vmem_shared>> -> memref<10000x80xf32, #tpu.memory_space<vmem_shared>>
    tpu.wait_indirect_dma semaphore(%arg16 : memref<!tpu.dma_semaphore, #tpu.memory_space<semaphore_mem>>) src(%dma_wait3A_240 : memref<80x80xf32, #tpu.memory_space<vmem>>) dst(%dma_wait3A_246 : memref<10000x80xf32, #tpu.memory_space<vmem_shared>>)
    %dma_wait3A_247 = arith.constant 0 : i32
    %dma_wait3A_248 = arith.constant 0 : i32
    %dma_wait3A_249 = arith.constant 0 : i32
    %dma_wait3A_250 = tpu.memref_slice %arg11[%dma_wait3A_248, %dma_wait3A_249] : memref<240x80xf32, #tpu.memory_space<vmem>> -> memref<80x80xf32, #tpu.memory_space<vmem>>
    %dma_wait3A_251 = arith.constant 0 : i32
    %dma_wait3A_252 = tpu.memref_slice %arg7[%dma_wait3A_247, %dma_wait3A_251] : memref<8x80xi32, #tpu.memory_space<vmem>> -> memref<1x80xi32, #tpu.memory_space<vmem>>
    %dma_wait3A_253 = tpu.memref_squeeze %dma_wait3A_252 : memref<1x80xi32, #tpu.memory_space<vmem>> -> memref<80xi32, #tpu.memory_space<vmem>>
    %dma_wait3A_254 = arith.constant 0 : i32
    %dma_wait3A_255 = arith.constant 0 : i32
    %dma_wait3A_256 = tpu.memref_slice %arg13[%dma_wait3A_254, %dma_wait3A_255] : memref<10000x80xf32, #tpu.memory_space<vmem_shared>> -> memref<10000x80xf32, #tpu.memory_space<vmem_shared>>
    tpu.wait_indirect_dma semaphore(%arg16 : memref<!tpu.dma_semaphore, #tpu.memory_space<semaphore_mem>>) src(%dma_wait3A_250 : memref<80x80xf32, #tpu.memory_space<vmem>>) dst(%dma_wait3A_256 : memref<10000x80xf32, #tpu.memory_space<vmem_shared>>)
    %barrier3A_257 = arith.constant 0 : index
    tpu.barrier barrier_id(%barrier3A_257)
    %add3A_258 = arith.addi %mul3A_1, %mul3A_14 : i32
    "tpu.region"() ({
      %run_scoped3A = tpu.sem_alloc : memref<!tpu.dma_semaphore, #tpu.memory_space<semaphore_mem>>
      %dma_start3A_259 = arith.constant 0 : i32
      %dma_start3A_260 = tpu.memref_slice %arg5[%add3A_258, %dma_start3A_259] : memref<20000x80xf32, #tpu.memory_space<hbm>> -> memref<625x80xf32, #tpu.memory_space<hbm>>
      %dma_start3A_261 = arith.constant 0 : i32
      %dma_start3A_262 = tpu.memref_slice %arg13[%mul3A_14, %dma_start3A_261] : memref<10000x80xf32, #tpu.memory_space<vmem_shared>> -> memref<625x80xf32, #tpu.memory_space<vmem_shared>>
      tpu.enqueue_dma source(%dma_start3A_262 : memref<625x80xf32, #tpu.memory_space<vmem_shared>>) target(%dma_start3A_260 : memref<625x80xf32, #tpu.memory_space<hbm>>) target_semaphore(%run_scoped3A : memref<!tpu.dma_semaphore, #tpu.memory_space<semaphore_mem>>)
      %dma_wait3A_263 = arith.constant 0 : i32
      %dma_wait3A_264 = tpu.memref_slice %arg5[%add3A_258, %dma_wait3A_263] : memref<20000x80xf32, #tpu.memory_space<hbm>> -> memref<625x80xf32, #tpu.memory_space<hbm>>
      %dma_wait3A_265 = arith.constant 0 : i32
      %dma_wait3A_266 = tpu.memref_slice %arg13[%mul3A_14, %dma_wait3A_265] : memref<10000x80xf32, #tpu.memory_space<vmem_shared>> -> memref<625x80xf32, #tpu.memory_space<vmem_shared>>
      tpu.wait_dma2 semaphore(%run_scoped3A : memref<!tpu.dma_semaphore, #tpu.memory_space<semaphore_mem>>) src(%dma_wait3A_266 : memref<625x80xf32, #tpu.memory_space<vmem_shared>>) dst(%dma_wait3A_264 : memref<625x80xf32, #tpu.memory_space<hbm>>)
      tpu.yield
    }) : () -> ()
    return
  }
}

module attributes {stable_mosaic.version = 14 : i64} {
  func.func @body(%arg0: i32, %arg1: memref<2000x128xf32, #tpu.memory_space<vmem>>, %arg2: memref<128x128xf32, #tpu.memory_space<vmem>>, %arg3: memref<2000x128xbf16, #tpu.memory_space<vmem>>) attributes {dimension_semantics = [#tpu.dimension_semantics<arbitrary>], iteration_bounds = array<i64: 5>, scalar_prefetch = 0 : i64, scratch_operands = 0 : i64, tpu.core_type = #tpu.core_type<tc>, window_params = [{transform_indices = @transform_0, window_bounds = array<i64: 2000, 128>}, {pipeline_mode = #tpu.pipeline_mode<synchronous>, transform_indices = @transform_1, window_bounds = array<i64: 128, 128>}, {transform_indices = @transform_2, window_bounds = array<i64: 2000, 128>}]} {
    %get3A = arith.constant 0 : index
    %get3A_0 = arith.constant 0 : index
    %get3A_1 = vector.load %arg1[%get3A, %get3A_0] : memref<2000x128xf32, #tpu.memory_space<vmem>>, vector<2000x128xf32>
    %get3A_2 = arith.constant 0 : index
    %get3A_3 = arith.constant 0 : index
    %get3A_4 = vector.load %arg2[%get3A_2, %get3A_3] : memref<128x128xf32, #tpu.memory_space<vmem>>, vector<128x128xf32>
    %dot_general3A = arith.constant dense<0.000000e+00> : vector<2000x128xf32>
    %dot_general3A_5 = tpu.matmul %get3A_1, %get3A_4, %dot_general3A {dimension_numbers = #tpu.dot_dimension_numbers<[1], [0], [0], [1], [0, 0, 1, 1], [], []>, transpose_lhs_hint = false} : vector<2000x128xf32>, vector<128x128xf32>, vector<2000x128xf32> -> vector<2000x128xf32>
    %convert_element_type3A = arith.truncf %dot_general3A_5 : vector<2000x128xf32> to vector<2000x128xbf16>
    %swap3A = arith.constant 0 : index
    %swap3A_6 = arith.constant 0 : index
    %swap3A_7 = vector.load %arg3[%swap3A, %swap3A_6] : memref<2000x128xbf16, #tpu.memory_space<vmem>>, vector<2000x128xbf16>
    tpu.vector_store %arg3[%swap3A, %swap3A_6], %convert_element_type3A {strides = array<i32>} : memref<2000x128xbf16, #tpu.memory_space<vmem>>, vector<2000x128xbf16>,
    return
  }
  func.func @transform_0(%arg0: i32) -> (i32, i32) {
    %c0_i32 = arith.constant 0 : i32
    %c0_i32_0 = arith.constant 0 : i32
    return %arg0, %c0_i32 : i32, i32
  }
  func.func @transform_1(%arg0: i32) -> (i32, i32) {
    %c0_i32 = arith.constant 0 : i32
    %c0_i32_0 = arith.constant 0 : i32
    %c0_i32_1 = arith.constant 0 : i32
    return %c0_i32, %c0_i32_0 : i32, i32
  }
  func.func @transform_2(%arg0: i32) -> (i32, i32) {
    %c0_i32 = arith.constant 0 : i32
    %c0_i32_0 = arith.constant 0 : i32
    return %arg0, %c0_i32 : i32, i32
  }
}

module attributes {stable_mosaic.version = 14 : i64} {
  func.func @body(%arg0: i32, %arg1: memref<2000x80xf32, #tpu.memory_space<vmem>>, %arg2: memref<2000x64xf32, #tpu.memory_space<vmem>>) attributes {dimension_semantics = [#tpu.dimension_semantics<arbitrary>], iteration_bounds = array<i64: 10>, scalar_prefetch = 0 : i64, scratch_operands = 0 : i64, tpu.core_type = #tpu.core_type<tc>, window_params = [{transform_indices = @transform_0, window_bounds = array<i64: 2000, 80>}, {transform_indices = @transform_1, window_bounds = array<i64: 2000, 64>}]} {
    %get3A = arith.constant 0 : index
    %get3A_0 = arith.constant 0 : index
    %get3A_1 = vector.load %arg1[%get3A, %get3A_0] : memref<2000x80xf32, #tpu.memory_space<vmem>>, vector<2000x80xf32>
    %slice3A = vector.extract_strided_slice %get3A_1 {offsets = [0, 64], sizes = [2000, 1], strides = [1, 1]} : vector<2000x80xf32> to vector<2000x1xf32>
    %add3A = arith.constant 9.99999971E-10 : f32
    %add3A_2 = vector.broadcast %add3A : f32 to vector<2000x1xf32>
    %add3A_3 = arith.addf %slice3A, %add3A_2 : vector<2000x1xf32>
    %slice3A_4 = vector.extract_strided_slice %get3A_1 {offsets = [0, 65], sizes = [2000, 1], strides = [1, 1]} : vector<2000x80xf32> to vector<2000x1xf32>
    %add3A_5 = arith.constant 9.99999971E-10 : f32
    %add3A_6 = vector.broadcast %add3A_5 : f32 to vector<2000x1xf32>
    %add3A_7 = arith.addf %slice3A_4, %add3A_6 : vector<2000x1xf32>
    %slice3A_8 = vector.extract_strided_slice %get3A_1 {offsets = [0, 0], sizes = [2000, 16], strides = [1, 1]} : vector<2000x80xf32> to vector<2000x16xf32>
    %div3A = vector.broadcast %add3A_3 : vector<2000x1xf32> to vector<2000x16xf32>
    %div3A_9 = arith.divf %slice3A_8, %div3A : vector<2000x16xf32>
    %slice3A_10 = vector.extract_strided_slice %get3A_1 {offsets = [0, 16], sizes = [2000, 16], strides = [1, 1]} : vector<2000x80xf32> to vector<2000x16xf32>
    %div3A_11 = vector.broadcast %add3A_7 : vector<2000x1xf32> to vector<2000x16xf32>
    %div3A_12 = arith.divf %slice3A_10, %div3A_11 : vector<2000x16xf32>
    %slice3A_13 = vector.extract_strided_slice %get3A_1 {offsets = [0, 32], sizes = [2000, 16], strides = [1, 1]} : vector<2000x80xf32> to vector<2000x16xf32>
    %div3A_14 = vector.broadcast %add3A_3 : vector<2000x1xf32> to vector<2000x16xf32>
    %div3A_15 = arith.divf %slice3A_13, %div3A_14 : vector<2000x16xf32>
    %slice3A_16 = vector.extract_strided_slice %get3A_1 {offsets = [0, 48], sizes = [2000, 16], strides = [1, 1]} : vector<2000x80xf32> to vector<2000x16xf32>
    %div3A_17 = vector.broadcast %add3A_7 : vector<2000x1xf32> to vector<2000x16xf32>
    %div3A_18 = arith.divf %slice3A_16, %div3A_17 : vector<2000x16xf32>
    %concatenate3A = tpu.concatenate %div3A_9, %div3A_12, %div3A_15, %div3A_18 in 1 : vector<2000x16xf32>, vector<2000x16xf32>, vector<2000x16xf32>, vector<2000x16xf32> -> vector<2000x64xf32>
    %swap3A = arith.constant 0 : index
    %swap3A_19 = arith.constant 0 : index
    %swap3A_20 = vector.load %arg2[%swap3A, %swap3A_19] : memref<2000x64xf32, #tpu.memory_space<vmem>>, vector<2000x64xf32>
    tpu.vector_store %arg2[%swap3A, %swap3A_19], %concatenate3A {strides = array<i32>} : memref<2000x64xf32, #tpu.memory_space<vmem>>, vector<2000x64xf32>,
    return
  }
  func.func @transform_0(%arg0: i32) -> (i32, i32) {
    %c0_i32 = arith.constant 0 : i32
    %c0_i32_0 = arith.constant 0 : i32
    return %arg0, %c0_i32 : i32, i32
  }
  func.func @transform_1(%arg0: i32) -> (i32, i32) {
    %c0_i32 = arith.constant 0 : i32
    %c0_i32_0 = arith.constant 0 : i32
    return %arg0, %c0_i32 : i32, i32
  }
}

</mosaic_0001>

<sc_bundles>
// kernel: kernel.5.cloned.1.call-start
scs
__scs_entry_jumppad:
0x0: {  	(pc) =	sbr.rel $0x88, $3  }
0x1: {  	(tag) =	ssettag $0x0;
	lr =	simm.s32 $0x1  }
0x2: {  	[smem:$0x3F9E] =	sst lr;
	_ =	strace $0xD0000000  }
0x3: {  	_ = 	snop  }
0x4: {  	_ = 	snop  }
0x5: {  	_ = 	snop  }
0x6: {  	_ = 	snop  }
0x7: {  	_ = 	snop  }
__scs_overlays_trampoline_lowered:
0x8: {  	[smem:$0x3FAD] =	sst s0  }
0x9: {  	[smem:$0x3FAE] =	sst s1  }
0xa: {  	[smem:$0x3FAF] =	sst s2  }
0xb: {  	[smem:$0x3FB0] =	sst s3  }
0xc: {  	[smem:$0x3FB1] =	sst s4  }
0xd: {  	[smem:$0x3FB2] =	sst s5  }
0xe: {  	[smem:$0x3FB3] =	sst s6  }
0xf: {  	[smem:$0x3FB4] =	sst s7  }
0x10: {  	[smem:$0x3FB5] =	sst s8  }
0x11: {  	[smem:$0x3FB6] =	sst s9;
	s0 =	simm.s32 @!p0 $0x0  }
0x12: {  	s1 =	sld [smem:$0x3F9C];
	s0 =	simm.s32 @p0 $0x1  }
0x13: {  	[smem:$0x3FB7] =	sst s0;
	s0 =	simm.s32 @!p1 $0x0  }
0x14: {  	s2 =	sld [smem:$0x3F9B];
	s0 =	simm.s32 @p1 $0x1  }
0x15: {  	[smem:$0x3FB8] =	sst s0;
	s0 =	simm.s32 @!p2 $0x0  }
0x16: {  	s3 =	sld [smem:$0x3FDB];
	s0 =	simm.s32 @p2 $0x1  }
0x17: {  	s4 =	simm.s32 $0x1BF5;
	[smem:$0x3FBA] =	sst s0  }
0x18: {  	s0 =	sld [smem:$0x3F9D];
	_ =	swait.ge [sflag:s4], $0x0  }
0x19: {  	s7 =	sld [smem:$0x3F9E]  }
0x1a: {  	s8 =	sadd.s32 $0xFFFFE003, lr  }
0x1b: {  	s9 =	sadd.s32 $0xFFFFFEF7, lr;
	s5 =	simm.s32 $0xFFFFFFFF;
	p2 =	slt.u32 s8, $0xFFFFF086  }
0x1c: {  	p1 =	slt.u32 s9, $0xF7A;
	s5 =	simm.s32 @!p2 $0x0  }
0x1d: {  	s5 =	simm.s32 @p1 $0x1;
	p0 =	seq.s32 s7, s2  }
0x1e: {  	s7 =	smul.u32 @!p0 $0xF7A, s2;
	p2 =	seq.s32 @!p0 s5, $0x0  }
0x1f: {  	s9 =	smul.u32 $0xF7A, s1;
	s8 =	simm.s32 @!p0 $0x1BF5;
	p2 =	por !p2, p0  }
0x20: {  	[sflag:s8] =	ssyncset.s32 @!p0 $0xFFFFF086;
	s6 =	sadd.s32 @!p0 s3, s7;
	s7 =	simm.s32 @!p0 $0x108  }
0x21: {  	s3 =	sadd.s32 s3, s9;
	s6 =	sadd.s32 @!p0 $0x88, s6;
	s7 =	simm.s32 @p2 $0x1082  }
0x22: {  	[simem:s7], [sflag:s8] =	dma.local @!p0 [hbm:s6], $0xF7A  }
0x23: {  	s9 =	sor.u32 $0xD0000000, s2;
	s6 =	simm.s32 $0x108;
	_ =	swait.ge @!p0 [sflag:s8], $0x0  }
0x24: {  	s3 =	sadd.s32 $0x88, s3;
	s6 =	simm.s32 @!p1 $0x1082;
	[sflag:s4] =	ssyncset.s32 $0xFFFFF086  }
0x25: {  	[simem:s6], [sflag:s4] =	dma.local [hbm:s3], $0xF7A  }
0x26: {  	[smem:$0x3F9E] =	sst s1;
	(tag) =	ssettag s2;
	_ =	strace s9  }
0x27: {  	s1 =	sld [smem:$0x3FAE]  }
0x28: {  	s2 =	sld [smem:$0x3FAF]  }
0x29: {  	s4 =	sld [smem:$0x3FB1]  }
0x2a: {  	p0 =	seq.s32 s5, $0x0;
	s5 =	sld [smem:$0x3FB2]  }
0x2b: {  	s6 =	sld [smem:$0x3FB3]  }
0x2c: {  	s7 =	sld [smem:$0x3FB4]  }
0x2d: {  	s3 =	simm.s32 $0x108;
	s8 =	sld [smem:$0x3FB5]  }
0x2e: {  	s3 =	simm.s32 @!p0 $0x1082;
	s9 =	sld [smem:$0x3FB6]  }
0x2f: {  	lr =	sadd.s32 s0, s3;
	s0 =	sld [smem:$0x3FAD]  }
0x30: {  	s3 =	sld [smem:$0x3FB0]  }
0x31: {  	[smem:$0x3FB9] =	sst s10  }
0x32: {  	s10 =	sld [smem:$0x3FB7];
	_ =	sdelay $0x3  }
0x33: {  	p0 =	seq.s32 s10, $0x1;
	s10 =	sld [smem:$0x3FB9];
	_ =	sdelay $0x3  }
0x34: {  	[smem:$0x3FB9] =	sst s10  }
0x35: {  	s10 =	sld [smem:$0x3FB8];
	_ =	sdelay $0x3  }
0x36: {  	p1 =	seq.s32 s10, $0x1;
	s10 =	sld [smem:$0x3FB9];
	_ =	sdelay $0x3  }
0x37: {  	[smem:$0x3FB9] =	sst s10  }
0x38: {  	s10 =	sld [smem:$0x3FBA]  }
0x39: {  	_ = 	snop;
	(pc) =	sbr.ind lr, $3  }
0x3a: {  	_ = 	snop  }
0x3b: {  	_ = 	snop  }
0x3c: {  	p2 =	seq.s32 s10, $0x1;
	s10 =	sld [smem:$0x3FB9]  }
0x3d: {  	_ =	shalt  }
0x3e: {  	_ =	shalt  }
0x3f: {  	_ =	shalt  }
0x40: {  	_ =	shalt  }
0x41: {  	_ =	shalt  }
0x42: {  	_ =	shalt  }
0x43: {  	_ =	shalt  }
0x44: {  	_ =	shalt  }
0x45: {  	_ =	shalt  }
0x46: {  	_ =	shalt  }
0x47: {  	_ =	shalt  }
0x48: {  	_ =	shalt  }
0x49: {  	_ =	shalt  }
0x4a: {  	_ =	shalt  }
0x4b: {  	_ =	shalt  }
0x4c: {  	_ =	shalt  }
0x4d: {  	_ =	shalt  }
0x4e: {  	_ =	shalt  }
0x4f: {  	_ =	shalt  }
0x50: {  	_ =	shalt  }
0x51: {  	_ =	shalt  }
0x52: {  	_ =	shalt  }
0x53: {  	_ =	shalt  }
0x54: {  	_ =	shalt  }
0x55: {  	_ =	shalt  }
0x56: {  	_ =	shalt  }
0x57: {  	_ =	shalt  }
0x58: {  	_ =	shalt  }
0x59: {  	_ =	shalt  }
0x5a: {  	_ =	shalt  }
0x5b: {  	_ =	shalt  }
0x5c: {  	_ =	shalt  }
0x5d: {  	_ =	shalt  }
0x5e: {  	_ =	shalt  }
0x5f: {  	_ =	shalt  }
0x60: {  	_ =	shalt  }
0x61: {  	_ =	shalt  }
0x62: {  	_ =	shalt  }
0x63: {  	_ =	shalt  }
0x64: {  	_ =	shalt  }
0x65: {  	_ =	shalt  }
0x66: {  	_ =	shalt  }
0x67: {  	_ =	shalt  }
0x68: {  	_ =	shalt  }
0x69: {  	_ =	shalt  }
0x6a: {  	_ =	shalt  }
0x6b: {  	_ =	shalt  }
0x6c: {  	_ =	shalt  }
0x6d: {  	_ =	shalt  }
0x6e: {  	_ =	shalt  }
0x6f: {  	_ =	shalt  }
0x70: {  	_ =	shalt  }
0x71: {  	_ =	shalt  }
0x72: {  	_ =	shalt  }
0x73: {  	_ =	shalt  }
0x74: {  	_ =	shalt  }
0x75: {  	_ =	shalt  }
0x76: {  	_ =	shalt  }
0x77: {  	_ =	shalt  }
0x78: {  	_ =	shalt  }
0x79: {  	_ =	shalt  }
0x7a: {  	_ =	shalt  }
0x7b: {  	_ =	shalt  }
0x7c: {  	_ =	shalt  }
0x7d: {  	_ =	shalt  }
0x7e: {  	_ =	shalt  }
0x7f: {  	_ =	shalt  }
0x80: {  	_ =	shalt  }
0x81: {  	_ =	shalt  }
0x82: {  	_ =	shalt  }
0x83: {  	_ =	shalt  }
0x84: {  	_ =	shalt  }
0x85: {  	_ =	shalt  }
0x86: {  	_ =	shalt  }
0x87: {  	_ =	shalt  }
.Lfunc_end0:
.L_simem_size_0:
called_computation_lowered:
.L_overlay_start_0:
0x88: {  	s2 =	sld [smem:$0x3FD9]  }
0x89: {  	s3 =	sld [smem:$0x3FFE];
	_ =	sdelay $0x1  }
0x8a: {  	s1 =	srdreg.scid  }
0x8b: {  	s0 =	sand.u32 $0x1, s1  }
0x8c: {  	s17 =	sshll.u32 s0, $0xA;
	s2 =	sadd.s32 s3, s2  }
0x8d: {  	s2 =	sadd.s32 s2, s17  }
0x8e: {  	[smem:$0x3FC5] =	sst s2  }
0x8f: {  	_ = 	snop  }
0x90: {  	s2 =	sld [smem:$0x3FD0];
	(tm) =	ssettm $0x1  }
0x91: {  	s18 =	sld [smem:$0x3FFB];
	_ =	sdelay $0x3  }
0x92: {  	_ =	strace s18  }
0x93: {  	s3 =	sld [smem:$0x3FFC];
	_ =	sdelay $0x3  }
0x94: {  	_ =	strace s3  }
0x95: {  	s3 =	sld [smem:$0x3FFD];
	_ =	sdelay $0x3  }
0x96: {  	_ =	strace s3  }
0x97: {  	_ =	strace $0x8FFFFFFF  }
0x98: {  	s19 =	sld [smem:$0x3FDB];
	_ =	sdelay $0x1  }
0x99: {  	s4 =	simm.s32 $_scs_section_size  }
0x9a: {  	s5 =	simm.s32 $_size__tile_overlayer_lowered;
	s6 =	simm.s32 $_tile_overlayer_lowered  }
0x9b: {  	s22 =	simm.s32 $0x1BFF;
	s21 =	sshll.u32 s6, $0x1;
	s3 =	sadd.s32 s4, s19  }
0x9c: {  	s7 =	simm.s32 $0x0;
	s20 =	sshll.u32 s5, $0x1;
	s5 =	sadd.s32 s21, s3  }
0x9d: {  	[timem:s7], [sflag:s22] =	dma.local [hbm:s5], s20  }
0x9e: {  	_ =	swait.ge [sflag:s22], s20  }
0x9f: {  	s4 =	ssub.s32 $0x0, s20;
	[sflag:s22] =	ssyncset.done $0x0  }
0xa0: {  	[sflag:s22] =	ssyncadd.s32 s4;
	_ =	sdelay $0x1  }
0xa1: {  	s23 =	simm.s32 $0x1B8B  }
0xa2: {  	_ =	swait.ge [sflag:s23], $0x1  }
0xa3: {  	[sflag:s23] =	ssyncset.done $0x0  }
0xa4: {  	s25 =	simm.s32 $0x1B8E;
	s24 =	sld [smem:$0x3FFE];
	[sflag:s23] =	ssyncadd.s32 $0xFFFFFFFF  }
0xa5: {  	s26 =	simm.s32 $execute0_lowered;
	[smem:$0x3FD2] =	sst s25  }
0xa6: {  	s5 =	sshll.u32 s26, $0x1;
	_ =	strace $0x80000046;
	[dreg:$0x1] =	wrdreg $0xFFFFFFFF  }
0xa7: {  	s28 =	simm.s32 $_size_execute0_lowered;
	s3 =	sadd.s32 s3, s5;
	[dreg:$0x0] =	wrdreg $0x0  }
0xa8: {  	s5 =	sshll.u32 s28, $0x1;
	[dreg:$0x2] =	wrdreg s3  }
0xa9: {  	[dreg:$0x3] =	wrdreg s5  }
0xaa: {  	[dreg:$0x4] =	wrdreg $0xC0  }
0xab: {  	_ =	task [dreg:s7], $0x5FFFF  }
0xac: {  	[dreg:$0x1] =	wrdreg $0xFFFFFFFF  }
0xad: {  	[dreg:$0x0] =	wrdreg $0x60  }
0xae: {  	[dreg:$0x2] =	wrdreg s2  }
0xaf: {  	[dreg:$0x3] =	wrdreg s24  }
0xb0: {  	[dreg:$0x4] =	wrdreg $0xB3100  }
0xb1: {  	[dreg:$0x5] =	wrdreg $0x9  }
0xb2: {  	_ =	task.clear_ibuf [dreg:s7], $0x6FFFF;
	_ =	strace $0x90000046  }
0xb3: {  	s29 =	simm.s32 $0x9;
	_ =	strace $0x80000048  }
0xb4: {  	_ =	swait.ge [sflag:s29], $0x1  }
0xb5: {  	[sflag:s29] =	ssyncadd.s32 $0xFFFFFFFF  }
0xb6: {  	_ =	strace $0x90000048  }
0xb7: {  	_ =	sfence  }
0xb8: {  	s30 =	sld [smem:$0x0];
	_ =	sdelay $0x2  }
0xb9: {  	s31 =	sshll.u32 s1, $0xD;
	s1 =	sshrl.u32 s1, $0x2  }
0xba: {  	s3 =	sand.u32 $0x4000, s31;
	s1 =	sadd.s32 s1, s30  }
0xbb: {  	s0 =	sor.u32 s3, s0;
	s1 =	sshll.u32 s1, $0x11  }
0xbc: {  	s0 =	sor.u32 s1, s0  }
0xbd: {  	s0 =	sadd.s32 $0x8F2B, s0  }
0xbe: {  	[sflag:s0] =	ssyncadd.remote.s32 $0x1  }
0xbf: {  	_ =	sfence.sel $0xFFFF  }
0xc0: {  	[dreg:$0x0] =	wrdreg $0xFFFFFFFF;
	(pc) =	sbr.abs _section_cstart, $3  }
0xc1: {  	[dreg:$0x1] =	wrdreg $0xFFFFFFFF  }
0xc2: {  	_ =	task.clear_ibuf [dreg:s7], $0x2FFFF;
	_ =	strace $0x9FFFFFFF  }
0xc3: {  	(tm) =	ssettm $0x7FFFFFFF  }
tec
execute0_lowered:
.L_overlay_start_1:
0x0: {  	(tag) =	ssettag $0x1  }
0x1: {  	v0 =	vimm.s32 $0xFEDCBA9;
	v1 =	vimm.s32 $0x87654321  }
0x2: {  	v2 =	vimm.s32 $0x10FEDCBA;
	v3 =	vimm.s32 $0x98765432;
	v4 =	vimm.s32 $0x210FEDCB  }
0x3: {  	v5 =	vimm.s32 $0xA9876543;
	v9 =	vimm.s32 $0x3210FEDC;
	v10 =	vimm.s32 $0xBA987654  }
0x4: {  	v12 =	vimm.s32 $0x6543210F;
	v13 =	vimm.s32 $0xEDCBA987;
	v17 =	vimm.s32 $0xFEDCBA98  }
0x5: {  	v19 =	vimm.s32 $0x76543210;
	v22 =	vimm.s32 $0x2C2B2A29;
	v24 =	vimm.s32 $0x202F2E2D  }
0x6: {  	v25 =	vimm.s32 $0x24232221;
	v26 =	vimm.s32 $0x28272625;
	vm0 =	vcmask $0x1F10  }
0x7: {  	v28 =	vimm.s32 $0x2D2C2B2A;
	v31 =	vimm.s32 $0x29282726;
	v32 =	vimm.s32 $0x2E2D2C2B  }
0x8: {  	v34 =	vimm.s32 $0x26252423;
	v35 =	vimm.s32 $0x2A292827;
	v36 =	vimm.s32 $0x2F2E2D2C  }
0x9: {  	v39 =	vimm.s32 $0x2B2A2928;
	v40 =	vimm.s32 $0x1C1B1A19;
	v41 =	vimm.s32 $0x101F1E1D  }
0xa: {  	v42 =	vimm.s32 $0x14131211;
	v43 =	vimm.s32 $0x18171615;
	v53 =	vimm.s32 $0x1D1C1B1A  }
0xb: {  	v57 =	vimm.s32 $0x11101F1E;
	v0 =	vunpack.c.l.s4.s8 v0;
	v1 =	vunpack.c.l.s4.s8 v1  }
0xc: {  	s0 =	srdreg.scid;
	v2 =	vunpack.c.l.s4.s8 v2;
	v3 =	vunpack.c.l.s4.s8 v3;
	v4 =	vunpack.c.l.s4.s8 v4  }
0xd: {  	v5 =	vunpack.c.l.s4.s8 v5;
	s2 =	sand.u32 $0x1, s0;
	v9 =	vunpack.c.l.s4.s8 v9;
	v10 =	vunpack.c.l.s4.s8 v10  }
0xe: {  	v12 =	vunpack.c.l.s4.s8 v12;
	v13 =	vunpack.c.l.s4.s8 v13;
	v17 =	vunpack.c.l.s4.s8 v17;
	s4 =	smul.u32 $0x2710, s2  }
0xf: {  	v0 =	vunpack.c.0.s8.s32 v0;
	v1 =	vunpack.c.0.s8.s32 v1;
	v2 =	vunpack.c.0.s8.s32 v2  }
0x10: {  	v3 =	vunpack.c.0.s8.s32 v3;
	v4 =	vunpack.c.0.s8.s32 v4;
	v11 =	vmov s4  }
0x11: {  	v59 =	vunpack.c.0.s8.s32 v10;
	v10 =	vimm.s32 $0x543210FE;
	[tilespmem:$0x1FB40] =	vst v11;
	v11 =	vimm.s32 $0xDCBA9876  }
0x12: {  	v5 =	vunpack.c.0.s8.s32 v5;
	v10 =	vunpack.c.l.s4.s8 v10;
	v11 =	vunpack.c.l.s4.s8 v11  }
0x13: {  	v58 =	vunpack.c.0.s8.s32 v9;
	v9 =	vimm.s32 $0xCBA98765;
	v12 =	vunpack.c.0.s8.s32 v12  }
0x14: {  	v6 =	vcombine.low v1, v0;
	v10 =	vunpack.c.0.s8.s32 v10;
	v11 =	vunpack.c.0.s8.s32 v11  }
0x15: {  	v13 =	vunpack.c.0.s8.s32 v13;
	v7 =	vcombine.low v3, v2;
	v8 =	vcombine.low v5, v4  }
0x16: {  	v9 =	vunpack.c.l.s4.s8 v9;
	v0 =	vcombine.low v0, v1;
	v21 =	vcombine.low v10, v11  }
0x17: {  	v14 =	vcombine.low v59, v58;
	v18 =	vcombine.low v13, v12;
	v47 =	vand.u32 $0xF, v8  }
0x18: {  	v8 =	vimm.s32 $0x43210FED;
	v52 =	vand.u32 $0xF, v0;
	v0 =	vand.u32 $0xF, v21  }
0x19: {  	v60 =	vcombine.low v2, v3;
	v8 =	vunpack.c.l.s4.s8 v8;
	[tilespmem:$0x1FB60] =	vst v0;
	v0 =	vunpack.c.0.s8.s32 v40  }
0x1a: {  	v44 =	vunpack.c.0.s8.s32 v43;
	v62 =	vcombine.low v4, v5;
	v63 =	vcombine.low v58, v59  }
0x1b: {  	v9 =	vunpack.c.0.s8.s32 v9;
	v8 =	vunpack.c.0.s8.s32 v8;
	[tilespmem:$0x1FBA0] =	vst v0;
	v0 =	vunpack.c.0.s8.s32 v41  }
0x1c: {  	v23 =	vcombine.low v12, v13;
	v3 =	vunpack.c.0.s8.s32 v24;
	v4 =	vunpack.c.0.s8.s32 v25  }
0x1d: {  	v5 =	vunpack.c.0.s8.s32 v26;
	v15 =	vcombine.low v9, v8;
	[tilespmem:$0x1FBB0] =	vst v0;
	v0 =	vunpack.c.0.s8.s32 v42  }
0x1e: {  	[tilespmem:$0x1FBD0] =	vst v44;
	v48 =	vand.u32 $0xF, v14;
	v14 =	vunpack.c.l.s4.s8 v19;
	v1 =	vand.u32 $0xF, v60  }
0x1f: {  	v49 =	vand.u32 $0xF, v15;
	v15 =	vunpack.c.0.s8.s32 v17;
	[tilespmem:$0x1FBC0] =	vst v0;
	v0 =	vunpack.c.0.s8.s32 v53  }
0x20: {  	v59 =	vunpack.c.0.s8.s32 v28;
	v58 =	vimm.s32 $0x15141312;
	[tilespmem:$0x1FB50] =	vst v1;
	v14 =	vunpack.c.0.s8.s32 v14  }
0x21: {  	v27 =	vand.u32 $0xF, v23;
	v61 =	vand.u32 $0xF, v15;
	[tilespmem:$0x1FBE0] =	vst v0;
	v0 =	vunpack.c.0.s8.s32 v57  }
0x22: {  	v60 =	vunpack.c.0.s8.s32 v58;
	[tilespmem:$0x1FB70] =	vst v27;
	v51 =	vcombine.low v61, v14;
	v61 =	vimm.s32 $0x19181716  }
0x23: {  	v54 =	vand.u32 $0xF, v62;
	v23 =	vimm.s32 $0x1F1E1D1C;
	[tilespmem:$0x1FBF0] =	vst v0;
	v0 =	vunpack.c.0.s8.s32 v61  }
0x24: {  	v62 =	vimm.s32 $0x1E1D1C1B;
	v24 =	vunpack.c.0.s8.s32 v23;
	[tilespmem:$0x1FC00] =	vst v60;
	v20 =	vcombine.low v8, v9  }
0x25: {  	v55 =	vand.u32 $0xF, v63;
	v63 =	vimm.s32 $0x1211101F;
	[tilespmem:$0x1FC10] =	vst v0;
	v0 =	vunpack.c.0.s8.s32 v62  }
0x26: {  	[tilespmem:$0x1FC60] =	vst v24;
	v21 =	vimm.s32 $0x16151413;
	v56 =	vand.u32 $0xF, v20;
	v20 =	vunpack.c.0.s8.s32 v63  }
0x27: {  	v12 =	vunpack.c.0.s8.s32 v36;
	v1 =	vunpack.c.0.s8.s32 v22;
	[tilespmem:$0x1FC20] =	vst v0;
	v0 =	vunpack.c.0.s8.s32 v21  }
0x28: {  	v22 =	vimm.s32 $0x1A191817;
	v27 =	vimm.s32 $0x1B1A1918;
	v16 =	vcombine.low v11, v10;
	[tilespmem:$0x1FC30] =	vst v20  }
0x29: {  	v11 =	vunpack.c.0.s8.s32 v35;
	v15 =	vsel vm0, v4, v3;
	[tilespmem:$0x1FC40] =	vst v0;
	v0 =	vunpack.c.0.s8.s32 v22  }
0x2a: {  	v25 =	vimm.s32 $0x13121110;
	v45 =	vand.u32 $0xF, v6;
	v28 =	vunpack.c.0.s8.s32 v27;
	[tilespmem:$0x1FB80] =	vst v15  }
0x2b: {  	s1 =	rddreg [dreg:$0x1];
	v6 =	vsel vm0, v3, v1;
	v3 =	vmovc v11;
	v11 =	vsel vm0, v1, v5;
	[tilespmem:$0x1FC50] =	vst v0;
	v0 =	vunpack.c.0.s8.s32 v25  }
0x2c: {  	s3 =	rddreg [dreg:$0x2];
	s5 =	simm.s32 $0x0;
	v10 =	vunpack.c.0.s8.s32 v34;
	v8 =	vunpack.c.0.s8.s32 v31;
	v31 =	vimm.s32 $0x34333231;
	[tilespmem:$0x1FB90] =	vst v11  }
0x2d: {  	[smem:$0x7FF] =	sst s5;
	v19 =	vunpack.c.0.s8.s32 v32;
	v35 =	vimm.s32 $0x31303F3E;
	v32 =	vunpack.c.0.s8.s32 v31;
	[tilespmem:$0x1FC70] =	vst v0  }
0x2e: {  	s0 =	rddreg [dreg:$0x0];
	v36 =	vunpack.c.0.s8.s32 v35;
	v2 =	vmovc v10;
	v10 =	vunpack.c.0.s8.s32 v39;
	v39 =	vimm.s32 $0x3E3D3C3B;
	_ =	strace $0x80000047;
	[tilespmem:$0x1FC90] =	vst v28  }
0x2f: {  	v43 =	vimm.s32 $0x3A393837;
	v40 =	vunpack.c.0.s8.s32 v39;
	[tilespmem:$0x1FCC0] =	vst v32  }
0x30: {  	v44 =	vunpack.c.0.s8.s32 v43;
	v58 =	vimm.s32 $0x37363534;
	[tilespmem:$0x1FCF0] =	vst v36  }
0x31: {  	v60 =	vunpack.c.0.s8.s32 v58;
	[tilespmem:$0x1FD20] =	vst v40  }
0x32: {  	[tilespmem:$0x1FD50] =	vst v44  }
0x33: {  	v29 =	vimm.s32 $0x21202F2E;
	v46 =	vand.u32 $0xF, v7;
	v7 =	vsel vm0, v5, v4;
	[tilespmem:$0x1FD70] =	vst v60  }
0x34: {  	v50 =	vand.u32 $0xF, v18;
	v18 =	vunpack.c.0.s8.s32 v29;
	[tilespmem:$0x1FD90] =	vst v7  }
0x35: {  	[tilespmem:$0x1FDA0] =	vst v6  }
0x36: {  	v30 =	vimm.s32 $0x25242322;
	v63 =	vmov v10;
	v10 =	vsel vm0, v18, v59;
	[tilespmem:$0x1FDC0] =	vst v18  }
0x37: {  	v17 =	vunpack.c.0.s8.s32 v30;
	[tilespmem:$0x1FDD0] =	vst v10  }
0x38: {  	[tilespmem:$0x1FDE0] =	vst v8  }
0x39: {  	[tilespmem:$0x1FDF0] =	vst v17  }
0x3a: {  	v16 =	vand.u32 $0xF, v16;
	[tilespmem:$0x1FE20] =	vst v19  }
0x3b: {  	[tilespmem:$0x1FEB0] =	vst v16  }
0x3c: {  	[tilespmem:$0x1FEC0] =	vst v48  }
0x3d: {  	[tilespmem:$0x1FED0] =	vst v47  }
0x3e: {  	[tilespmem:$0x1FEE0] =	vst v45  }
0x3f: {  	[tilespmem:$0x1FEF0] =	vst v51  }
0x40: {  	[tilespmem:$0x1FF00] =	vst v50  }
0x41: {  	[tilespmem:$0x1FF10] =	vst v49  }
0x42: {  	[tilespmem:$0x1FF20] =	vst v46  }
0x43: {  	[tilespmem:$0x1FF30] =	vst v52  }
0x44: {  	v33 =	vimm.s32 $0x2221202F;
	[tilespmem:$0x1FF40] =	vst v54  }
0x45: {  	v9 =	vunpack.c.0.s8.s32 v33;
	[tilespmem:$0x1FF50] =	vst v55  }
0x46: {  	[tilespmem:$0x1FF60] =	vst v56  }
0x47: {  	v61 =	vmov v9;
	[tilespmem:$0x1FF70] =	vst v59  }
0x48: {  	v37 =	vimm.s32 $0x23222120;
	[tilespmem:$0x1FF80] =	vst v61  }
0x49: {  	v13 =	vunpack.c.0.s8.s32 v37;
	[tilespmem:$0x1FF90] =	vst v2  }
0x4a: {  	v38 =	vimm.s32 $0x27262524;
	v4 =	vmov v12;
	[tilespmem:$0x1FFA0] =	vst v3  }
0x4b: {  	v5 =	vmov v13;
	v14 =	vunpack.c.0.s8.s32 v38;
	[tilespmem:$0x1FFB0] =	vst v4  }
0x4c: {  	v26 =	vimm.s32 $0x17161514;
	[tilespmem:$0x1FFC0] =	vst v5  }
0x4d: {  	v0 =	vunpack.c.0.s8.s32 v26;
	[tilespmem:$0x1FFD0] =	vst v14  }
0x4e: {  	[tilespmem:$0x1FFE0] =	vst v63  }
0x4f: {  	v6 =	vcombine.low v7, v6;
	v8 =	vsel vm0, v8, v17;
	[tilespmem:$0x1FC80] =	vst v0  }
0x50: {  	v29 =	vimm.s32 $0x3C3B3A39;
	v53 =	vimm.s32 $0x3F3E3D3C;
	[tilespmem:$0x1FE00] =	vst v8  }
0x51: {  	v0 =	vunpack.c.0.s8.s32 v29;
	v8 =	vcombine.low v8, v10;
	v10 =	vsel vm0, v3, v2;
	[tilespmem:$0x1FDB0] =	vst v6  }
0x52: {  	v30 =	vimm.s32 $0x303F3E3D;
	v36 =	vunpack.c.0.s8.s32 v53;
	[tilespmem:$0x1FE40] =	vst v10  }
0x53: {  	[tilespmem:$0x1FCA0] =	vst v0;
	v0 =	vunpack.c.0.s8.s32 v30  }
0x54: {  	v33 =	vimm.s32 $0x38373635;
	[tilespmem:$0x1FFF0] =	vst v36  }
0x55: {  	[tilespmem:$0x1FCB0] =	vst v0;
	v0 =	vunpack.c.0.s8.s32 v33  }
0x56: {  	s10 =	stileid.u32;
	v34 =	vimm.s32 $0x3D3C3B3A;
	[tilespmem:$0x1FE10] =	vst v8  }
0x57: {  	s6 =	smul.u32 $0x271, s10;
	v8 =	vsel vm0, v61, v19;
	[tilespmem:$0x1FCD0] =	vst v0;
	v0 =	vunpack.c.0.s8.s32 v34  }
0x58: {  	s29 =	simm.s32 $0x1;
	s7 =	smul.u32 $0x30D40, s10;
	s2 =	ssub.s32 $0x2, s2;
	v37 =	vimm.s32 $0x35343332;
	[tilespmem:$0x1FE30] =	vst v8  }
0x59: {  	s30 =	simm.s32 $0x500;
	s31 =	simm.s32 $0x2;
	s8 =	sshrl.u32 s2, $0x1;
	v8 =	vcombine.low v10, v8;
	v10 =	vsel vm0, v63, v14;
	[tilespmem:$0x1FCE0] =	vst v0;
	v0 =	vunpack.c.0.s8.s32 v37  }
0x5a: {  	s9 =	sshrl.u32 s7, $0x2;
	s7 =	smul.u32 $0x4E20, s10;
	s4 =	sadd.s32 s6, s4;
	v38 =	vimm.s32 $0x39383736;
	[tilespmem:$0x1FE70] =	vst v10  }
0x5b: {  	s6 =	sadd.s32 $0x9E00, s1;
	s2 =	ssub.s32 s2, s8;
	s8 =	sadd.s32 s9, s3;
	[tilespmem:$0x1FD00] =	vst v0;
	v0 =	vunpack.c.0.s8.s32 v38  }
0x5c: {  	s28 =	simm.s32 $0x0;
	s4 =	smul.u32 $0xA, s4;
	s9 =	sadd.s32 $0x2710, s8;
	v41 =	vimm.s32 $0x3231303F;
	[tilespmem:$0x1FE50] =	vst v8  }
0x5d: {  	s21 =	sadd.s32 $0x4E20, s8;
	s22 =	sshrl.u32 s7, $0x3;
	s23 =	sadd.s32 $0x7530, s8;
	v8 =	vsel vm0, v13, v4;
	[tilespmem:$0x1FD10] =	vst v0;
	v0 =	vunpack.c.0.s8.s32 v41  }
0x5e: {  	s24 =	sadd.s32 $0x9C40, s8;
	s20 =	smax.u32 s2, $0x1;
	s2 =	simm.s32 $0x2300;
	v12 =	vlaneseq.u32;
	v42 =	vimm.s32 $0x36353433;
	[tilespmem:$0x1FE60] =	vst v8  }
0x5f: {  	s25 =	sadd.s32 s6, s22;
	s14 =	sadd.s32 s1, s22;
	[dreg:$0x4] =	wrdreg s9;
	v13 =	vor.u32 $0x20, v12;
	[tilespmem:$0x1FD30] =	vst v0;
	v0 =	vunpack.c.0.s8.s32 v42  }
0x60: {  	s26 =	sadd.s32 $0xA, s22;
	s4 =	sadd.s32 s4, s1;
	v57 =	vimm.s32 $0x33323130;
	[dreg:$0x5] =	wrdreg s21;
	[tilespmem:$0x1FE80] =	vst v13;
	v8 =	vcombine.low v10, v8  }
0x61: {  	s15 =	sadd.s32 s6, s26;
	s16 =	sadd.s32 s1, s26;
	[dreg:$0x6] =	wrdreg s23;
	[tilespmem:$0x1FD40] =	vst v0;
	v0 =	vunpack.c.0.s8.s32 v57  }
0x62: {  	s26 =	simm.s32 $0x3;
	s19 =	sadd.s32 $0x13C00, s4;
	v62 =	vimm.s32 $0x3B3A3938;
	[dreg:$0x7] =	wrdreg s24;
	[tilespmem:$0x1FE90] =	vst v8;
	v8 =	vcombine.low v11, v15  }
0x63: {  	[dreg:$0x8] =	wrdreg s25;
	s9 =	sadd.s32 $0x14, s22;
	s21 =	simm.s32 $0x8C00;
	[tilespmem:$0x1FD60] =	vst v0;
	v0 =	vunpack.c.0.s8.s32 v62  }
0x64: {  	s22 =	simm.s32 $0x4;
	s24 =	simm.s32 $0x50;
	s25 =	simm.s32 $0x190;
	[tilespmem:$0x1FEA0] =	vst v8  }
0x65: {  	v9 =	vimm.f32 $0.0e+00;
	s23 =	simm.s32 $0x4100;
	s17 =	sadd.s32 s6, s9;
	s18 =	sadd.s32 s1, s9;
	[tilespmem:$0x1FD80] =	vst v0  }
.LBB2_1:
0x66: {  	s9 =	simm.s32 $0x140;
	s4 =	simm.s32 $0x0  }
.LBB2_2:
0x67: {  	p0 =	sne.s32 s9, $0x9B00;
	[tilespmem:s4+$0x8C40] =	vst v9;
	s10 =	smov.u32 s9;
	s9 =	sadd.s32 $0x140, s9  }
.Ltmp0:
0x68: {  	[tilespmem:s4+$0x8C30] =	vst v9;
	(pc) =	sbr.rel @p0 .LBB2_2-.Ltmp0, $4  }
0x69: {  	[tilespmem:s4+$0x8C20] =	vst v9  }
0x6a: {  	[tilespmem:s4+$0x8C00] =	vst v9  }
0x6b: {  	[tilespmem:s4+$0x8C10] =	vst v9  }
0x6c: {  	s4 =	sshra.s32 s10, $0x2  }
0x6d: {  	[tilespmem:s4+$0x8C40] =	vst v9  }
0x6e: {  	[tilespmem:s4+$0x8C30] =	vst v9  }
0x6f: {  	[tilespmem:s4+$0x8C20] =	vst v9  }
0x70: {  	[tilespmem:s4+$0x8C00] =	vst v9  }
0x71: {  	[tilespmem:s4+$0x8C10] =	vst v9  }
0x72: {  	[spmem:s8] =	stream.linear.scatter [tilespmem:s21], [sflag:$0x4], $0x2710, $0x38;
	[tilespmem:$0x17660] =	vst v63  }
0x73: {  	_ =	swait.ge [sflag:s22], $0x2710  }
0x74: {  	[sflag:s22] =	ssyncset.done $0x0  }
0x75: {  	s10 =	rddreg [dreg:$0x4];
	[sflag:s22] =	ssyncadd.s32 $0xFFFFD8F0  }
0x76: {  	[spmem:s10] =	stream.linear.scatter [tilespmem:s21], [sflag:$0x4], $0x2710, $0x38;
	[tilespmem:$0x17660] =	vst v63  }
0x77: {  	_ =	swait.ge [sflag:s22], $0x2710  }
0x78: {  	[sflag:s22] =	ssyncset.done $0x0  }
0x79: {  	s11 =	rddreg [dreg:$0x5];
	[sflag:s22] =	ssyncadd.s32 $0xFFFFD8F0  }
0x7a: {  	[spmem:s11] =	stream.linear.scatter [tilespmem:s21], [sflag:$0x4], $0x2710, $0x38;
	[tilespmem:$0x17660] =	vst v63  }
0x7b: {  	_ =	swait.ge [sflag:s22], $0x2710  }
0x7c: {  	[sflag:s22] =	ssyncset.done $0x0  }
0x7d: {  	s12 =	rddreg [dreg:$0x6];
	[sflag:s22] =	ssyncadd.s32 $0xFFFFD8F0  }
0x7e: {  	[spmem:s12] =	stream.linear.scatter [tilespmem:s21], [sflag:$0x4], $0x2710, $0x38;
	[tilespmem:$0x17660] =	vst v63  }
0x7f: {  	_ =	swait.ge [sflag:s22], $0x2710  }
0x80: {  	[sflag:s22] =	ssyncset.done $0x0  }
0x81: {  	s13 =	rddreg [dreg:$0x7];
	[sflag:s22] =	ssyncadd.s32 $0xFFFFD8F0  }
0x82: {  	[spmem:s13] =	stream.linear.scatter [tilespmem:s21], [sflag:$0x4], $0x2710, $0x38;
	[tilespmem:$0x17660] =	vst v63  }
0x83: {  	_ =	swait.ge [sflag:s22], $0x2710  }
0x84: {  	[sflag:s22] =	ssyncset.done $0x0  }
0x85: {  	s4 =	simm.s32 $0x240;
	s9 =	simm.s32 $0x40;
	[sflag:s22] =	ssyncadd.s32 $0xFFFFD8F0  }
.LBB2_4:
0x86: {  	p0 =	sne.s32 s4, $0x12BC0;
	[tilespmem:s9+$0x4100] =	vst v9;
	s9 =	smov.u32 s4;
	s4 =	sadd.s32 $0x140, s4  }
.Ltmp1:
0x87: {  	(pc) =	sbr.rel @p0 .LBB2_4-.Ltmp1, $2  }
0x88: {  	_ =	sdelay $0x2  }
0x89: {  	s9 =	sshra.s32 s9, $0x2  }
0x8a: {  	[tilespmem:s9+$0x4100] =	vst v9  }
0x8b: {  	[bflag:$0x0] =	sbarrier.arrive $0xFFFF  }
0x8c: {  	s4 =	simm.s32 $0x0;
	s11 =	rddreg [dreg:$0x8]  }
0x8d: {  	[tilespmem:s4], [sflag:$0x1] =	stream.linear.gather [hbm4b:s11+s4], $0x50, $0x38;
	[tilespmem:$0x17660] =	vst v63  }
0x8e: {  	s12 =	simm.s32 $0x140  }
0x8f: {  	[tilespmem:s12], [sflag:$0x1] =	stream.linear.gather [hbm4b:s14+s4], $0x50, $0x38;
	[tilespmem:$0x17660] =	vst v63  }
0x90: {  	_ = 	snop  }
0x91: {  	[tilespmem:s24], [sflag:$0x1] =	stream.linear.gather [hbm4b:s15+s4], $0x50, $0x38;
	[tilespmem:$0x17660] =	vst v63  }
0x92: {  	_ = 	snop  }
0x93: {  	[tilespmem:s25], [sflag:$0x1] =	stream.linear.gather [hbm4b:s16+s4], $0x50, $0x38;
	[tilespmem:$0x17660] =	vst v63  }
0x94: {  	s13 =	simm.s32 $0xA0  }
0x95: {  	[tilespmem:s13], [sflag:$0x1] =	stream.linear.gather [hbm4b:s17+s4], $0x50, $0x38;
	[tilespmem:$0x17660] =	vst v63  }
0x96: {  	s10 =	simm.s32 $0x1E0  }
0x97: {  	[tilespmem:s10], [sflag:$0x1] =	stream.linear.gather [hbm4b:s18+s4], $0x50, $0x38;
	[tilespmem:$0x17660] =	vst v63  }
0x98: {  	_ =	swait.ge [sflag:s29], $0x50  }
0x99: {  	[sflag:s29] =	ssyncset.done $0x0  }
0x9a: {  	[sflag:s29] =	ssyncadd.s32 $0xFFFFFFB0  }
0x9b: {  	_ =	swait.ge [sflag:s29], $0x50  }
0x9c: {  	[sflag:s29] =	ssyncset.done $0x0  }
0x9d: {  	v7 =	vld [tilespmem:$0x1FB40];
	[sflag:s29] =	ssyncadd.s32 $0xFFFFFFB0  }
0x9e: {  	v1 =	vld [tilespmem:$0x0]  }
0x9f: {  	v2 =	vld [tilespmem:$0x140]  }
0xa0: {  	v3 =	vld [tilespmem:$0x10]  }
0xa1: {  	v4 =	vld [tilespmem:$0x150]  }
0xa2: {  	v5 =	vld [tilespmem:$0x20]  }
0xa3: {  	v6 =	vld [tilespmem:$0x160];
	v1 =	vadd.s32 v7, v1  }
0xa4: {  	v21 =	vld [tilespmem:$0x30];
	v20 =	vadd.s32 v7, v2;
	[tilespmem:$0x0] =	vst v1  }
0xa5: {  	v23 =	vld [tilespmem:$0x170];
	v22 =	vadd.s32 v7, v3;
	[tilespmem:$0x3C0] =	vst v20  }
0xa6: {  	v25 =	vld [tilespmem:$0x40];
	v24 =	vadd.s32 v7, v4;
	[tilespmem:$0x10] =	vst v22  }
0xa7: {  	v27 =	vld [tilespmem:$0x180];
	v26 =	vadd.s32 v7, v5;
	[tilespmem:$0x3D0] =	vst v24  }
0xa8: {  	v28 =	vadd.s32 v7, v6;
	[tilespmem:$0x20] =	vst v26  }
0xa9: {  	v29 =	vadd.s32 v7, v21;
	[tilespmem:$0x3E0] =	vst v28  }
0xaa: {  	v30 =	vadd.s32 v7, v23;
	[tilespmem:$0x30] =	vst v29  }
0xab: {  	v31 =	vadd.s32 v7, v25;
	[tilespmem:$0x3F0] =	vst v30  }
0xac: {  	v32 =	vadd.s32 v7, v27;
	[tilespmem:$0x40] =	vst v31  }
0xad: {  	[tilespmem:$0x400] =	vst v32  }
0xae: {  	[tilespmem:s30], [sflag:$0x2] =	stream.indirect.gather [hbm4b:s0+s24], $0x20, s4, s24, $0xb8;
	[tilespmem:$0x17660] =	vst v63  }
0xaf: {  	s11 =	simm.s32 $0x3C0  }
0xb0: {  	[tilespmem:s2], [sflag:$0x2] =	stream.indirect.gather [hbm4b:s0+s24], $0x20, s11, s24, $0xb8;
	[tilespmem:$0x17660] =	vst v63  }
0xb1: {  	_ =	swait.ge [sflag:s29], $0x50  }
0xb2: {  	[sflag:s29] =	ssyncset.done $0x0  }
0xb3: {  	[sflag:s29] =	ssyncadd.s32 $0xFFFFFFB0  }
0xb4: {  	_ =	swait.ge [sflag:s29], $0x50  }
0xb5: {  	[sflag:s29] =	ssyncset.done $0x0  }
0xb6: {  	[sflag:s29] =	ssyncadd.s32 $0xFFFFFFB0  }
0xb7: {  	v33 =	vld [tilespmem:$0x50]  }
0xb8: {  	v34 =	vld [tilespmem:$0x190]  }
0xb9: {  	v35 =	vld [tilespmem:$0x60]  }
0xba: {  	v36 =	vld [tilespmem:$0x1A0]  }
0xbb: {  	v37 =	vld [tilespmem:$0x70]  }
0xbc: {  	v38 =	vld [tilespmem:$0x1B0];
	v1 =	vadd.s32 v7, v33  }
0xbd: {  	v40 =	vld [tilespmem:$0x80];
	v39 =	vadd.s32 v7, v34;
	[tilespmem:$0x50] =	vst v1  }
0xbe: {  	v42 =	vld [tilespmem:$0x1C0];
	v41 =	vadd.s32 v7, v35;
	[tilespmem:$0x410] =	vst v39  }
0xbf: {  	v44 =	vld [tilespmem:$0x90];
	v43 =	vadd.s32 v7, v36;
	[tilespmem:$0x60] =	vst v41  }
0xc0: {  	v57 =	vld [tilespmem:$0x1D0];
	v53 =	vadd.s32 v7, v37;
	[tilespmem:$0x420] =	vst v43  }
0xc1: {  	v58 =	vadd.s32 v7, v38;
	[tilespmem:$0x70] =	vst v53  }
0xc2: {  	v60 =	vadd.s32 v7, v40;
	[tilespmem:$0x430] =	vst v58  }
0xc3: {  	v61 =	vadd.s32 v7, v42;
	[tilespmem:$0x80] =	vst v60  }
0xc4: {  	v62 =	vadd.s32 v7, v44;
	[tilespmem:$0x440] =	vst v61  }
0xc5: {  	v63 =	vadd.s32 v7, v57;
	[tilespmem:$0x90] =	vst v62  }
0xc6: {  	s12 =	simm.s32 $0xF00;
	[tilespmem:$0x450] =	vst v63  }
0xc7: {  	[tilespmem:s12], [sflag:$0x2] =	stream.indirect.gather [hbm4b:s0+s24], $0x20, s24, s24, $0xb8;
	[tilespmem:$0x17660] =	vst v63  }
0xc8: {  	s9 =	simm.s32 $0x0;
	s13 =	simm.s32 $0x410;
	s10 =	simm.s32 $0x2D00  }
0xc9: {  	[tilespmem:s10], [sflag:$0x2] =	stream.indirect.gather [hbm4b:s0+s24], $0x20, s13, s24, $0xb8;
	[tilespmem:$0x17660] =	vst v63  }
.LBB2_6:
0xca: {  	p0 =	seq.s32 s9, $0x0  }
0xcb: {  	s10 =	sadd.s32 @!p0 $0xFFFFFFFF, s9  }
0xcc: {  	s11 =	sand.u32 @!p0 $0xFF, s10  }
0xcd: {  	s11 =	smul.u32 @!p0 $0xAB, s11;
	_ =	sdelay $0x1  }
0xce: {  	s11 =	sshrl.u32 @!p0 s11, $0x9  }
0xcf: {  	s11 =	smul.u32 @!p0 $0x3, s11;
	_ =	sdelay $0x1  }
0xd0: {  	s11 =	ssub.s32 @!p0 s10, s11;
	s10 =	sand.u32 @!p0 $0x7, s10  }
0xd1: {  	s11 =	sand.u32 @!p0 $0xFF, s11;
	s10 =	smul.u32 @!p0 $0x140, s10  }
0xd2: {  	s11 =	smul.u32 @!p0 $0x6400, s11;
	_ =	sdelay $0x1  }
0xd3: {  	s12 =	simm.s32 @!p0 $0x50;
	s10 =	sshrl.u32 @!p0 s10, $0x2;
	s11 =	sshrl.u32 @!p0 s11, $0x2  }
0xd4: {  	p1 =	seq.s32 @!p0 s9, $0x1;
	s10 =	sadd.s32 @!p0 $0x140, s10;
	s11 =	sadd.s32 @!p0 $0x4100, s11  }
0xd5: {  	[spmem:s3] =	stream.indirect.scatter.add.f32 @!p0 [tilespmem:s11], [sflag:$0x3], $0x50, s10, s12, $0xb8;
	[tilespmem:$0x17660] =	vst v63  }
0xd6: {  	p0 =	por p0, p1  }
0xd7: {  	p1 =	sgt.u32 @!p0 s9, $0xF6  }
0xd8: {  	p1 =	por p0, !p1  }
.Ltmp2:
0xd9: {  	_ = 	snop;
	(pc) =	sbr.rel @!p1 .LBB2_8-.Ltmp2, $4  }
0xda: {  	s10 =	simm.s32 @!p0 $0x3  }
0xdb: {  	_ =	swait.ge @!p0 [sflag:s10], $0x1900  }
0xdc: {  	[sflag:s10] =	ssyncset.done @!p0 $0x0  }
0xdd: {  	[sflag:s10] =	ssyncadd.s32 @!p0 $0xFFFFE700  }
0xde: {  	s10 =	sadd.s32 $0x3, s9  }
0xdf: {  	s11 =	smul.u32 $0x50, s10;
	s12 =	sand.u32 $0x3, s10  }
0xe0: {  	s10 =	sand.u32 $0x7, s10;
	s12 =	smul.u32 $0x140, s12  }
0xe1: {  	s10 =	smul.u32 $0x140, s10;
	s11 =	sadd.s32 s7, s11  }
.Ltmp3:
0xe2: {  	s11 =	sshrl.u32 s11, $0x3;
	(pc) =	sbr.rel .LBB2_9-.Ltmp3, $4  }
0xe3: {  	s12 =	sshrl.u32 s12, $0x2;
	s10 =	sshrl.u32 s10, $0x2;
	s13 =	sadd.s32 s6, s11  }
0xe4: {  	[tilespmem:s12], [sflag:$0x1] =	stream.linear.gather [hbm4b:s13+s5], $0x50, $0x38;
	[tilespmem:$0x17660] =	vst v63  }
0xe5: {  	s10 =	sadd.s32 $0x140, s10;
	s11 =	sadd.s32 s1, s11  }
0xe6: {  	[tilespmem:s10], [sflag:$0x1] =	stream.linear.gather [hbm4b:s11+s5], $0x50, $0x38;
	[tilespmem:$0x17660] =	vst v63  }
.LBB2_8:
0xe7: {  	p0 =	sne.s32 s9, $0xF7  }
.Ltmp4:
0xe8: {  	_ = 	snop;
	(pc) =	sbr.rel @p0 .LBB2_10-.Ltmp4, $1  }
0xe9: {  	_ =	sdelay $0x3  }
.LBB2_9:
0xea: {  	_ =	swait.ge [sflag:s29], $0x50  }
0xeb: {  	[sflag:s29] =	ssyncset.done $0x0  }
0xec: {  	s10 =	sadd.s32 $0x2, s9;
	[sflag:s29] =	ssyncadd.s32 $0xFFFFFFB0  }
0xed: {  	s11 =	sand.u32 $0x3, s10;
	_ =	swait.ge [sflag:s29], $0x50  }
0xee: {  	s11 =	smul.u32 $0x50, s11;
	[sflag:s29] =	ssyncset.done $0x0  }
0xef: {  	v3 =	vld [tilespmem:$0x1FB40];
	[sflag:s29] =	ssyncadd.s32 $0xFFFFFFB0  }
0xf0: {  	v1 =	vld [tilespmem:s11+$0x0];
	_ =	sdelay $0x2  }
0xf1: {  	s12 =	sand.u32 $0x7, s10  }
0xf2: {  	s12 =	smul.u32 $0x140, s12  }
0xf3: {  	v1 =	vadd.s32 v3, v1  }
0xf4: {  	s12 =	sshrl.u32 s12, $0x2;
	v2 =	vld [tilespmem:s11+$0x10];
	[tilespmem:s11+$0x0] =	vst v1  }
0xf5: {  	v1 =	vld [tilespmem:s12+$0x140];
	_ =	sdelay $0x3  }
0xf6: {  	v53 =	vadd.s32 v3, v2  }
0xf7: {  	[tilespmem:s11+$0x10] =	vst v53;
	v1 =	vadd.s32 v3, v1  }
0xf8: {  	v57 =	vld [tilespmem:s11+$0x20];
	[tilespmem:s11+$0x3C0] =	vst v1  }
0xf9: {  	v1 =	vld [tilespmem:s12+$0x150];
	_ =	sdelay $0x3  }
0xfa: {  	v58 =	vadd.s32 v3, v57  }
0xfb: {  	[tilespmem:s11+$0x20] =	vst v58;
	v1 =	vadd.s32 v3, v1  }
0xfc: {  	v60 =	vld [tilespmem:s11+$0x30];
	[tilespmem:s11+$0x3D0] =	vst v1  }
0xfd: {  	v1 =	vld [tilespmem:s12+$0x160];
	_ =	sdelay $0x3  }
0xfe: {  	v61 =	vadd.s32 v3, v60  }
0xff: {  	[tilespmem:s11+$0x30] =	vst v61;
	v1 =	vadd.s32 v3, v1  }
0x100: {  	v62 =	vld [tilespmem:s11+$0x40];
	[tilespmem:s11+$0x3E0] =	vst v1  }
0x101: {  	v1 =	vld [tilespmem:s12+$0x170];
	_ =	sdelay $0x2  }
0x102: {  	s13 =	smul.u32 $0xAB, s10  }
0x103: {  	v63 =	vadd.s32 v3, v62  }
0x104: {  	s13 =	sshrl.u32 s13, $0x9;
	[tilespmem:s11+$0x40] =	vst v63;
	v1 =	vadd.s32 v3, v1  }
0x105: {  	s13 =	sand.u32 $0x7F, s13;
	[tilespmem:s11+$0x3F0] =	vst v1  }
0x106: {  	s13 =	smul.u32 $0x3, s13;
	v1 =	vld [tilespmem:s12+$0x180];
	_ =	sdelay $0x1  }
0x107: {  	s10 =	ssub.s32 s10, s13  }
0x108: {  	s10 =	sand.u32 $0xFF, s10  }
0x109: {  	s10 =	smul.u32 $0xA00, s10  }
0x10a: {  	v1 =	vadd.s32 v3, v1  }
0x10b: {  	s13 =	sadd.s32 $0x500, s10;
	[tilespmem:s11+$0x400] =	vst v1  }
0x10c: {  	[tilespmem:s13], [sflag:$0x2] =	stream.indirect.gather [hbm4b:s0+s24], $0x20, s11, s24, $0xb8;
	[tilespmem:$0x17660] =	vst v63  }
0x10d: {  	s10 =	sadd.s32 $0x2300, s10;
	s11 =	sadd.s32 $0x3C0, s11  }
0x10e: {  	[tilespmem:s10], [sflag:$0x2] =	stream.indirect.gather [hbm4b:s0+s24], $0x20, s11, s24, $0xb8;
	[tilespmem:$0x17660] =	vst v63  }
.LBB2_10:
0x10f: {  	s10 =	smulhi.u32 $0xAAAAAAAB, s9;
	_ =	swait.ge [sflag:s31], $0xA00  }
0x110: {  	[sflag:s31] =	ssyncset.done $0x0  }
0x111: {  	s10 =	sshrl.u32 s10, $0x1;
	[sflag:s31] =	ssyncadd.s32 $0xFFFFF600  }
0x112: {  	s10 =	smul.u32 $0xF0, s10;
	_ =	swait.ge [sflag:s31], $0xA00  }
0x113: {  	[sflag:s31] =	ssyncset.done $0x0  }
0x114: {  	s11 =	simm.s32 $0x0;
	s10 =	ssub.s32 s4, s10;
	[sflag:s31] =	ssyncadd.s32 $0xFFFFF600  }
.LBB2_11:
0x115: {  	s12 =	sadd.s32 s11, s10  }
0x116: {  	v1 =	vor.u32 s12, v12  }
0x117: {  	v29 =	vshll.u32 v1, $0x5  }
0x118: {  	v2 =	vor.u32 v12, v29;
	_ =	sdelay $0x1  }
0x119: {  	v3 =	vor.u32 v45, v29;
	_ =	sdelay $0x2  }
0x11a: {  	v4 =	vld.idx.msk [tilespmem:v2+s30+$0x0], $0xffff  }
0x11b: {  	v6 =	vor.u32 v46, v29;
	v5 =	vld.idx.msk [tilespmem:v2+s2+$0x0], $0xffff  }
0x11c: {  	v7 =	vld.idx.msk [tilespmem:v3+s30+$0x0], $0xffff  }
0x11d: {  	v8 =	vld.idx.msk [tilespmem:v3+s2+$0x0], $0xffff  }
0x11e: {  	v9 =	vor.u32 v47, v29;
	_ =	sdelay $0x1  }
0x11f: {  	v15 =	vor.u32 v49, v29;
	v10 =	vld.idx.msk [tilespmem:v6+s30+$0x0], $0xffff  }
0x120: {  	v6 =	vld.idx.msk [tilespmem:v6+s2+$0x0], $0xffff;
	v3 =	vunpack.i.l.bf16.f32 v4;
	v38 =	vunpack.i.u.bf16.f32 v5;
	v5 =	vunpack.i.l.bf16.f32 v5  }
0x121: {  	v11 =	vmul.f32 v5, v3;
	v5 =	vunpack.i.l.bf16.f32 v7;
	v13 =	vunpack.i.l.bf16.f32 v8  }
0x122: {  	v40 =	vmul.f32 v13, v5;
	v13 =	vld.idx.msk [tilespmem:v9+s30+$0x0], $0xffff  }
0x123: {  	v2 =	vunpack.i.u.bf16.f32 v4;
	v4 =	vunpack.i.u.bf16.f32 v7;
	v39 =	vunpack.i.u.bf16.f32 v8;
	v9 =	vld.idx.msk [tilespmem:v9+s2+$0x0], $0xffff  }
0x124: {  	v7 =	vmul.f32 v39, v4  }
0x125: {  	v14 =	vor.u32 v48, v29;
	v25 =	vor.u32 v50, v29;
	v24 =	vld.idx.msk [tilespmem:v15+s30+$0x0], $0xffff;
	v19 =	vunpack.i.l.bf16.f32 v6  }
0x126: {  	v15 =	vld.idx.msk [tilespmem:v15+s2+$0x0], $0xffff;
	v6 =	vunpack.i.u.bf16.f32 v6;
	v18 =	vadd.f32 $0.0e+00, v7;
	v7 =	vunpack.i.u.bf16.f32 v10  }
0x127: {  	v8 =	vunpack.i.l.bf16.f32 v10;
	v21 =	vmul.f32 v6, v7;
	v6 =	vunpack.i.u.bf16.f32 v13  }
0x128: {  	v10 =	vunpack.i.l.bf16.f32 v13;
	v13 =	vunpack.i.u.bf16.f32 v9;
	v9 =	vunpack.i.l.bf16.f32 v9  }
0x129: {  	v9 =	vmul.f32 v9, v10;
	_ =	sdelay $0x1  }
0x12a: {  	v20 =	vld.idx.msk [tilespmem:v14+s30+$0x0], $0xffff;
	v26 =	vunpack.i.u.bf16.f32 v15;
	v18 =	vadd.f32 v9, v18;
	v9 =	vunpack.i.u.bf16.f32 v24  }
0x12b: {  	v23 =	vor.u32 v16, v29;
	v22 =	vld.idx.msk [tilespmem:v14+s2+$0x0], $0xffff;
	v53 =	vmul.f32 v26, v9  }
0x12c: {  	v27 =	vld.idx.msk [tilespmem:v25+s30+$0x0], $0xffff;
	v12 =	vmul.f32 v38, v2  }
0x12d: {  	v44 =	vor.u32 v51, v29;
	v57 =	vor.u32 v52, v29;
	v18 =	vadd.f32 v53, v18;
	v53 =	vld [tilespmem:$0x1FB50]  }
0x12e: {  	v34 =	vor.u32 v54, v29;
	v25 =	vld.idx.msk [tilespmem:v25+s2+$0x0], $0xffff;
	v19 =	vmul.f32 v19, v8;
	v12 =	vadd.f32 $0.0e+00, v12  }
0x12f: {  	v37 =	vor.u32 v56, v29;
	v17 =	vadd.f32 $0.0e+00, v40;
	v13 =	vmul.f32 v13, v6  }
0x130: {  	v43 =	vld.idx.msk [tilespmem:v23+s2+$0x0], $0xffff;
	v14 =	vunpack.i.l.bf16.f32 v20;
	v42 =	vunpack.i.l.bf16.f32 v22;
	v19 =	vadd.f32 v19, v12  }
0x131: {  	v12 =	vunpack.i.u.bf16.f32 v20;
	v41 =	vadd.f32 v13, v17;
	v13 =	vld.idx.msk [tilespmem:v23+s30+$0x0], $0xffff;
	v17 =	vunpack.i.u.bf16.f32 v22  }
0x132: {  	v11 =	vadd.f32 $0.0e+00, v11;
	v17 =	vmul.f32 v17, v12;
	v32 =	vor.u32 v53, v29  }
0x133: {  	v15 =	vunpack.i.l.bf16.f32 v15;
	v62 =	vunpack.i.l.bf16.f32 v25;
	v20 =	vmul.f32 v42, v14;
	v23 =	vld.idx.msk [tilespmem:v44+s2+$0x0], $0xffff  }
0x134: {  	v33 =	vld.idx.msk [tilespmem:v57+s30+$0x0], $0xffff;
	v11 =	vadd.f32 v21, v11;
	v28 =	vadd.f32 v17, v19;
	v19 =	vunpack.i.l.bf16.f32 v24  }
0x135: {  	v25 =	vunpack.i.u.bf16.f32 v25;
	v26 =	vld.idx.msk [tilespmem:v57+s2+$0x0], $0xffff;
	v57 =	vor.u32 v55, v29;
	v24 =	vmul.f32 v15, v19  }
0x136: {  	v58 =	vld.idx.msk [tilespmem:v44+s30+$0x0], $0xffff;
	v20 =	vadd.f32 v20, v11;
	v17 =	vunpack.i.l.bf16.f32 v43;
	v11 =	vunpack.i.u.bf16.f32 v13  }
0x137: {  	v15 =	vunpack.i.l.bf16.f32 v13;
	v13 =	vunpack.i.u.bf16.f32 v43;
	v21 =	vadd.f32 v24, v41;
	v41 =	vld.idx.msk [tilespmem:v32+s30+$0x0], $0xffff  }
0x138: {  	v42 =	vunpack.i.u.bf16.f32 v23;
	v43 =	vunpack.i.l.bf16.f32 v23;
	v30 =	vmul.f32 v17, v15;
	v44 =	vld.idx.msk [tilespmem:v32+s2+$0x0], $0xffff  }
0x139: {  	v36 =	vld.idx.msk [tilespmem:v34+s30+$0x0], $0xffff;
	v31 =	vmul.f32 v13, v11;
	v13 =	vunpack.i.u.bf16.f32 v27;
	v17 =	vunpack.i.l.bf16.f32 v27  }
0x13a: {  	v35 =	vunpack.i.l.bf16.f32 v26;
	v39 =	vld.idx.msk [tilespmem:v57+s2+$0x0], $0xffff;
	v27 =	vmul.f32 v62, v17;
	v25 =	vmul.f32 v25, v13  }
0x13b: {  	v62 =	vld.idx.msk [tilespmem:v57+s30+$0x0], $0xffff;
	v0 =	vadd.f32 v30, v28;
	v40 =	vadd.f32 v31, v20;
	v20 =	vunpack.i.l.bf16.f32 v58  }
0x13c: {  	v57 =	vld [tilespmem:$0x1FB60];
	v27 =	vadd.f32 v27, v18;
	v25 =	vadd.f32 v25, v21;
	v18 =	vunpack.i.u.bf16.f32 v58  }
0x13d: {  	v34 =	vld.idx.msk [tilespmem:v34+s2+$0x0], $0xffff;
	v23 =	vmul.f32 v43, v20;
	v24 =	vunpack.i.l.bf16.f32 v41;
	v58 =	vunpack.i.l.bf16.f32 v44  }
0x13e: {  	v21 =	vunpack.i.l.bf16.f32 v33;
	v22 =	vmul.f32 v42, v18;
	v38 =	vmul.f32 v58, v24;
	v58 =	vld [tilespmem:$0x1FB70]  }
0x13f: {  	v26 =	vunpack.i.u.bf16.f32 v26;
	v35 =	vmul.f32 v35, v21;
	v28 =	vadd.f32 v23, v40  }
0x140: {  	v23 =	vunpack.i.u.bf16.f32 v33;
	v43 =	vunpack.i.l.bf16.f32 v39;
	v33 =	vadd.f32 v22, v0  }
0x141: {  	v35 =	vadd.f32 v35, v25;
	v26 =	vmul.f32 v26, v23;
	v40 =	vor.u32 v57, v29  }
0x142: {  	v25 =	vunpack.i.l.bf16.f32 v36;
	v0 =	vunpack.i.l.bf16.f32 v34;
	v22 =	vunpack.i.u.bf16.f32 v41;
	v41 =	vld.idx.msk [tilespmem:v37+s30+$0x0], $0xffff  }
0x143: {  	v32 =	vmul.f32 v0, v25;
	v27 =	vadd.f32 v26, v27;
	v37 =	vld.idx.msk [tilespmem:v37+s2+$0x0], $0xffff;
	v42 =	vor.u32 v58, v29  }
0x144: {  	v34 =	vunpack.i.u.bf16.f32 v34;
	v26 =	vunpack.i.u.bf16.f32 v36;
	v31 =	vunpack.i.u.bf16.f32 v44  }
0x145: {  	v34 =	vmul.f32 v34, v26;
	v36 =	vadd.f32 v32, v27;
	v31 =	vmul.f32 v31, v22  }
0x146: {  	v32 =	vunpack.i.l.bf16.f32 v62;
	v44 =	vunpack.i.u.bf16.f32 v39;
	v33 =	vadd.f32 v38, v33;
	v38 =	vld.idx.msk [tilespmem:v40+s30+$0x0], $0xffff  }
0x147: {  	v31 =	vadd.f32 v31, v28;
	v28 =	vunpack.i.u.bf16.f32 v62;
	v62 =	vmul.f32 v43, v32;
	v40 =	vld.idx.msk [tilespmem:v40+s2+$0x0], $0xffff  }
0x148: {  	v30 =	vmul.f32 v44, v28;
	v27 =	vunpack.i.l.bf16.f32 v41;
	v43 =	vunpack.i.l.bf16.f32 v37;
	v44 =	vld.idx.msk [tilespmem:v42+s30+$0x0], $0xffff  }
0x149: {  	v34 =	vadd.f32 v34, v35;
	v31 =	vadd.f32 v62, v31;
	v0 =	vmul.f32 v43, v27;
	v39 =	vld.idx.msk [tilespmem:v42+s2+$0x0], $0xffff  }
0x14a: {  	v41 =	vunpack.i.u.bf16.f32 v41;
	v30 =	vadd.f32 v30, v33;
	v43 =	vunpack.i.u.bf16.f32 v37  }
0x14b: {  	v37 =	vmul.f32 v43, v41;
	v35 =	vadd.f32 v0, v34;
	v33 =	vunpack.i.u.bf16.f32 v38  }
0x14c: {  	v38 =	vunpack.i.l.bf16.f32 v38;
	v62 =	vunpack.i.u.bf16.f32 v40;
	v40 =	vunpack.i.l.bf16.f32 v40  }
0x14d: {  	v40 =	vmul.f32 v40, v38;
	v42 =	vmul.f32 v62, v33;
	v34 =	vunpack.i.u.bf16.f32 v44  }
0x14e: {  	v43 =	vunpack.i.l.bf16.f32 v44;
	v0 =	vunpack.i.u.bf16.f32 v39;
	v39 =	vunpack.i.l.bf16.f32 v39  }
0x14f: {  	v36 =	vadd.f32 v37, v36;
	v62 =	vmul.f32 v39, v43;
	v0 =	vmul.f32 v0, v34  }
0x150: {  	v30 =	vadd.f32 v40, v30;
	v31 =	vadd.f32 v42, v31  }
0x151: {  	v36 =	vadd.f32 v62, v36;
	v35 =	vadd.f32 v0, v35;
	_ =	sdelay $0x1  }
0x152: {  	v31 =	vadd.f32 v35, v31;
	v30 =	vadd.f32 v36, v30;
	_ =	sdelay $0x1  }
0x153: {  	v30 =	vadd.f32 v30, v31;
	_ =	sdelay $0x1  }
0x154: {  	v30 =	vmul.f32 $1.767766920e-01, v30;
	_ =	sdelay $0x1  }
0x155: {  	v30 =	vmul.f32 $1.442695020e+00, v30;
	_ =	sdelay $0x1  }
0x156: {  	(erf) = vpow2.f32 v30;
	_ =	sdelay $0x2  }
0x157: {  	v0 =	vld [tilespmem:$0x1FE80];
	_ =	sdelay $0x1  }
0x158: {  	v31 =	vmul.u32 $0x50, v1  }
0x159: {  	v44 =	vlaneseq.u32  }
0x15a: {  	v1 =	vor.u32 v44, v31  }
0x15b: {  	v40 =	vld [tilespmem:$0x1FDB0];
	v35 =	vadd.s32 v0, v31  }
0x15c: {  	v62 =	vor.u32 v45, v31;
	v30 =	vpop (erf)  }
0x15d: {  	v3 =	vmul.f32 v30, v3  }
0x15e: {  	v2 =	vmul.f32 v30, v2  }
0x15f: {  	v44 =	vld [tilespmem:$0x1FE10];
	v42 =	vmul.f32 v30, v5;
	[tilespmem:v1+s23+$0x0] =	vst.idx.msk $0xffff, v3  }
0x160: {  	v37 =	vadd.s32 v40, v31;
	[tilespmem:v35+s23+$0x0] =	vst.idx.msk $0xffff, v2  }
0x161: {  	[tilespmem:v62+s23+$0x0] =	vst.idx.msk $0xffff, v42;
	v62 =	vmul.f32 v30, v8;
	v8 =	vld [tilespmem:$0x1FE50];
	_ =	sdelay $0x1  }
0x162: {  	v39 =	vor.u32 v46, v31;
	v40 =	vld [tilespmem:$0x1FE90];
	v46 =	vmul.f32 v30, v4  }
0x163: {  	v45 =	vadd.s32 v44, v31  }
0x164: {  	v47 =	vor.u32 v47, v31;
	[tilespmem:v37+s23+$0x0] =	vst.idx.msk $0xffff, v46;
	v37 =	vor.u32 v48, v31;
	v48 =	vld [tilespmem:$0x1FDE0]  }
0x165: {  	v35 =	vadd.s32 v8, v31  }
0x166: {  	v36 =	vmul.f32 v30, v7  }
0x167: {  	v60 =	vld [tilespmem:$0x1FDF0];
	v42 =	vadd.s32 v40, v31;
	[tilespmem:v39+s23+$0x0] =	vst.idx.msk $0xffff, v62;
	v39 =	vmul.f32 v30, v10  }
0x168: {  	v63 =	vld [tilespmem:$0x1FDC0];
	v44 =	vmul.f32 v30, v6;
	[tilespmem:v45+s23+$0x0] =	vst.idx.msk $0xffff, v36  }
0x169: {  	v45 =	vmul.f32 v30, v14;
	[tilespmem:v47+s23+$0x0] =	vst.idx.msk $0xffff, v39;
	v2 =	vsel vm0, v59, v48;
	v59 =	vld [tilespmem:$0x1FEA0]  }
0x16a: {  	v61 =	vld [tilespmem:$0x1FE20];
	v46 =	vmul.f32 v30, v12;
	[tilespmem:v35+s23+$0x0] =	vst.idx.msk $0xffff, v44  }
0x16b: {  	v14 =	vld [tilespmem:$0x1FFC0];
	[tilespmem:v37+s23+$0x0] =	vst.idx.msk $0xffff, v45  }
0x16c: {  	[tilespmem:v42+s23+$0x0] =	vst.idx.msk $0xffff, v46;
	v42 =	vmul.f32 v30, v15;
	v15 =	vld [tilespmem:$0x1FFD0]  }
0x16d: {  	v1 =	vsel vm0, v60, v63;
	v36 =	vld [tilespmem:$0x1FFA0];
	v47 =	vor.u32 v49, v31  }
0x16e: {  	v0 =	vld [tilespmem:$0x1FF80];
	v62 =	vcombine.low v2, v1;
	v60 =	vadd.s32 v59, v31  }
0x16f: {  	v63 =	vor.u32 v16, v31;
	v35 =	vld [tilespmem:$0x1FF90]  }
0x170: {  	v16 =	vld [tilespmem:$0x1FFE0];
	v49 =	vmul.f32 v30, v19;
	v37 =	vadd.s32 v62, v31  }
0x171: {  	v40 =	vmul.f32 v30, v9;
	v12 =	vor.u32 v50, v31;
	v14 =	vsel vm0, v15, v14;
	v15 =	vld [tilespmem:$0x1FFB0]  }
0x172: {  	v50 =	vor.u32 v52, v31;
	v52 =	vld [tilespmem:$0x1FDA0];
	v10 =	vsel vm0, v61, v36;
	[tilespmem:v47+s23+$0x0] =	vst.idx.msk $0xffff, v49  }
0x173: {  	v61 =	vld [tilespmem:$0x1FDD0];
	v44 =	vmul.f32 v30, v11;
	v46 =	vmul.f32 v30, v17;
	[tilespmem:v60+s23+$0x0] =	vst.idx.msk $0xffff, v40  }
0x174: {  	v47 =	vor.u32 v51, v31;
	v51 =	vld [tilespmem:$0x1FD90];
	v8 =	vsel vm0, v35, v0;
	[tilespmem:v63+s23+$0x0] =	vst.idx.msk $0xffff, v42  }
0x175: {  	v39 =	vcombine.low v10, v8;
	v42 =	vld [tilespmem:$0x1FE60];
	[tilespmem:v37+s23+$0x0] =	vst.idx.msk $0xffff, v44  }
0x176: {  	[tilespmem:v12+s23+$0x0] =	vst.idx.msk $0xffff, v46;
	v12 =	vld [tilespmem:$0x1FE70];
	v15 =	vsel vm0, v15, v16  }
0x177: {  	v62 =	vld [tilespmem:$0x1FE00];
	v4 =	vadd.s32 v39, v31;
	v45 =	vcombine.low v15, v14  }
0x178: {  	v1 =	vcombine.low v1, v2  }
0x179: {  	v58 =	vor.u32 v58, v31;
	v36 =	vld [tilespmem:$0x1FE40];
	v49 =	vadd.s32 v45, v31  }
0x17a: {  	v48 =	vmul.f32 v30, v13;
	v1 =	vadd.s32 v1, v31;
	v59 =	vmul.f32 v30, v20;
	v35 =	vld [tilespmem:$0x1FE30]  }
0x17b: {  	v20 =	vor.u32 v53, v31;
	v7 =	vcombine.low v52, v51;
	v12 =	vcombine.low v42, v12  }
0x17c: {  	v60 =	vmul.f32 v30, v18;
	v11 =	vcombine.low v61, v62;
	[tilespmem:v4+s23+$0x0] =	vst.idx.msk $0xffff, v48  }
0x17d: {  	v7 =	vadd.s32 v7, v31;
	[tilespmem:v47+s23+$0x0] =	vst.idx.msk $0xffff, v59;
	v47 =	vadd.s32 v12, v31;
	v12 =	vld [tilespmem:$0x1FB90]  }
0x17e: {  	v53 =	vor.u32 v57, v31;
	v40 =	vmul.f32 v30, v24;
	[tilespmem:v49+s23+$0x0] =	vst.idx.msk $0xffff, v60;
	v49 =	vld [tilespmem:$0x1FB80]  }
0x17f: {  	v24 =	vld [tilespmem:$0x1FBB0];
	v63 =	vmul.f32 v30, v21;
	v21 =	vadd.s32 v11, v31;
	v5 =	vcombine.low v35, v36  }
0x180: {  	v62 =	vmul.f32 v30, v43;
	v43 =	vld [tilespmem:$0x1FC10];
	v37 =	vmul.f32 v30, v23;
	v39 =	vor.u32 v54, v31  }
0x181: {  	v52 =	vmul.f32 v30, v28;
	v28 =	vld [tilespmem:$0x1FBC0];
	v5 =	vadd.s32 v5, v31;
	[tilespmem:v50+s23+$0x0] =	vst.idx.msk $0xffff, v63  }
0x182: {  	v44 =	vmul.f32 v30, v22;
	v36 =	vld [tilespmem:$0x1FBE0];
	v45 =	vor.u32 v55, v31;
	[tilespmem:v7+s23+$0x0] =	vst.idx.msk $0xffff, v37  }
0x183: {  	v46 =	vmul.f32 v30, v25;
	v63 =	vld [tilespmem:$0x1FBD0];
	[tilespmem:v20+s23+$0x0] =	vst.idx.msk $0xffff, v40;
	v4 =	vcombine.low v49, v12  }
0x184: {  	v51 =	vor.u32 v56, v31;
	v48 =	vmul.f32 v30, v26;
	v37 =	vld [tilespmem:$0x1FBF0];
	[tilespmem:v21+s23+$0x0] =	vst.idx.msk $0xffff, v44  }
0x185: {  	v50 =	vmul.f32 v30, v32;
	v21 =	vld [tilespmem:$0x1FBA0];
	[tilespmem:v39+s23+$0x0] =	vst.idx.msk $0xffff, v46;
	v4 =	vadd.s32 v4, v31  }
0x186: {  	v57 =	vmul.f32 v30, v38;
	v56 =	vcombine.low v8, v10;
	v39 =	vld [tilespmem:$0x1FC00];
	[tilespmem:v5+s23+$0x0] =	vst.idx.msk $0xffff, v48  }
0x187: {  	v61 =	vmul.f32 v30, v33;
	v54 =	vmul.f32 v30, v27;
	[tilespmem:v45+s23+$0x0] =	vst.idx.msk $0xffff, v50  }
0x188: {  	v59 =	vadd.s32 v56, v31;
	v55 =	vmul.f32 v30, v41;
	v60 =	vlaneseq.u32;
	[tilespmem:v47+s23+$0x0] =	vst.idx.msk $0xffff, v52  }
0x189: {  	v17 =	vor.u32 $0x10, v60;
	v10 =	vsel vm0, v63, v28;
	v5 =	vsel vm0, v37, v36;
	[tilespmem:v51+s23+$0x0] =	vst.idx.msk $0xffff, v54  }
0x18a: {  	v56 =	vld [tilespmem:$0x1FC40];
	v6 =	vsel vm0, v24, v21;
	[tilespmem:v4+s23+$0x0] =	vst.idx.msk $0xffff, v55;
	v4 =	vor.u32 v17, v29  }
0x18b: {  	v46 =	vld [tilespmem:$0x1FC20];
	v20 =	vcombine.low v10, v6;
	v11 =	vsel vm0, v43, v39;
	[tilespmem:v53+s23+$0x0] =	vst.idx.msk $0xffff, v57  }
0x18c: {  	v33 =	vmul.f32 v30, v34;
	v45 =	vld [tilespmem:$0x1FC30];
	v0 =	vcombine.low v11, v5;
	[tilespmem:v1+s23+$0x0] =	vst.idx.msk $0xffff, v61  }
0x18d: {  	v52 =	vld [tilespmem:$0x1FC90];
	v34 =	vor.u32 v20, v29;
	[tilespmem:v58+s23+$0x0] =	vst.idx.msk $0xffff, v62  }
0x18e: {  	v42 =	vor.u32 v0, v29;
	v57 =	vld [tilespmem:$0x1FC50];
	[tilespmem:v59+s23+$0x0] =	vst.idx.msk $0xffff, v33  }
0x18f: {  	v2 =	vld.idx.msk [tilespmem:v4+s30+$0x0], $0xffff  }
0x190: {  	v3 =	vld.idx.msk [tilespmem:v4+s2+$0x0], $0xffff  }
0x191: {  	v51 =	vld [tilespmem:$0x1FC80]  }
0x192: {  	v40 =	vsel vm0, v28, v24;
	v41 =	vld.idx.msk [tilespmem:v34+s30+$0x0], $0xffff  }
0x193: {  	v43 =	vsel vm0, v36, v43;
	v32 =	vsel vm0, v45, v46;
	v33 =	vsel vm0, v57, v56;
	v9 =	vld.idx.msk [tilespmem:v42+s30+$0x0], $0xffff  }
0x194: {  	v45 =	vsel vm0, v56, v45;
	v7 =	vld.idx.msk [tilespmem:v42+s2+$0x0], $0xffff;
	v42 =	vsel vm0, v39, v37;
	v12 =	vcombine.low v33, v32  }
0x195: {  	v50 =	vld [tilespmem:$0x1FC70];
	v27 =	vunpack.i.l.bf16.f32 v2;
	v58 =	vunpack.i.u.bf16.f32 v3;
	v3 =	vunpack.i.l.bf16.f32 v3  }
0x196: {  	v44 =	vcombine.low v43, v42;
	[tilespmem:$0x1FAE0] =	vst v12;
	v12 =	vor.u32 v12, v29;
	v59 =	vmul.f32 v3, v27;
	v3 =	vld [tilespmem:$0x1FC60]  }
0x197: {  	v1 =	vld.idx.msk [tilespmem:v34+s2+$0x0], $0xffff;
	v18 =	vunpack.i.l.bf16.f32 v41;
	v19 =	vunpack.i.u.bf16.f32 v41;
	v41 =	vsel vm0, v21, v63  }
0x198: {  	v38 =	vsel vm0, v52, v51;
	v46 =	vsel vm0, v46, v57;
	v24 =	vcombine.low v41, v40  }
0x199: {  	v37 =	vor.u32 v44, v29;
	v23 =	vunpack.i.u.bf16.f32 v2;
	v25 =	vunpack.i.u.bf16.f32 v9  }
0x19a: {  	v61 =	vunpack.i.l.bf16.f32 v7;
	v7 =	vunpack.i.u.bf16.f32 v7;
	v35 =	vor.u32 v24, v29  }
0x19b: {  	v7 =	vmul.f32 v7, v25;
	v8 =	vadd.f32 $0.0e+00, v59;
	v62 =	vld.idx.msk [tilespmem:v12+s2+$0x0], $0xffff;
	v34 =	vsel vm0, v50, v3  }
0x19c: {  	v13 =	vunpack.i.l.bf16.f32 v1;
	v2 =	vmul.f32 v58, v23;
	v60 =	vld.idx.msk [tilespmem:v12+s30+$0x0], $0xffff;
	v15 =	vcombine.low v38, v34  }
0x19d: {  	v4 =	vunpack.i.l.bf16.f32 v9;
	v58 =	vcombine.low v46, v45;
	v36 =	vadd.f32 v7, v8  }
0x19e: {  	v50 =	vsel vm0, v51, v50;
	v8 =	vsel vm0, v3, v52;
	[tilespmem:$0x1FAF0] =	vst v15;
	v15 =	vor.u32 v15, v29  }
0x19f: {  	v14 =	vadd.f32 $0.0e+00, v2;
	v12 =	vmul.f32 v61, v4;
	v9 =	vcombine.low v8, v50;
	v57 =	vld.idx.msk [tilespmem:v35+s30+$0x0], $0xffff  }
0x1a0: {  	v35 =	vld.idx.msk [tilespmem:v35+s2+$0x0], $0xffff;
	v49 =	vunpack.i.l.bf16.f32 v62;
	v53 =	vunpack.i.u.bf16.f32 v62;
	v62 =	vor.u32 v58, v29  }
0x1a1: {  	v14 =	vadd.f32 v12, v14;
	v12 =	vunpack.i.l.bf16.f32 v60;
	v7 =	vunpack.i.u.bf16.f32 v60;
	v60 =	vld.idx.msk [tilespmem:v37+s30+$0x0], $0xffff  }
0x1a2: {  	v1 =	vunpack.i.u.bf16.f32 v1;
	v13 =	vmul.f32 v13, v18;
	v37 =	vld.idx.msk [tilespmem:v37+s2+$0x0], $0xffff;
	v28 =	vor.u32 v9, v29  }
0x1a3: {  	v1 =	vmul.f32 v1, v19;
	v63 =	vld.idx.msk [tilespmem:v15+s30+$0x0], $0xffff  }
0x1a4: {  	v13 =	vadd.f32 $0.0e+00, v13;
	v15 =	vld.idx.msk [tilespmem:v15+s2+$0x0], $0xffff  }
0x1a5: {  	v1 =	vadd.f32 $0.0e+00, v1;
	[tilespmem:$0x1FB10] =	vst v58;
	v54 =	vmul.f32 v49, v12;
	v55 =	vmul.f32 v53, v7;
	v58 =	vld.idx.msk [tilespmem:v62+s30+$0x0], $0xffff  }
0x1a6: {  	[tilespmem:$0x1FB00] =	vst v44;
	v49 =	vld.idx.msk [tilespmem:v62+s2+$0x0], $0xffff  }
0x1a7: {  	v39 =	vadd.f32 v54, v1;
	v44 =	vadd.f32 v55, v13;
	v62 =	vcombine.low v5, v11;
	v3 =	vld.idx.msk [tilespmem:v28+s2+$0x0], $0xffff  }
0x1a8: {  	v55 =	vcombine.low v6, v10;
	v13 =	vunpack.i.u.bf16.f32 v60;
	v2 =	vld.idx.msk [tilespmem:v28+s30+$0x0], $0xffff;
	v28 =	vcombine.low v40, v41  }
0x1a9: {  	v11 =	vor.u32 v62, v29;
	v22 =	vunpack.i.l.bf16.f32 v63;
	v56 =	vunpack.i.l.bf16.f32 v15  }
0x1aa: {  	v61 =	vunpack.i.u.bf16.f32 v63;
	v15 =	vunpack.i.u.bf16.f32 v15;
	v63 =	vunpack.i.l.bf16.f32 v37  }
0x1ab: {  	v37 =	vunpack.i.u.bf16.f32 v37;
	v59 =	vmul.f32 v56, v22;
	v15 =	vmul.f32 v15, v61  }
0x1ac: {  	[tilespmem:$0x1FB20] =	vst v9;
	v5 =	vunpack.i.l.bf16.f32 v49;
	v9 =	vunpack.i.u.bf16.f32 v3;
	v56 =	vunpack.i.l.bf16.f32 v35  }
0x1ad: {  	v37 =	vmul.f32 v37, v13;
	v21 =	vadd.f32 v59, v36;
	v26 =	vadd.f32 v15, v14  }
0x1ae: {  	v14 =	vunpack.i.u.bf16.f32 v57;
	v36 =	vunpack.i.l.bf16.f32 v57;
	v57 =	vunpack.i.u.bf16.f32 v35  }
0x1af: {  	v59 =	vor.u32 v55, v29;
	v15 =	vunpack.i.l.bf16.f32 v60;
	v6 =	vmul.f32 v56, v36  }
0x1b0: {  	v35 =	vunpack.i.u.bf16.f32 v2;
	v10 =	vmul.f32 v57, v14;
	v1 =	vmul.f32 v63, v15  }
0x1b1: {  	v63 =	vcombine.low v32, v33;
	v33 =	vunpack.i.u.bf16.f32 v58;
	v53 =	vmul.f32 v9, v35  }
0x1b2: {  	v60 =	vld.idx.msk [tilespmem:v11+s30+$0x0], $0xffff;
	v50 =	vadd.f32 v37, v21;
	v37 =	vunpack.i.l.bf16.f32 v2;
	v44 =	vadd.f32 v6, v44  }
0x1b3: {  	v54 =	vadd.f32 v10, v39;
	v47 =	vadd.f32 v1, v26;
	v39 =	vunpack.i.l.bf16.f32 v58  }
0x1b4: {  	v2 =	vld.idx.msk [tilespmem:v11+s2+$0x0], $0xffff;
	v6 =	vunpack.i.u.bf16.f32 v49;
	v49 =	vor.u32 v63, v29;
	v26 =	vcombine.low v34, v38  }
0x1b5: {  	v10 =	vunpack.i.l.bf16.f32 v3;
	v34 =	vcombine.low v45, v46;
	v32 =	vmul.f32 v5, v39;
	v51 =	vld.idx.msk [tilespmem:v59+s30+$0x0], $0xffff  }
0x1b6: {  	v8 =	vmul.f32 v6, v33;
	v21 =	vmul.f32 v10, v37;
	v48 =	vld.idx.msk [tilespmem:v59+s2+$0x0], $0xffff;
	v3 =	vor.u32 v26, v29  }
0x1b7: {  	v47 =	vadd.f32 v53, v47;
	v40 =	vunpack.i.u.bf16.f32 v60;
	v54 =	vadd.f32 v32, v54  }
0x1b8: {  	v5 =	vadd.f32 v8, v44;
	v8 =	vor.u32 v28, v29;
	v32 =	vcombine.low v42, v43  }
0x1b9: {  	[tilespmem:$0x1FB30] =	vst v55;
	v42 =	vunpack.i.l.bf16.f32 v60;
	v10 =	vunpack.i.u.bf16.f32 v2;
	v11 =	vunpack.i.l.bf16.f32 v2;
	v44 =	vld.idx.msk [tilespmem:v49+s30+$0x0], $0xffff  }
0x1ba: {  	v50 =	vadd.f32 v21, v50;
	v49 =	vld.idx.msk [tilespmem:v49+s2+$0x0], $0xffff;
	v55 =	vmul.f32 v11, v42;
	v2 =	vmul.f32 v10, v40  }
0x1bb: {  	v38 =	vunpack.i.l.bf16.f32 v51;
	v1 =	vunpack.i.l.bf16.f32 v48;
	v41 =	vunpack.i.u.bf16.f32 v51;
	v21 =	vld.idx.msk [tilespmem:v3+s30+$0x0], $0xffff  }
0x1bc: {  	v9 =	vunpack.i.u.bf16.f32 v48;
	v60 =	vld.idx.msk [tilespmem:v3+s2+$0x0], $0xffff;
	v6 =	vmul.f32 v1, v38;
	v1 =	vor.u32 v32, v29  }
0x1bd: {  	v47 =	vadd.f32 v55, v47;
	v50 =	vadd.f32 v2, v50;
	v51 =	vmul.f32 v9, v41;
	v52 =	vld.idx.msk [tilespmem:v8+s2+$0x0], $0xffff  }
0x1be: {  	v48 =	vadd.f32 v6, v5;
	v43 =	vunpack.i.l.bf16.f32 v44;
	v5 =	vld.idx.msk [tilespmem:v8+s30+$0x0], $0xffff;
	v6 =	vor.u32 v34, v29  }
0x1bf: {  	v3 =	vunpack.i.l.bf16.f32 v49;
	v44 =	vunpack.i.u.bf16.f32 v44;
	v8 =	vunpack.i.u.bf16.f32 v49  }
0x1c0: {  	v51 =	vadd.f32 v51, v54;
	v46 =	vmul.f32 v3, v43;
	v49 =	vmul.f32 v8, v44  }
0x1c1: {  	v9 =	vunpack.i.l.bf16.f32 v60;
	v29 =	vunpack.i.u.bf16.f32 v21;
	v11 =	vunpack.i.u.bf16.f32 v60;
	v10 =	vld.idx.msk [tilespmem:v1+s30+$0x0], $0xffff  }
0x1c2: {  	v55 =	vadd.f32 v46, v51;
	v46 =	vunpack.i.l.bf16.f32 v21;
	v57 =	vld.idx.msk [tilespmem:v1+s2+$0x0], $0xffff;
	v53 =	vmul.f32 v11, v29  }
0x1c3: {  	v1 =	vunpack.i.l.bf16.f32 v52;
	v21 =	vmul.f32 v9, v46;
	v45 =	vunpack.i.l.bf16.f32 v5;
	v2 =	vld.idx.msk [tilespmem:v6+s30+$0x0], $0xffff  }
0x1c4: {  	v48 =	vadd.f32 v49, v48;
	v54 =	vld.idx.msk [tilespmem:v6+s2+$0x0], $0xffff;
	v53 =	vadd.f32 v53, v47;
	v3 =	vmul.f32 v1, v45  }
0x1c5: {  	v49 =	vunpack.i.u.bf16.f32 v5;
	v5 =	vunpack.i.u.bf16.f32 v52;
	v56 =	vadd.f32 v21, v50  }
0x1c6: {  	v58 =	vmul.f32 v5, v49;
	v6 =	vadd.f32 v3, v48;
	v47 =	vunpack.i.u.bf16.f32 v10  }
0x1c7: {  	v50 =	vunpack.i.l.bf16.f32 v10;
	v8 =	vunpack.i.u.bf16.f32 v57;
	v9 =	vunpack.i.l.bf16.f32 v57  }
0x1c8: {  	v57 =	vmul.f32 v9, v50;
	v10 =	vmul.f32 v8, v47;
	v48 =	vunpack.i.u.bf16.f32 v2  }
0x1c9: {  	v51 =	vunpack.i.l.bf16.f32 v2;
	v11 =	vunpack.i.u.bf16.f32 v54;
	v54 =	vunpack.i.l.bf16.f32 v54  }
0x1ca: {  	v55 =	vadd.f32 v58, v55;
	v54 =	vmul.f32 v54, v51;
	v21 =	vmul.f32 v11, v48  }
0x1cb: {  	v53 =	vadd.f32 v57, v53;
	v56 =	vadd.f32 v10, v56  }
0x1cc: {  	v54 =	vadd.f32 v54, v55;
	v52 =	vadd.f32 v21, v6;
	_ =	sdelay $0x1  }
0x1cd: {  	v52 =	vadd.f32 v52, v56;
	v53 =	vadd.f32 v54, v53;
	_ =	sdelay $0x1  }
0x1ce: {  	v52 =	vadd.f32 v53, v52;
	_ =	sdelay $0x1  }
0x1cf: {  	v52 =	vmul.f32 $1.767766920e-01, v52;
	_ =	sdelay $0x1  }
0x1d0: {  	v52 =	vmul.f32 $1.442695020e+00, v52;
	_ =	sdelay $0x1  }
0x1d1: {  	(erf) = vpow2.f32 v52  }
0x1d2: {  	v5 =	vld [tilespmem:$0x1FCC0]  }
0x1d3: {  	v58 =	vlaneseq.u32;
	v9 =	vld [tilespmem:$0x1FCA0]  }
0x1d4: {  	v59 =	vor.u32 $0x30, v58;
	v57 =	vld [tilespmem:$0x1FCD0]  }
0x1d5: {  	v53 =	vadd.s32 v59, v31;
	v59 =	vld [tilespmem:$0x1FCB0]  }
0x1d6: {  	v16 =	vld [tilespmem:$0x1FCF0]  }
0x1d7: {  	v58 =	vld [tilespmem:$0x1FCE0]  }
0x1d8: {  	v10 =	vld [tilespmem:$0x1FD00];
	v52 =	vadd.s32 v17, v31  }
0x1d9: {  	v11 =	vld [tilespmem:$0x1FD10]  }
0x1da: {  	v55 =	vsel vm0, v57, v5;
	v54 =	vsel vm0, v59, v9;
	v17 =	vpop (erf)  }
0x1db: {  	v60 =	vcombine.low v55, v54;
	v27 =	vmul.f32 v17, v27  }
0x1dc: {  	v20 =	vadd.s32 v20, v31  }
0x1dd: {  	v23 =	vmul.f32 v17, v23;
	[tilespmem:v52+s23+$0x0] =	vst.idx.msk $0xffff, v27;
	v27 =	vadd.s32 v60, v31;
	v60 =	vld [tilespmem:$0x1FAE0]  }
0x1de: {  	v56 =	vsel vm0, v11, v10;
	v52 =	vsel vm0, v16, v58  }
0x1df: {  	v8 =	vld [tilespmem:$0x1FD50];
	[tilespmem:v53+s23+$0x0] =	vst.idx.msk $0xffff, v23;
	v53 =	vcombine.low v56, v52  }
0x1e0: {  	v6 =	vmul.f32 v17, v18;
	v2 =	vmul.f32 v17, v19;
	v19 =	vld [tilespmem:$0x1FD40]  }
0x1e1: {  	v3 =	vmul.f32 v17, v4;
	v4 =	vadd.s32 v53, v31;
	v53 =	vld [tilespmem:$0x1FD20]  }
0x1e2: {  	v18 =	vadd.s32 v0, v31;
	[tilespmem:v20+s23+$0x0] =	vst.idx.msk $0xffff, v6;
	v20 =	vadd.s32 v60, v31;
	v60 =	vld [tilespmem:$0x1FD30];
	_ =	sdelay $0x3  }
0x1e3: {  	v1 =	vld [tilespmem:$0x1FD80];
	v23 =	vsel vm0, v8, v19;
	[tilespmem:v27+s23+$0x0] =	vst.idx.msk $0xffff, v2  }
0x1e4: {  	v0 =	vld [tilespmem:$0x1FD70];
	[tilespmem:v18+s23+$0x0] =	vst.idx.msk $0xffff, v3;
	v3 =	vmul.f32 v17, v25;
	v21 =	vsel vm0, v60, v53  }
0x1e5: {  	v27 =	vld [tilespmem:$0x1FFF0];
	v6 =	vcombine.low v23, v21  }
0x1e6: {  	[tilespmem:v4+s23+$0x0] =	vst.idx.msk $0xffff, v3;
	v3 =	vld [tilespmem:$0x1FAF0]  }
0x1e7: {  	v2 =	vadd.s32 v6, v31;
	v6 =	vld [tilespmem:$0x1FD60];
	_ =	sdelay $0x3  }
0x1e8: {  	v12 =	vmul.f32 v17, v12  }
0x1e9: {  	v25 =	vsel vm0, v1, v0;
	v3 =	vadd.s32 v3, v31;
	v18 =	vsel vm0, v6, v27  }
0x1ea: {  	v57 =	vsel vm0, v9, v57;
	v7 =	vmul.f32 v17, v7;
	v4 =	vcombine.low v25, v18  }
0x1eb: {  	[tilespmem:v20+s23+$0x0] =	vst.idx.msk $0xffff, v12;
	v12 =	vsel vm0, v5, v59;
	v20 =	vadd.s32 v24, v31;
	v24 =	vld [tilespmem:$0x1FB00]  }
0x1ec: {  	v5 =	vmul.f32 v17, v22;
	v22 =	vcombine.low v57, v12;
	v4 =	vadd.s32 v4, v31  }
0x1ed: {  	[tilespmem:v2+s23+$0x0] =	vst.idx.msk $0xffff, v7  }
0x1ee: {  	[tilespmem:v3+s23+$0x0] =	vst.idx.msk $0xffff, v5;
	v3 =	vadd.s32 v22, v31  }
0x1ef: {  	v9 =	vsel vm0, v58, v11;
	v59 =	vmul.f32 v17, v61  }
0x1f0: {  	v11 =	vmul.f32 v17, v14;
	v61 =	vmul.f32 v17, v36;
	v36 =	vadd.s32 v24, v31  }
0x1f1: {  	v16 =	vsel vm0, v10, v16;
	v14 =	vsel vm0, v19, v60;
	v60 =	vld [tilespmem:$0x1FB10];
	[tilespmem:v4+s23+$0x0] =	vst.idx.msk $0xffff, v59  }
0x1f2: {  	v15 =	vmul.f32 v17, v15;
	v10 =	vcombine.low v9, v16;
	[tilespmem:v20+s23+$0x0] =	vst.idx.msk $0xffff, v61  }
0x1f3: {  	v13 =	vmul.f32 v17, v13;
	v33 =	vmul.f32 v17, v33;
	[tilespmem:v3+s23+$0x0] =	vst.idx.msk $0xffff, v11;
	v11 =	vld [tilespmem:$0x1FB20]  }
0x1f4: {  	v58 =	vmul.f32 v17, v37;
	v2 =	vadd.s32 v10, v31;
	v20 =	vsel vm0, v53, v8  }
0x1f5: {  	v37 =	vcombine.low v16, v9;
	v61 =	vcombine.low v20, v14;
	[tilespmem:v36+s23+$0x0] =	vst.idx.msk $0xffff, v15;
	v36 =	vld [tilespmem:$0x1FB30]  }
0x1f6: {  	v6 =	vsel vm0, v0, v6;
	v8 =	vsel vm0, v27, v1;
	v3 =	vadd.s32 v60, v31  }
0x1f7: {  	v10 =	vmul.f32 v17, v39;
	v22 =	vcombine.low v8, v6;
	v4 =	vadd.s32 v61, v31  }
0x1f8: {  	v27 =	vcombine.low v54, v55;
	v60 =	vmul.f32 v17, v35;
	v24 =	vadd.s32 v11, v31  }
0x1f9: {  	v35 =	vmul.f32 v17, v46;
	[tilespmem:v2+s23+$0x0] =	vst.idx.msk $0xffff, v13;
	v13 =	vadd.s32 v22, v31  }
0x1fa: {  	v15 =	vcombine.low v52, v56;
	v2 =	vadd.s32 v27, v31;
	v39 =	vadd.s32 v36, v31  }
0x1fb: {  	v61 =	vadd.s32 v62, v31;
	v62 =	vmul.f32 v17, v38;
	[tilespmem:v3+s23+$0x0] =	vst.idx.msk $0xffff, v10  }
0x1fc: {  	v22 =	vadd.s32 v63, v31;
	v27 =	vcombine.low v12, v57;
	[tilespmem:v4+s23+$0x0] =	vst.idx.msk $0xffff, v33  }
0x1fd: {  	v10 =	vadd.s32 v15, v31;
	v11 =	vcombine.low v21, v23;
	[tilespmem:v24+s23+$0x0] =	vst.idx.msk $0xffff, v58  }
0x1fe: {  	v21 =	vmul.f32 v17, v42;
	[tilespmem:v13+s23+$0x0] =	vst.idx.msk $0xffff, v60;
	v13 =	vmul.f32 v17, v41  }
0x1ff: {  	v3 =	vadd.s32 v11, v31;
	v24 =	vcombine.low v18, v25;
	[tilespmem:v39+s23+$0x0] =	vst.idx.msk $0xffff, v62  }
0x200: {  	v23 =	vmul.f32 v17, v40;
	v25 =	vadd.s32 v26, v31;
	[tilespmem:v2+s23+$0x0] =	vst.idx.msk $0xffff, v13  }
0x201: {  	v26 =	vmul.f32 v17, v43;
	v1 =	vadd.s32 v24, v31;
	[tilespmem:v61+s23+$0x0] =	vst.idx.msk $0xffff, v21  }
0x202: {  	v16 =	vld [tilespmem:$0x1FEB0];
	v36 =	vadd.s32 v28, v31;
	v33 =	vmul.f32 v17, v44;
	[tilespmem:v10+s23+$0x0] =	vst.idx.msk $0xffff, v23  }
0x203: {  	v59 =	vld [tilespmem:$0x1FF70];
	v38 =	vmul.f32 v17, v29;
	v6 =	vadd.s32 v27, v31;
	[tilespmem:v22+s23+$0x0] =	vst.idx.msk $0xffff, v26  }
0x204: {  	v55 =	vld [tilespmem:$0x1FF50];
	v40 =	vcombine.low v14, v20;
	v39 =	vadd.s32 v32, v31;
	[tilespmem:v3+s23+$0x0] =	vst.idx.msk $0xffff, v33  }
0x205: {  	v54 =	vld [tilespmem:$0x1FF40];
	v41 =	vmul.f32 v17, v45;
	v3 =	vadd.s32 v37, v31;
	[tilespmem:v25+s23+$0x0] =	vst.idx.msk $0xffff, v35  }
0x206: {  	v46 =	vld [tilespmem:$0x1FF20];
	v42 =	vmul.f32 v17, v49;
	v43 =	vadd.s32 v34, v31;
	[tilespmem:v1+s23+$0x0] =	vst.idx.msk $0xffff, v38  }
0x207: {  	v56 =	vld [tilespmem:$0x1FF60];
	v57 =	vmul.f32 v17, v50;
	v7 =	vadd.s32 v40, v31;
	[tilespmem:v36+s23+$0x0] =	vst.idx.msk $0xffff, v41  }
0x208: {  	v52 =	vld [tilespmem:$0x1FF30];
	v58 =	vmul.f32 v17, v47;
	v60 =	vadd.s32 $0x40, v31;
	[tilespmem:v6+s23+$0x0] =	vst.idx.msk $0xffff, v42  }
0x209: {  	p0 =	sne.s32 s11, $0x40;
	v50 =	vld [tilespmem:$0x1FF00];
	v62 =	vadd.s32 $0x41, v31;
	v61 =	vmul.f32 v17, v51;
	[tilespmem:v39+s23+$0x0] =	vst.idx.msk $0xffff, v57  }
.Ltmp5:
0x20a: {  	v63 =	vmul.f32 v17, v48;
	v48 =	vld [tilespmem:$0x1FEC0];
	[tilespmem:v3+s23+$0x0] =	vst.idx.msk $0xffff, v58;
	(pc) =	sbr.rel @p0 .LBB2_11-.Ltmp5, $4  }
0x20b: {  	v49 =	vld [tilespmem:$0x1FF10];
	[tilespmem:v43+s23+$0x0] =	vst.idx.msk $0xffff, v61  }
0x20c: {  	v47 =	vld [tilespmem:$0x1FED0];
	[tilespmem:v7+s23+$0x0] =	vst.idx.msk $0xffff, v63  }
0x20d: {  	v45 =	vld [tilespmem:$0x1FEE0];
	[tilespmem:v60+s23+$0x0] =	vst.idx.msk $0xffff, v30  }
0x20e: {  	s11 =	sadd.s32 $0x10, s11;
	v12 =	vlaneseq.u32;
	v51 =	vld [tilespmem:$0x1FEF0];
	[tilespmem:v62+s23+$0x0] =	vst.idx.msk $0xffff, v17  }
0x20f: {  	s9 =	sadd.s32 $0x1, s9  }
0x210: {  	p0 =	sne.s32 s9, $0xFA  }
.Ltmp6:
0x211: {  	_ = 	snop;
	(pc) =	sbr.rel @p0 .LBB2_6-.Ltmp6, $2  }
0x212: {  	_ =	sdelay $0x2  }
0x213: {  	s4 =	sadd.s32 $0x50, s4;
	v9 =	vimm.f32 $0.0e+00  }
0x214: {  	[spmem:s3] =	stream.indirect.scatter.add.f32 [tilespmem:s23], [sflag:$0x3], $0x50, s25, s24, $0xb8;
	[tilespmem:$0x17660] =	vst v63  }
0x215: {  	_ =	swait.ge [sflag:s26], $0x1900  }
0x216: {  	[sflag:s26] =	ssyncset.done $0x0  }
0x217: {  	[sflag:s26] =	ssyncadd.s32 $0xFFFFE700  }
0x218: {  	s4 =	stileid.u32;
	_ =	swait.ge [sflag:s26], $0x1900  }
0x219: {  	s9 =	sshrl.u32 s8, $0x3;
	s28 =	sadd.s32 $0x1, s28;
	[sflag:s26] =	ssyncset.done $0x0  }
0x21a: {  	s4 =	sshll.u32 s4, $0x6;
	p0 =	sne.s32 s28, s20;
	[sflag:s26] =	ssyncadd.s32 $0xFFFFE700  }
.Ltmp7:
0x21b: {  	s4 =	sor.u32 $0x1C04, s4;
	[bflag:$0x0] =	sbarrier.arrive $0xFFFF;
	(pc) =	sbr.rel @p0 .LBB2_1-.Ltmp7, $4  }
0x21c: {  	[hbm:s19], [sflag:s4] =	dma.local [spmem:s9], $0x186A  }
0x21d: {  	_ =	swait.ge [sflag:s22], $0x186A  }
0x21e: {  	[sflag:s22] =	ssyncset.done $0x0  }
0x21f: {  	[sflag:s22] =	ssyncadd.s32 $0xFFFFE796  }
0x220: {  	_ =	sfence.sel $0x180000  }
0x221: {  	[bflag:$0x0] =	sbarrier.arrive $0xFFFF  }
0x222: {  	_ =	strace $0x90000047  }
0x223: {  	s0 =	stileid.u32;
	[bflag:$0x2] =	sbarrier.arrive $0xFFFF  }
0x224: {  	p0 =	sne.s32 s0, $0x0;
	s0 =	rddreg [dreg:$0x3]  }
0x225: {  	s0 =	sadd.s32 @!p0 $0x100000, s0  }
0x226: {  	[sflag:s0] =	ssyncadd.tile.s32 @!p0 $0x1;
	_ =	shalt  }
.Lfunc_end2:
_tile_overlayer_lowered:
.L_overlay_start_2:
0x227: {  	(tag) =	ssettag $0x2  }
0x228: {  	s0 =	rddreg [dreg:$0x0];
	s2 =	stileid.u32  }
0x229: {  	s1 =	rddreg [dreg:$0x1];
	p0 =	sne.s32 s2, $0x0  }
0x22a: {  	s3 =	rddreg [dreg:$0x2];
	[bflag:$0x3] =	sbarrier.arrive $0xFFFF;
	s2 =	simm.s32 @!p0 $0x1C04  }
0x22b: {  	[timem:s3], [sflag:s2] =	dma.local @!p0 [hbm:s0], s1  }
0x22c: {  	s0 =	simm.s32 @!p0 $0x4  }
0x22d: {  	_ =	swait.ge @!p0 [sflag:s0], s1  }
0x22e: {  	s1 =	ssub.s32 @!p0 $0x0, s1;
	[sflag:s0] =	ssyncset.done @!p0 $0x0  }
0x22f: {  	[sflag:s0] =	ssyncadd.s32 @!p0 s1  }
0x230: {  	[bflag:$0x3] =	sbarrier.arrive $0xFFFF  }
0x231: {  	_ =	shalt  }

</sc_bundles>
